<compile_context>
chip_gen: v7x
topology: tpu7x:2x2x1
jax: 0.10.2.dev20260603
libtpu: 0.0.44.dev20260713+nightly
codegen_flags: <defaults>
</compile_context>

<pallas_src>
import dataclasses
import functools

import jax
import jax.numpy as jnp
from jax import lax
from jax.experimental import pallas as pl
from jax.experimental.pallas import tpu as pltpu
from jax.experimental.pallas import tpu_sc as plsc

VOCAB = 1000000
EDIM = 64
BATCH = 16384
NC = 2
NS = 16
L = 16
NW = NC * NS
BPW = BATCH // NW
NBLK = (VOCAB + 127) // 128
HITBUF = 32
DEPTH = 4
NBINS = 272
DUMP = BATCH
SCRATCH_ROWS = BATCH + HITBUF
SCAN_CH = 2048
CH2 = 128


def _cp():
    cp = pltpu.CompilerParams(use_tc_tiling_on_sc=True,
                              disable_bounds_checks=True)
    if "needs_layout_passes" in pltpu.CompilerParams.__dataclass_fields__:
        cp = dataclasses.replace(cp, needs_layout_passes=False)
    return cp


def _sweep_extract(word_u, word_v, ieT, oeT):
    mesh = plsc.VectorSubcoreMesh(core_axis_name="c", subcore_axis_name="s")

    @functools.partial(
        pl.kernel,
        mesh=mesh,
        compiler_params=_cp(),
        out_type=[jax.ShapeDtypeStruct((SCRATCH_ROWS, 128), jnp.float32),
                  jax.ShapeDtypeStruct((SCRATCH_ROWS, 128), jnp.float32)],
        scratch_types=[
            pltpu.VMEM((2, SCAN_CH), jnp.int32),
            pltpu.VMEM((BATCH + L,), jnp.int32),
            pltpu.VMEM((BATCH + L,), jnp.int32),
            pltpu.VMEM((BATCH + L,), jnp.int32),
            pltpu.VMEM((NBINS + L,), jnp.int32),
            pltpu.VMEM((NBINS + L,), jnp.int32),
            pltpu.VMEM((NBINS + L,), jnp.int32),
            pltpu.VMEM((NBINS + L,), jnp.int32),
            pltpu.VMEM((DEPTH, EDIM, 128), jnp.float32),
            pltpu.VMEM((DEPTH, EDIM, 128), jnp.float32),
            pltpu.VMEM((2 * L,), jnp.int32),
            pltpu.VMEM((HITBUF, 128), jnp.float32),
            pltpu.VMEM((HITBUF, 128), jnp.float32),
            pltpu.VMEM((HITBUF,), jnp.int32),
            pltpu.VMEM((HITBUF,), jnp.int32),
            pltpu.SemaphoreType.DMA,
            pltpu.SemaphoreType.DMA,
            pltpu.SemaphoreType.DMA,
        ],
    )
    def k1(u_hbm, v_hbm, ie_hbm, oe_hbm, ucols_hbm, vcols_hbm,
           chunkbuf, tmplist, ulsort, vlsort, off_u, off_v, cur, blist,
           uslab, vslab, ctr,
           colbuf_u, colbuf_v, eids_u, eids_v, sem_i, sem_su, sem_sv):
        wid = lax.axis_index("s") * NC + lax.axis_index("c")
        lo_blk = (wid * NBLK) // NW
        hi_blk = ((wid + 1) * NBLK) // NW
        n_blk = hi_blk - lo_blk
        lov = lo_blk * 128
        hiv = hi_blk * 128

        iota = jnp.arange(L, dtype=jnp.int32)
        lane0 = iota == 0

        def start_slabs(i):
            par = i % DEPTH
            b_rel = blist[pl.ds(i, L)][0]
            off = pl.multiple_of((lo_blk + b_rel) * 128, 128)
            cu = pltpu.async_copy(ie_hbm.at[:, pl.ds(off, 128)],
                                  uslab.at[par], sem_su)
            cv = pltpu.async_copy(oe_hbm.at[:, pl.ds(off, 128)],
                                  vslab.at[par], sem_sv)
            del cu, cv

        def wait_slabs():
            pltpu.make_async_copy(ie_hbm.at[:, pl.ds(0, 128)],
                                  uslab.at[0], sem_su).wait()
            pltpu.make_async_copy(oe_hbm.at[:, pl.ds(0, 128)],
                                  vslab.at[0], sem_sv).wait()

        NCHUNK = BATCH // SCAN_CH

        def scan_table(src_hbm, lst, idbase):
            def start_chunk(ci):
                pltpu.async_copy(src_hbm.at[pl.ds(ci * SCAN_CH, SCAN_CH)],
                                 chunkbuf.at[ci & 1], sem_i)

            start_chunk(0)

            def chunk_body(ci, ptr):
                pltpu.make_async_copy(src_hbm.at[pl.ds(0, SCAN_CH)],
                                      chunkbuf.at[0], sem_i).wait()

                @pl.when(ci + 1 < NCHUNK)
                def _():
                    start_chunk(ci + 1)

                def win_body(p, ptr):
                    vals = chunkbuf[ci & 1, pl.ds(p * L, L)]
                    m = (vals >= lov) & (vals < hiv)
                    packed = (((vals - lov) << 14)
                              | (iota + (idbase + ci * SCAN_CH + p * L)))
                    plsc.store_compressed(lst.at[pl.ds(ptr, L)], packed,
                                          mask=m)
                    return ptr + plsc.all_reduce_population_count(m)[0]

                return lax.fori_loop(0, SCAN_CH // L, win_body, ptr)

            return lax.fori_loop(0, NCHUNK, chunk_body, jnp.int32(0))

        len_u = scan_table(u_hbm, tmplist, 0)

        zero16 = jnp.zeros((L,), jnp.int32)

        def sort_by_block(lst, lsort, off, length):
            @pl.loop(0, NBINS + L, step=L)
            def _(j):
                cur[pl.ds(j, L)] = zero16

            def hist_body(h, _):
                e = lst[pl.ds(h, L)][0]
                blk = e >> 21
                c = cur[pl.ds(blk, L)][0]
                plsc.store_compressed(cur.at[pl.ds(blk, L)],
                                      jnp.full((L,), c + 1, jnp.int32),
                                      mask=lane0)
                return 0

            lax.fori_loop(0, length, hist_body, 0)

            def pfx_body(j, run):
                cw = cur[pl.ds(j * L, L)]
                cs = plsc.cumsum(cw)
                excl = (cs - cw) + run
                off[pl.ds(j * L, L)] = excl
                cur[pl.ds(j * L, L)] = excl
                return run + cs[L - 1]

            lax.fori_loop(0, NBINS // L, pfx_body, jnp.int32(0))
            off[pl.ds(NBINS, L)] = jnp.full((L,), length, jnp.int32)

            def place_body(h, _):
                e = lst[pl.ds(h, L)][0]
                blk = e >> 21
                pos = cur[pl.ds(blk, L)][0]
                plsc.store_compressed(lsort.at[pl.ds(pos, L)],
                                      jnp.full((L,), e, jnp.int32),
                                      mask=lane0)
                plsc.store_compressed(cur.at[pl.ds(blk, L)],
                                      jnp.full((L,), pos + 1, jnp.int32),
                                      mask=lane0)
                return 0

            lax.fori_loop(0, length, place_body, 0)

        sort_by_block(tmplist, ulsort, off_u, len_u)
        len_v = scan_table(v_hbm, tmplist, 0)
        sort_by_block(tmplist, vlsort, off_v, len_v)

        def occ_body(j, cnt):
            b16 = iota + j * L
            du = off_u[pl.ds(j * L + 1, L)] - off_u[pl.ds(j * L, L)]
            dv = off_v[pl.ds(j * L + 1, L)] - off_v[pl.ds(j * L, L)]
            m = ((du > 0) | (dv > 0)) & (b16 < n_blk)
            plsc.store_compressed(blist.at[pl.ds(cnt, L)], b16, mask=m)
            return cnt + plsc.all_reduce_population_count(m)[0]

        nocc = lax.fori_loop(0, NBINS // L, occ_body, jnp.int32(0))

        @pl.loop(0, DEPTH)
        def _(d):
            @pl.when(d < nocc)
            def _():
                start_slabs(d)

        @pl.loop(0, HITBUF, step=L)
        def _(j):
            eids_u[pl.ds(j, L)] = iota + (DUMP + j)
            eids_v[pl.ds(j, L)] = iota + (DUMP + j)

        ctr[pl.ds(0, L)] = jnp.zeros((L,), jnp.int32)
        ctr[pl.ds(L, L)] = jnp.zeros((L,), jnp.int32)

        def extract_table(b_rel, par, lsort, off, slab, colbuf, eids,
                          cols_hbm, ctr_off):
            bounds = off[pl.ds(b_rel, L)]
            run_lo = bounds[0]
            run_hi = bounds[1]

            def hit_body(h, _):
                e = lsort[pl.ds(h, L)][0]
                c16 = jnp.full((L,), (e >> 14) & 127, jnp.int32)
                eid = e & 16383
                nf = ctr[pl.ds(ctr_off, L)][0]
                for kk in range(EDIM // L):
                    seg = plsc.load_gather(
                        slab.at[par], [iota + kk * L, c16])
                    colbuf[nf, pl.ds(kk * L, L)] = seg
                plsc.store_compressed(
                    eids.at[pl.ds(nf, L)],
                    jnp.full((L,), eid, jnp.int32), mask=lane0)
                nf1 = nf + 1

                @pl.when(nf1 == HITBUF)
                def _():
                    pltpu.sync_copy(colbuf, cols_hbm.at[eids])

                    @pl.loop(0, HITBUF, step=L)
                    def _(j):
                        eids[pl.ds(j, L)] = iota + (DUMP + j)

                    plsc.store_compressed(
                        ctr.at[pl.ds(ctr_off, L)],
                        jnp.zeros((L,), jnp.int32), mask=lane0)

                @pl.when(nf1 < HITBUF)
                def _():
                    plsc.store_compressed(
                        ctr.at[pl.ds(ctr_off, L)],
                        jnp.full((L,), nf1, jnp.int32), mask=lane0)

                return 0

            lax.fori_loop(run_lo, run_hi, hit_body, 0)

        def sweep_body(i, _):
            par = i % DEPTH
            b_rel = blist[pl.ds(i, L)][0]
            wait_slabs()
            extract_table(b_rel, par, ulsort, off_u, uslab, colbuf_u, eids_u,
                          ucols_hbm, 0)
            extract_table(b_rel, par, vlsort, off_v, vslab, colbuf_v, eids_v,
                          vcols_hbm, L)

            @pl.when(i + DEPTH < nocc)
            def _():
                start_slabs(i + DEPTH)

            return 0

        lax.fori_loop(0, nocc, sweep_body, 0)

        pltpu.sync_copy(colbuf_u, ucols_hbm.at[eids_u])
        pltpu.sync_copy(colbuf_v, vcols_hbm.at[eids_v])

    return k1(word_u, word_v, ieT, oeT)


def _dot_bias(word_u, word_v, ucols, vcols, ib128, ob128):
    mesh = plsc.VectorSubcoreMesh(core_axis_name="c", subcore_axis_name="s")

    @functools.partial(
        pl.kernel,
        mesh=mesh,
        compiler_params=_cp(),
        out_type=jax.ShapeDtypeStruct((BATCH,), jnp.float32),
        scratch_types=[
            pltpu.VMEM((BPW,), jnp.int32),
            pltpu.VMEM((BPW,), jnp.int32),
            pltpu.VMEM((CH2,), jnp.int32),
            pltpu.VMEM((CH2,), jnp.int32),
            pltpu.VMEM((CH2, 128), jnp.float32),
            pltpu.VMEM((CH2, 128), jnp.float32),
            pltpu.VMEM((CH2, 128), jnp.float32),
            pltpu.VMEM((CH2, 128), jnp.float32),
            pltpu.VMEM((CH2 + L,), jnp.float32),
            pltpu.VMEM((BPW,), jnp.float32),
            pltpu.SemaphoreType.DMA,
            pltpu.SemaphoreType.DMA,
            pltpu.SemaphoreType.DMA,
            pltpu.SemaphoreType.DMA,
        ],
    )
    def k2(u_hbm, v_hbm, uc_hbm, vc_hbm, ib_hbm, ob_hbm, out_hbm,
           idxs_u, idxs_v, bu, bv, uchunk, vchunk, btmp_u, btmp_v,
           acc, out_v, sem_u, sem_v, sem_ub, sem_vb):
        wid = lax.axis_index("s") * NC + lax.axis_index("c")
        base = wid * BPW
        pltpu.sync_copy(u_hbm.at[pl.ds(base, BPW)], idxs_u)
        pltpu.sync_copy(v_hbm.at[pl.ds(base, BPW)], idxs_v)

        iota = jnp.arange(L, dtype=jnp.int32)
        last_lane = iota == (L - 1)

        @pl.loop(0, BPW // CH2)
        def _(c):
            cb = c * CH2

            @pl.loop(0, CH2, step=L)
            def _(g):
                s = pl.ds(g, L)
                bu[s] = idxs_u[pl.ds(cb + g, L)] >> 7
                bv[s] = idxs_v[pl.ds(cb + g, L)] >> 7

            row0 = pl.multiple_of(base + cb, 8)
            cu = pltpu.async_copy(uc_hbm.at[pl.ds(row0, CH2)], uchunk, sem_u)
            cv = pltpu.async_copy(vc_hbm.at[pl.ds(row0, CH2)], vchunk, sem_v)
            cub = pltpu.async_copy(ib_hbm.at[bu], btmp_u, sem_ub)
            cvb = pltpu.async_copy(ob_hbm.at[bv], btmp_v, sem_vb)
            cu.wait()
            cv.wait()

            @pl.loop(0, CH2)
            def _(r):
                a0 = uchunk[r, pl.ds(0, L)] * vchunk[r, pl.ds(0, L)]
                a1 = uchunk[r, pl.ds(L, L)] * vchunk[r, pl.ds(L, L)]
                a2 = uchunk[r, pl.ds(2 * L, L)] * vchunk[r, pl.ds(2 * L, L)]
                a3 = uchunk[r, pl.ds(3 * L, L)] * vchunk[r, pl.ds(3 * L, L)]
                sm = plsc.cumsum((a0 + a1) + (a2 + a3))
                plsc.store_compressed(acc.at[pl.ds(r, L)], sm, mask=last_lane)

            cub.wait()
            cvb.wait()

            @pl.loop(0, CH2, step=L)
            def _(g):
                s = pl.ds(g, L)
                rloc = iota + g
                gub = plsc.load_gather(btmp_u,
                                       [rloc, idxs_u[pl.ds(cb + g, L)] & 127])
                gvb = plsc.load_gather(btmp_v,
                                       [rloc, idxs_v[pl.ds(cb + g, L)] & 127])
                out_v[pl.ds(cb + g, L)] = acc[pl.ds(g, L)] + gub + gvb

        pltpu.sync_copy(out_v, out_hbm.at[pl.ds(base, BPW)])

    return k2(word_u, word_v, ucols, vcols, ib128, ob128)


def kernel(word_u, word_v, in_embed, in_bias, out_embed, out_bias):
    word_u = word_u.astype(jnp.int32)
    word_v = word_v.astype(jnp.int32)
    pad = NBLK * 128 - VOCAB
    ib128 = jnp.pad(in_bias.reshape(VOCAB), (0, pad)).reshape(NBLK, 128)
    ob128 = jnp.pad(out_bias.reshape(VOCAB), (0, pad)).reshape(NBLK, 128)
    ucols, vcols = _sweep_extract(word_u, word_v, in_embed.T, out_embed.T)
    return _dot_bias(word_u, word_v, ucols, vcols, ib128, ob128)

# --- scband reference (transcript-rebuilt; emitter-appended) ---
"""Pipeline reference for scband-glo-ve-50483045597976 (READ-ONLY COPY).

The authoritative reference and input builder live on the scoring server;
editing this copy changes nothing except your own understanding.
"""

import jax, jax.numpy as jnp
import numpy as np

VOCAB = 1000000
EDIM = 64
BATCH = 16384

def setup_inputs(seed: int = 0) -> dict:
    key = jax.random.key(seed)
    k1, k2, k3, k4, k5, k6 = jax.random.split(key, 6)
    word_u = jax.random.randint(k1, (BATCH,), 0, VOCAB, dtype=jnp.int64) if jax.config.jax_enable_x64 else jax.random.randint(k1, (BATCH,), 0, VOCAB).astype(jnp.int32)
    word_v = jax.random.randint(k2, (BATCH,), 0, VOCAB).astype(word_u.dtype)
    # xavier_normal for Embedding(V, D): std = sqrt(2/(V+D))
    std_e = float(np.sqrt(2.0 / (VOCAB + EDIM)))
    std_b = float(np.sqrt(2.0 / (VOCAB + 1)))
    in_embed = jax.random.normal(k3, (VOCAB, EDIM), dtype=jnp.float32) * std_e
    in_bias = jax.random.normal(k4, (VOCAB, 1), dtype=jnp.float32) * std_b
    out_embed = jax.random.normal(k5, (VOCAB, EDIM), dtype=jnp.float32) * std_e
    out_bias = jax.random.normal(k6, (VOCAB, 1), dtype=jnp.float32) * std_b
    return {"word_u": word_u, "word_v": word_v, "in_embed": in_embed, "in_bias": in_bias, "out_embed": out_embed, "out_bias": out_bias}

def reference(word_u, word_v, in_embed, in_bias, out_embed, out_bias):
    # embedding lookups (gather)
    word_u_embed = jnp.take(in_embed, word_u, axis=0)   # [B, D]
    word_u_bias = jnp.take(in_bias, word_u, axis=0)     # [B, 1]
    word_v_embed = jnp.take(out_embed, word_v, axis=0)  # [B, D]
    word_v_bias = jnp.take(out_bias, word_v, axis=0)    # [B, 1]
    # old-torch sum(1) kept dims -> [B,1]; then squeeze(1) -> [B]
    out = ((word_u_embed * word_v_embed).sum(axis=1, keepdims=True) + word_u_bias + word_v_bias)
    return jnp.squeeze(out, axis=1)

if __name__ == "__main__":
    import jax
    _d = setup_inputs()
    print(jax.jit(kernel)(*tuple(_d.values())))

</pallas_src>

<mosaic_0001>
#map = affine_map<(d0, d1) -> (0)>
#map1 = affine_map<(d0, d1) -> (0, 0)>
module attributes {stable_mosaic.version = 14 : i64} {
  func.func @k2(%arg0: i32, %arg1: i32, %arg2: memref<16384xi32, #tpu.memory_space<hbm>>, %arg3: memref<16384xi32, #tpu.memory_space<hbm>>, %arg4: memref<16416x128xf32, #tpu.memory_space<hbm>>, %arg5: memref<16416x128xf32, #tpu.memory_space<hbm>>, %arg6: memref<7813x128xf32, #tpu.memory_space<hbm>>, %arg7: memref<7813x128xf32, #tpu.memory_space<hbm>>, %arg8: memref<16384xf32, #tpu.memory_space<hbm>>, %arg9: memref<512xi32, #tpu.memory_space<vmem>>, %arg10: memref<512xi32, #tpu.memory_space<vmem>>, %arg11: memref<128xi32, #tpu.memory_space<vmem>>, %arg12: memref<128xi32, #tpu.memory_space<vmem>>, %arg13: memref<128x128xf32, #tpu.memory_space<vmem>>, %arg14: memref<128x128xf32, #tpu.memory_space<vmem>>, %arg15: memref<128x128xf32, #tpu.memory_space<vmem>>, %arg16: memref<128x128xf32, #tpu.memory_space<vmem>>, %arg17: memref<144xf32, #tpu.memory_space<vmem>>, %arg18: memref<512xf32, #tpu.memory_space<vmem>>, %arg19: memref<!tpu.dma_semaphore, #tpu.memory_space<semaphore_mem>>, %arg20: memref<!tpu.dma_semaphore, #tpu.memory_space<semaphore_mem>>, %arg21: memref<!tpu.dma_semaphore, #tpu.memory_space<semaphore_mem>>, %arg22: memref<!tpu.dma_semaphore, #tpu.memory_space<semaphore_mem>>) attributes {dimension_semantics = [#tpu.dimension_semantics<core_parallel>, #tpu.dimension_semantics<subcore_parallel>], iteration_bounds = array<i64: 2, 16>, scalar_prefetch = 0 : i64, scratch_operands = 14 : i64, tpu.core_type = #tpu.core_type<sc_vector_subcore>, window_params = [{transform_indices = #map}, {transform_indices = #map}, {transform_indices = #map1}, {transform_indices = #map1}, {transform_indices = #map1}, {transform_indices = #map1}, {transform_indices = #map}]} {
    %mul3A = arith.constant 2 : i32
    %mul3A_0 = arith.muli %arg1, %mul3A : i32
    %add3A = arith.addi %mul3A_0, %arg0 : i32
    %mul3A_1 = arith.constant 512 : i32
    %mul3A_2 = arith.muli %add3A, %mul3A_1 : i32
    "tpu.region"() ({
      %run_scoped3A = tpu.sem_alloc : memref<!tpu.dma_semaphore, #tpu.memory_space<semaphore_mem>>
      %dma_start3A = tpu.memref_slice %arg2[%mul3A_2] : memref<16384xi32, #tpu.memory_space<hbm>> -> memref<512xi32, #tpu.memory_space<hbm>>
      %dma_start3A_9 = tpu.memref_slice %arg2[%mul3A_2] : memref<16384xi32, #tpu.memory_space<hbm>> -> memref<512xi32, #tpu.memory_space<hbm>>
      tpu.enqueue_dma source(%dma_start3A_9 : memref<512xi32, #tpu.memory_space<hbm>>) target(%arg9 : memref<512xi32, #tpu.memory_space<vmem>>) target_semaphore(%run_scoped3A : memref<!tpu.dma_semaphore, #tpu.memory_space<semaphore_mem>>)
      %dma_wait3A = tpu.memref_slice %arg2[%mul3A_2] : memref<16384xi32, #tpu.memory_space<hbm>> -> memref<512xi32, #tpu.memory_space<hbm>>
      %dma_wait3A_10 = tpu.memref_slice %arg2[%mul3A_2] : memref<16384xi32, #tpu.memory_space<hbm>> -> memref<512xi32, #tpu.memory_space<hbm>>
      tpu.wait_dma2 semaphore(%run_scoped3A : memref<!tpu.dma_semaphore, #tpu.memory_space<semaphore_mem>>) src(%dma_wait3A_10 : memref<512xi32, #tpu.memory_space<hbm>>) dst(%arg9 : memref<512xi32, #tpu.memory_space<vmem>>)
      tpu.yield
    }) : () -> ()
    "tpu.region"() ({
      %run_scoped3A = tpu.sem_alloc : memref<!tpu.dma_semaphore, #tpu.memory_space<semaphore_mem>>
      %dma_start3A = tpu.memref_slice %arg3[%mul3A_2] : memref<16384xi32, #tpu.memory_space<hbm>> -> memref<512xi32, #tpu.memory_space<hbm>>
      %dma_start3A_9 = tpu.memref_slice %arg3[%mul3A_2] : memref<16384xi32, #tpu.memory_space<hbm>> -> memref<512xi32, #tpu.memory_space<hbm>>
      tpu.enqueue_dma source(%dma_start3A_9 : memref<512xi32, #tpu.memory_space<hbm>>) target(%arg10 : memref<512xi32, #tpu.memory_space<vmem>>) target_semaphore(%run_scoped3A : memref<!tpu.dma_semaphore, #tpu.memory_space<semaphore_mem>>)
      %dma_wait3A = tpu.memref_slice %arg3[%mul3A_2] : memref<16384xi32, #tpu.memory_space<hbm>> -> memref<512xi32, #tpu.memory_space<hbm>>
      %dma_wait3A_10 = tpu.memref_slice %arg3[%mul3A_2] : memref<16384xi32, #tpu.memory_space<hbm>> -> memref<512xi32, #tpu.memory_space<hbm>>
      tpu.wait_dma2 semaphore(%run_scoped3A : memref<!tpu.dma_semaphore, #tpu.memory_space<semaphore_mem>>) src(%dma_wait3A_10 : memref<512xi32, #tpu.memory_space<hbm>>) dst(%arg10 : memref<512xi32, #tpu.memory_space<vmem>>)
      tpu.yield
    }) : () -> ()
    %iota3A = tpu.iota {dimensions = array<i32: 0>} : vector<16xi32>
    %eq3A = arith.constant 15 : i32
    %eq3A_3 = vector.broadcast %eq3A : i32 to vector<16xi32>
    %eq3A_4 = arith.cmpi eq, %iota3A, %eq3A_3 : vector<16xi32>
    %scan3A = arith.constant 0 : i32
    %scan3A_5 = arith.constant 4 : i32
    %scan3A_6 = arith.addi %scan3A, %scan3A_5 : i32
    %scan3A_7 = arith.constant 1 : i32
    scf.for %scan3A_9 = %scan3A to %scan3A_6 step %scan3A_7  : i32 {
      %mul3A_10 = arith.constant 1 : i32
      %mul3A_11 = arith.muli %scan3A_9, %mul3A_10 : i32
      %add3A_12 = arith.constant 0 : i32
      %add3A_13 = arith.addi %add3A_12, %mul3A_11 : i32
      %mul3A_14 = arith.constant 128 : i32
      %mul3A_15 = arith.muli %add3A_13, %mul3A_14 : i32
      %scan3A_16 = arith.constant 0 : i32
      %scan3A_17 = arith.constant 8 : i32
      %scan3A_18 = arith.addi %scan3A_16, %scan3A_17 : i32
      %scan3A_19 = arith.constant 1 : i32
      scf.for %scan3A_58 = %scan3A_16 to %scan3A_18 step %scan3A_19  : i32 {
        %mul3A_59 = arith.constant 16 : i32
        %mul3A_60 = arith.muli %scan3A_58, %mul3A_59 : i32
        %add3A_61 = arith.constant 0 : i32
        %add3A_62 = arith.addi %add3A_61, %mul3A_60 : i32
        %add3A_63 = arith.addi %mul3A_15, %add3A_62 : i32
        %get3A = arith.index_cast %add3A_63 : i32 to index
        %get3A_64 = tpu.vector_load %arg9[%get3A] {strides = array<i32>} : memref<512xi32, #tpu.memory_space<vmem>>, vector<16xi32>,
        %shift_right_arithmetic3A = arith.constant 7 : i32
        %shift_right_arithmetic3A_65 = vector.broadcast %shift_right_arithmetic3A : i32 to vector<16xi32>
        %shift_right_arithmetic3A_66 = arith.shrsi %get3A_64, %shift_right_arithmetic3A_65 : vector<16xi32>
        %swap3A = arith.index_cast %add3A_62 : i32 to index
        %swap3A_67 = tpu.vector_load %arg11[%swap3A] {strides = array<i32>} : memref<128xi32, #tpu.memory_space<vmem>>, vector<16xi32>,
        tpu.vector_store %arg11[%swap3A], %shift_right_arithmetic3A_66 {strides = array<i32>} : memref<128xi32, #tpu.memory_space<vmem>>, vector<16xi32>,
        %add3A_68 = arith.addi %mul3A_15, %add3A_62 : i32
        %get3A_69 = arith.index_cast %add3A_68 : i32 to index
        %get3A_70 = tpu.vector_load %arg10[%get3A_69] {strides = array<i32>} : memref<512xi32, #tpu.memory_space<vmem>>, vector<16xi32>,
        %shift_right_arithmetic3A_71 = arith.constant 7 : i32
        %shift_right_arithmetic3A_72 = vector.broadcast %shift_right_arithmetic3A_71 : i32 to vector<16xi32>
        %shift_right_arithmetic3A_73 = arith.shrsi %get3A_70, %shift_right_arithmetic3A_72 : vector<16xi32>
        %swap3A_74 = arith.index_cast %add3A_62 : i32 to index
        %swap3A_75 = tpu.vector_load %arg12[%swap3A_74] {strides = array<i32>} : memref<128xi32, #tpu.memory_space<vmem>>, vector<16xi32>,
        tpu.vector_store %arg12[%swap3A_74], %shift_right_arithmetic3A_73 {strides = array<i32>} : memref<128xi32, #tpu.memory_space<vmem>>, vector<16xi32>,
      }
      %scan3A_20 = arith.constant 8 : i32
      %add3A_21 = arith.addi %mul3A_2, %mul3A_15 : i32
      %multiple_of3A = tpu.assume_multiple %add3A_21, 8 : i32
      %dma_start3A = arith.constant 0 : i32
      %dma_start3A_22 = tpu.memref_slice %arg4[%multiple_of3A, %dma_start3A] : memref<16416x128xf32, #tpu.memory_space<hbm>> -> memref<128x128xf32, #tpu.memory_space<hbm>>
      %dma_start3A_23 = arith.constant 0 : i32
      %dma_start3A_24 = tpu.memref_slice %arg4[%multiple_of3A, %dma_start3A_23] : memref<16416x128xf32, #tpu.memory_space<hbm>> -> memref<128x128xf32, #tpu.memory_space<hbm>>
      tpu.enqueue_dma source(%dma_start3A_24 : memref<128x128xf32, #tpu.memory_space<hbm>>) target(%arg13 : memref<128x128xf32, #tpu.memory_space<vmem>>) target_semaphore(%arg19 : memref<!tpu.dma_semaphore, #tpu.memory_space<semaphore_mem>>)
      %dma_start3A_25 = arith.constant 0 : i32
      %dma_start3A_26 = tpu.memref_slice %arg5[%multiple_of3A, %dma_start3A_25] : memref<16416x128xf32, #tpu.memory_space<hbm>> -> memref<128x128xf32, #tpu.memory_space<hbm>>
      %dma_start3A_27 = arith.constant 0 : i32
      %dma_start3A_28 = tpu.memref_slice %arg5[%multiple_of3A, %dma_start3A_27] : memref<16416x128xf32, #tpu.memory_space<hbm>> -> memref<128x128xf32, #tpu.memory_space<hbm>>
      tpu.enqueue_dma source(%dma_start3A_28 : memref<128x128xf32, #tpu.memory_space<hbm>>) target(%arg14 : memref<128x128xf32, #tpu.memory_space<vmem>>) target_semaphore(%arg20 : memref<!tpu.dma_semaphore, #tpu.memory_space<semaphore_mem>>)
      %dma_start3A_29 = arith.constant 0 : i32
      %dma_start3A_30 = arith.constant 0 : i32
      %dma_start3A_31 = tpu.memref_slice %arg6[%dma_start3A_29, %dma_start3A_30] : memref<7813x128xf32, #tpu.memory_space<hbm>> -> memref<7813x128xf32, #tpu.memory_space<hbm>>
      tpu.enqueue_indirect_dma source(%dma_start3A_31 : memref<7813x128xf32, #tpu.memory_space<hbm>>) target(%arg15 : memref<128x128xf32, #tpu.memory_space<vmem>>) offsets(%arg11 : memref<128xi32, #tpu.memory_space<vmem>>) semaphore(%arg21 : memref<!tpu.dma_semaphore, #tpu.memory_space<semaphore_mem>>)
      %dma_start3A_32 = arith.constant 0 : i32
      %dma_start3A_33 = arith.constant 0 : i32
      %dma_start3A_34 = tpu.memref_slice %arg7[%dma_start3A_32, %dma_start3A_33] : memref<7813x128xf32, #tpu.memory_space<hbm>> -> memref<7813x128xf32, #tpu.memory_space<hbm>>
      tpu.enqueue_indirect_dma source(%dma_start3A_34 : memref<7813x128xf32, #tpu.memory_space<hbm>>) target(%arg16 : memref<128x128xf32, #tpu.memory_space<vmem>>) offsets(%arg12 : memref<128xi32, #tpu.memory_space<vmem>>) semaphore(%arg22 : memref<!tpu.dma_semaphore, #tpu.memory_space<semaphore_mem>>)
      %dma_wait3A = arith.constant 0 : i32
      %dma_wait3A_35 = tpu.memref_slice %arg4[%multiple_of3A, %dma_wait3A] : memref<16416x128xf32, #tpu.memory_space<hbm>> -> memref<128x128xf32, #tpu.memory_space<hbm>>
      %dma_wait3A_36 = arith.constant 0 : i32
      %dma_wait3A_37 = tpu.memref_slice %arg4[%multiple_of3A, %dma_wait3A_36] : memref<16416x128xf32, #tpu.memory_space<hbm>> -> memref<128x128xf32, #tpu.memory_space<hbm>>
      tpu.wait_dma2 semaphore(%arg19 : memref<!tpu.dma_semaphore, #tpu.memory_space<semaphore_mem>>) src(%dma_wait3A_37 : memref<128x128xf32, #tpu.memory_space<hbm>>) dst(%arg13 : memref<128x128xf32, #tpu.memory_space<vmem>>)
      %dma_wait3A_38 = arith.constant 0 : i32
      %dma_wait3A_39 = tpu.memref_slice %arg5[%multiple_of3A, %dma_wait3A_38] : memref<16416x128xf32, #tpu.memory_space<hbm>> -> memref<128x128xf32, #tpu.memory_space<hbm>>
      %dma_wait3A_40 = arith.constant 0 : i32
      %dma_wait3A_41 = tpu.memref_slice %arg5[%multiple_of3A, %dma_wait3A_40] : memref<16416x128xf32, #tpu.memory_space<hbm>> -> memref<128x128xf32, #tpu.memory_space<hbm>>
      tpu.wait_dma2 semaphore(%arg20 : memref<!tpu.dma_semaphore, #tpu.memory_space<semaphore_mem>>) src(%dma_wait3A_41 : memref<128x128xf32, #tpu.memory_space<hbm>>) dst(%arg14 : memref<128x128xf32, #tpu.memory_space<vmem>>)
      %scan3A_42 = arith.constant 0 : i32
      %scan3A_43 = arith.constant 128 : i32
      %scan3A_44 = arith.addi %scan3A_42, %scan3A_43 : i32
      %scan3A_45 = arith.constant 1 : i32
      scf.for %scan3A_58 = %scan3A_42 to %scan3A_44 step %scan3A_45  : i32 {
        %mul3A_59 = arith.constant 1 : i32
        %mul3A_60 = arith.muli %scan3A_58, %mul3A_59 : i32
        %add3A_61 = arith.constant 0 : i32
        %add3A_62 = arith.addi %add3A_61, %mul3A_60 : i32
        %get3A = arith.index_cast %add3A_62 : i32 to index
        %get3A_63 = arith.constant 0 : index
        %get3A_64 = tpu.vector_load %arg13[%get3A, %get3A_63] {strides = array<i32>} : memref<128x128xf32, #tpu.memory_space<vmem>>, vector<16xf32>,
        %get3A_65 = arith.index_cast %add3A_62 : i32 to index
        %get3A_66 = arith.constant 0 : index
        %get3A_67 = tpu.vector_load %arg14[%get3A_65, %get3A_66] {strides = array<i32>} : memref<128x128xf32, #tpu.memory_space<vmem>>, vector<16xf32>,
        %mul3A_68 = arith.mulf %get3A_64, %get3A_67 : vector<16xf32>
        %get3A_69 = arith.index_cast %add3A_62 : i32 to index
        %get3A_70 = arith.constant 16 : index
        %get3A_71 = tpu.vector_load %arg13[%get3A_69, %get3A_70] {strides = array<i32>} : memref<128x128xf32, #tpu.memory_space<vmem>>, vector<16xf32>,
        %get3A_72 = arith.index_cast %add3A_62 : i32 to index
        %get3A_73 = arith.constant 16 : index
        %get3A_74 = tpu.vector_load %arg14[%get3A_72, %get3A_73] {strides = array<i32>} : memref<128x128xf32, #tpu.memory_space<vmem>>, vector<16xf32>,
        %mul3A_75 = arith.mulf %get3A_71, %get3A_74 : vector<16xf32>
        %get3A_76 = arith.index_cast %add3A_62 : i32 to index
        %get3A_77 = arith.constant 32 : index
        %get3A_78 = tpu.vector_load %arg13[%get3A_76, %get3A_77] {strides = array<i32>} : memref<128x128xf32, #tpu.memory_space<vmem>>, vector<16xf32>,
        %get3A_79 = arith.index_cast %add3A_62 : i32 to index
        %get3A_80 = arith.constant 32 : index
        %get3A_81 = tpu.vector_load %arg14[%get3A_79, %get3A_80] {strides = array<i32>} : memref<128x128xf32, #tpu.memory_space<vmem>>, vector<16xf32>,
        %mul3A_82 = arith.mulf %get3A_78, %get3A_81 : vector<16xf32>
        %get3A_83 = arith.index_cast %add3A_62 : i32 to index
        %get3A_84 = arith.constant 48 : index
        %get3A_85 = tpu.vector_load %arg13[%get3A_83, %get3A_84] {strides = array<i32>} : memref<128x128xf32, #tpu.memory_space<vmem>>, vector<16xf32>,
        %get3A_86 = arith.index_cast %add3A_62 : i32 to index
        %get3A_87 = arith.constant 48 : index
        %get3A_88 = tpu.vector_load %arg14[%get3A_86, %get3A_87] {strides = array<i32>} : memref<128x128xf32, #tpu.memory_space<vmem>>, vector<16xf32>,
        %mul3A_89 = arith.mulf %get3A_85, %get3A_88 : vector<16xf32>
        %add3A_90 = arith.addf %mul3A_68, %mul3A_75 : vector<16xf32>
        %add3A_91 = arith.addf %mul3A_82, %mul3A_89 : vector<16xf32>
        %add3A_92 = arith.addf %add3A_90, %add3A_91 : vector<16xf32>
        %broadcast_in_dim3A = arith.constant true
        %broadcast_in_dim3A_93 = vector.broadcast %broadcast_in_dim3A : i1 to vector<16xi1>
        %masked_cumsum3A = tpu.scan <sum>, %add3A_92 masked %broadcast_in_dim3A_93 : vector<16xf32>, vector<16xi1> -> vector<16xf32>
        %swap3A = arith.index_cast %add3A_62 : i32 to index
        %swap3A_94 = tpu.vector_load %arg17[%swap3A] masked %eq3A_4 {strides = array<i32>} : memref<144xf32, #tpu.memory_space<vmem>>, vector<16xf32>, vector<16xi1>
        tpu.vector_store %arg17[%swap3A], %masked_cumsum3A masked %eq3A_4 {strides = array<i32>} : memref<144xf32, #tpu.memory_space<vmem>>, vector<16xf32>, vector<16xi1>
      }
      %scan3A_46 = arith.constant 128 : i32
      %dma_wait3A_47 = arith.constant 0 : i32
      %dma_wait3A_48 = arith.constant 0 : i32
      %dma_wait3A_49 = tpu.memref_slice %arg6[%dma_wait3A_47, %dma_wait3A_48] : memref<7813x128xf32, #tpu.memory_space<hbm>> -> memref<7813x128xf32, #tpu.memory_space<hbm>>
      tpu.wait_indirect_dma semaphore(%arg21 : memref<!tpu.dma_semaphore, #tpu.memory_space<semaphore_mem>>) src(%dma_wait3A_49 : memref<7813x128xf32, #tpu.memory_space<hbm>>) dst(%arg15 : memref<128x128xf32, #tpu.memory_space<vmem>>)
      %dma_wait3A_50 = arith.constant 0 : i32
      %dma_wait3A_51 = arith.constant 0 : i32
      %dma_wait3A_52 = tpu.memref_slice %arg7[%dma_wait3A_50, %dma_wait3A_51] : memref<7813x128xf32, #tpu.memory_space<hbm>> -> memref<7813x128xf32, #tpu.memory_space<hbm>>
      tpu.wait_indirect_dma semaphore(%arg22 : memref<!tpu.dma_semaphore, #tpu.memory_space<semaphore_mem>>) src(%dma_wait3A_52 : memref<7813x128xf32, #tpu.memory_space<hbm>>) dst(%arg16 : memref<128x128xf32, #tpu.memory_space<vmem>>)
      %scan3A_53 = arith.constant 0 : i32
      %scan3A_54 = arith.constant 8 : i32
      %scan3A_55 = arith.addi %scan3A_53, %scan3A_54 : i32
      %scan3A_56 = arith.constant 1 : i32
      scf.for %scan3A_58 = %scan3A_53 to %scan3A_55 step %scan3A_56  : i32 {
        %mul3A_59 = arith.constant 16 : i32
        %mul3A_60 = arith.muli %scan3A_58, %mul3A_59 : i32
        %add3A_61 = arith.constant 0 : i32
        %add3A_62 = arith.addi %add3A_61, %mul3A_60 : i32
        %add3A_63 = vector.broadcast %add3A_62 : i32 to vector<16xi32>
        %add3A_64 = arith.addi %iota3A, %add3A_63 : vector<16xi32>
        %add3A_65 = arith.addi %mul3A_15, %add3A_62 : i32
        %get3A = arith.index_cast %add3A_65 : i32 to index
        %get3A_66 = tpu.vector_load %arg9[%get3A] {strides = array<i32>} : memref<512xi32, #tpu.memory_space<vmem>>, vector<16xi32>,
        %and3A = arith.constant 127 : i32
        %and3A_67 = vector.broadcast %and3A : i32 to vector<16xi32>
        %and3A_68 = arith.andi %get3A_66, %and3A_67 : vector<16xi32>
        %gather3A = tpu.vector_load_idx %arg15[%add3A_64, %and3A_68] : memref<128x128xf32, #tpu.memory_space<vmem>>[vector<16xi32>, vector<16xi32>], vector<16xf32>,
        %add3A_69 = arith.addi %mul3A_15, %add3A_62 : i32
        %get3A_70 = arith.index_cast %add3A_69 : i32 to index
        %get3A_71 = tpu.vector_load %arg10[%get3A_70] {strides = array<i32>} : memref<512xi32, #tpu.memory_space<vmem>>, vector<16xi32>,
        %and3A_72 = arith.constant 127 : i32
        %and3A_73 = vector.broadcast %and3A_72 : i32 to vector<16xi32>
        %and3A_74 = arith.andi %get3A_71, %and3A_73 : vector<16xi32>
        %gather3A_75 = tpu.vector_load_idx %arg16[%add3A_64, %and3A_74] : memref<128x128xf32, #tpu.memory_space<vmem>>[vector<16xi32>, vector<16xi32>], vector<16xf32>,
        %get3A_76 = arith.index_cast %add3A_62 : i32 to index
        %get3A_77 = tpu.vector_load %arg17[%get3A_76] {strides = array<i32>} : memref<144xf32, #tpu.memory_space<vmem>>, vector<16xf32>,
        %add3A_78 = arith.addf %get3A_77, %gather3A : vector<16xf32>
        %add3A_79 = arith.addf %add3A_78, %gather3A_75 : vector<16xf32>
        %add3A_80 = arith.addi %mul3A_15, %add3A_62 : i32
        %swap3A = arith.index_cast %add3A_80 : i32 to index
        %swap3A_81 = tpu.vector_load %arg18[%swap3A] {strides = array<i32>} : memref<512xf32, #tpu.memory_space<vmem>>, vector<16xf32>,
        tpu.vector_store %arg18[%swap3A], %add3A_79 {strides = array<i32>} : memref<512xf32, #tpu.memory_space<vmem>>, vector<16xf32>,
      }
      %scan3A_57 = arith.constant 8 : i32
    }
    %scan3A_8 = arith.constant 4 : i32
    "tpu.region"() ({
      %run_scoped3A = tpu.sem_alloc : memref<!tpu.dma_semaphore, #tpu.memory_space<semaphore_mem>>
      %dma_start3A = tpu.memref_slice %arg8[%mul3A_2] : memref<16384xf32, #tpu.memory_space<hbm>> -> memref<512xf32, #tpu.memory_space<hbm>>
      %dma_start3A_9 = tpu.memref_slice %arg8[%mul3A_2] : memref<16384xf32, #tpu.memory_space<hbm>> -> memref<512xf32, #tpu.memory_space<hbm>>
      tpu.enqueue_dma source(%arg18 : memref<512xf32, #tpu.memory_space<vmem>>) target(%dma_start3A_9 : memref<512xf32, #tpu.memory_space<hbm>>) target_semaphore(%run_scoped3A : memref<!tpu.dma_semaphore, #tpu.memory_space<semaphore_mem>>)
      %dma_wait3A = tpu.memref_slice %arg8[%mul3A_2] : memref<16384xf32, #tpu.memory_space<hbm>> -> memref<512xf32, #tpu.memory_space<hbm>>
      %dma_wait3A_10 = tpu.memref_slice %arg8[%mul3A_2] : memref<16384xf32, #tpu.memory_space<hbm>> -> memref<512xf32, #tpu.memory_space<hbm>>
      tpu.wait_dma2 semaphore(%run_scoped3A : memref<!tpu.dma_semaphore, #tpu.memory_space<semaphore_mem>>) src(%arg18 : memref<512xf32, #tpu.memory_space<vmem>>) dst(%dma_wait3A_10 : memref<512xf32, #tpu.memory_space<hbm>>)
      tpu.yield
    }) : () -> ()
    return
  }
}

#map = affine_map<(d0, d1) -> (0)>
#map1 = affine_map<(d0, d1) -> (0, 0)>
module attributes {stable_mosaic.version = 14 : i64} {
  func.func @k1(%arg0: i32, %arg1: i32, %arg2: memref<16384xi32, #tpu.memory_space<hbm>>, %arg3: memref<16384xi32, #tpu.memory_space<hbm>>, %arg4: memref<64x1000000xf32, #tpu.memory_space<hbm>>, %arg5: memref<64x1000000xf32, #tpu.memory_space<hbm>>, %arg6: memref<16416x128xf32, #tpu.memory_space<hbm>>, %arg7: memref<16416x128xf32, #tpu.memory_space<hbm>>, %arg8: memref<2x2048xi32, #tpu.memory_space<vmem>>, %arg9: memref<16400xi32, #tpu.memory_space<vmem>>, %arg10: memref<16400xi32, #tpu.memory_space<vmem>>, %arg11: memref<16400xi32, #tpu.memory_space<vmem>>, %arg12: memref<288xi32, #tpu.memory_space<vmem>>, %arg13: memref<288xi32, #tpu.memory_space<vmem>>, %arg14: memref<288xi32, #tpu.memory_space<vmem>>, %arg15: memref<288xi32, #tpu.memory_space<vmem>>, %arg16: memref<4x64x128xf32, #tpu.memory_space<vmem>>, %arg17: memref<4x64x128xf32, #tpu.memory_space<vmem>>, %arg18: memref<32xi32, #tpu.memory_space<vmem>>, %arg19: memref<32x128xf32, #tpu.memory_space<vmem>>, %arg20: memref<32x128xf32, #tpu.memory_space<vmem>>, %arg21: memref<32xi32, #tpu.memory_space<vmem>>, %arg22: memref<32xi32, #tpu.memory_space<vmem>>, %arg23: memref<!tpu.dma_semaphore, #tpu.memory_space<semaphore_mem>>, %arg24: memref<!tpu.dma_semaphore, #tpu.memory_space<semaphore_mem>>, %arg25: memref<!tpu.dma_semaphore, #tpu.memory_space<semaphore_mem>>) attributes {dimension_semantics = [#tpu.dimension_semantics<core_parallel>, #tpu.dimension_semantics<subcore_parallel>], iteration_bounds = array<i64: 2, 16>, scalar_prefetch = 0 : i64, scratch_operands = 18 : i64, tpu.core_type = #tpu.core_type<sc_vector_subcore>, window_params = [{transform_indices = #map}, {transform_indices = #map}, {transform_indices = #map1}, {transform_indices = #map1}, {transform_indices = #map1}, {transform_indices = #map1}]} {
    %mul3A = arith.constant 2 : i32
    %mul3A_0 = arith.muli %arg1, %mul3A : i32
    %add3A = arith.addi %mul3A_0, %arg0 : i32
    %mul3A_1 = arith.constant 7813 : i32
    %mul3A_2 = arith.muli %add3A, %mul3A_1 : i32
    %jit3A = arith.constant 32 : i32
    %div3A = arith.divsi %mul3A_2, %jit3A : i32
    %sign3A = arith.constant 0 : i32
    %sign3A_3 = arith.cmpi sgt, %mul3A_2, %sign3A : i32
    %sign3A_4 = arith.extui %sign3A_3 : i1 to i32
    %sign3A_5 = arith.constant 0 : i32
    %sign3A_6 = arith.cmpi slt, %mul3A_2, %sign3A_5 : i32
    %sign3A_7 = arith.extui %sign3A_6 : i1 to i32
    %sign3A_8 = arith.subi %sign3A_4, %sign3A_7 : i32
    %sign3A_9 = arith.constant 0 : i32
    %sign3A_10 = arith.cmpi sgt, %jit3A, %sign3A_9 : i32
    %sign3A_11 = arith.extui %sign3A_10 : i1 to i32
    %sign3A_12 = arith.constant 0 : i32
    %sign3A_13 = arith.cmpi slt, %jit3A, %sign3A_12 : i32
    %sign3A_14 = arith.extui %sign3A_13 : i1 to i32
    %sign3A_15 = arith.subi %sign3A_11, %sign3A_14 : i32
    %ne3A = arith.cmpi ne, %sign3A_8, %sign3A_15 : i32
    %rem3A = arith.remsi %mul3A_2, %jit3A : i32
    %ne3A_16 = arith.constant 0 : i32
    %ne3A_17 = arith.cmpi ne, %rem3A, %ne3A_16 : i32
    %and3A = arith.andi %ne3A, %ne3A_17 : i1
    %sub3A = arith.constant 1 : i32
    %sub3A_18 = arith.subi %div3A, %sub3A : i32
    %select_n3A = arith.select %and3A, %sub3A_18, %div3A : i32
    %add3A_19 = arith.constant 1 : i32
    %add3A_20 = arith.addi %add3A, %add3A_19 : i32
    %mul3A_21 = arith.constant 7813 : i32
    %mul3A_22 = arith.muli %add3A_20, %mul3A_21 : i32
    %jit3A_23 = arith.constant 32 : i32
    %div3A_24 = arith.divsi %mul3A_22, %jit3A_23 : i32
    %sign3A_25 = arith.constant 0 : i32
    %sign3A_26 = arith.cmpi sgt, %mul3A_22, %sign3A_25 : i32
    %sign3A_27 = arith.extui %sign3A_26 : i1 to i32
    %sign3A_28 = arith.constant 0 : i32
    %sign3A_29 = arith.cmpi slt, %mul3A_22, %sign3A_28 : i32
    %sign3A_30 = arith.extui %sign3A_29 : i1 to i32
    %sign3A_31 = arith.subi %sign3A_27, %sign3A_30 : i32
    %sign3A_32 = arith.constant 0 : i32
    %sign3A_33 = arith.cmpi sgt, %jit3A_23, %sign3A_32 : i32
    %sign3A_34 = arith.extui %sign3A_33 : i1 to i32
    %sign3A_35 = arith.constant 0 : i32
    %sign3A_36 = arith.cmpi slt, %jit3A_23, %sign3A_35 : i32
    %sign3A_37 = arith.extui %sign3A_36 : i1 to i32
    %sign3A_38 = arith.subi %sign3A_34, %sign3A_37 : i32
    %ne3A_39 = arith.cmpi ne, %sign3A_31, %sign3A_38 : i32
    %rem3A_40 = arith.remsi %mul3A_22, %jit3A_23 : i32
    %ne3A_41 = arith.constant 0 : i32
    %ne3A_42 = arith.cmpi ne, %rem3A_40, %ne3A_41 : i32
    %and3A_43 = arith.andi %ne3A_39, %ne3A_42 : i1
    %sub3A_44 = arith.constant 1 : i32
    %sub3A_45 = arith.subi %div3A_24, %sub3A_44 : i32
    %select_n3A_46 = arith.select %and3A_43, %sub3A_45, %div3A_24 : i32
    %sub3A_47 = arith.subi %select_n3A_46, %select_n3A : i32
    %mul3A_48 = arith.constant 128 : i32
    %mul3A_49 = arith.muli %select_n3A, %mul3A_48 : i32
    %mul3A_50 = arith.constant 128 : i32
    %mul3A_51 = arith.muli %select_n3A_46, %mul3A_50 : i32
    %iota3A = tpu.iota {dimensions = array<i32: 0>} : vector<16xi32>
    %eq3A = arith.constant 0 : i32
    %eq3A_52 = vector.broadcast %eq3A : i32 to vector<16xi32>
    %eq3A_53 = arith.cmpi eq, %iota3A, %eq3A_52 : vector<16xi32>
    %dma_start3A = arith.constant 0 : i32
    %dma_start3A_54 = arith.constant 0 : i32
    %dma_start3A_55 = tpu.memref_slice %arg8[%dma_start3A, %dma_start3A_54] : memref<2x2048xi32, #tpu.memory_space<vmem>> -> memref<1x2048xi32, #tpu.memory_space<vmem>>
    %dma_start3A_56 = tpu.memref_squeeze %dma_start3A_55 : memref<1x2048xi32, #tpu.memory_space<vmem>> -> memref<2048xi32, #tpu.memory_space<vmem>>
    %dma_start3A_57 = arith.constant 0 : i32
    %dma_start3A_58 = tpu.memref_slice %arg2[%dma_start3A_57] : memref<16384xi32, #tpu.memory_space<hbm>> -> memref<2048xi32, #tpu.memory_space<hbm>>
    %dma_start3A_59 = arith.constant 0 : i32
    %dma_start3A_60 = tpu.memref_slice %arg8[%dma_start3A, %dma_start3A_59] : memref<2x2048xi32, #tpu.memory_space<vmem>> -> memref<1x2048xi32, #tpu.memory_space<vmem>>
    %dma_start3A_61 = tpu.memref_squeeze %dma_start3A_60 : memref<1x2048xi32, #tpu.memory_space<vmem>> -> memref<2048xi32, #tpu.memory_space<vmem>>
    %dma_start3A_62 = arith.constant 0 : i32
    %dma_start3A_63 = tpu.memref_slice %arg2[%dma_start3A_62] : memref<16384xi32, #tpu.memory_space<hbm>> -> memref<2048xi32, #tpu.memory_space<hbm>>
    tpu.enqueue_dma source(%dma_start3A_63 : memref<2048xi32, #tpu.memory_space<hbm>>) target(%dma_start3A_61 : memref<2048xi32, #tpu.memory_space<vmem>>) target_semaphore(%arg23 : memref<!tpu.dma_semaphore, #tpu.memory_space<semaphore_mem>>)
    %scan3A = arith.constant 0 : i32
    %scan3A_64 = arith.constant 0 : i32
    %scan3A_65 = arith.constant 8 : i32
    %scan3A_66 = arith.addi %scan3A_64, %scan3A_65 : i32
    %scan3A_67 = arith.constant 1 : i32
    %scan3A_68 = scf.for %scan3A_202 = %scan3A_64 to %scan3A_66 step %scan3A_67 iter_args(%scan3A_203 = %scan3A) -> (i32)  : i32 {
      %dma_wait3A = arith.constant 0 : i32
      %dma_wait3A_204 = arith.constant 0 : i32
      %dma_wait3A_205 = tpu.memref_slice %arg8[%dma_wait3A, %dma_wait3A_204] : memref<2x2048xi32, #tpu.memory_space<vmem>> -> memref<1x2048xi32, #tpu.memory_space<vmem>>
      %dma_wait3A_206 = tpu.memref_squeeze %dma_wait3A_205 : memref<1x2048xi32, #tpu.memory_space<vmem>> -> memref<2048xi32, #tpu.memory_space<vmem>>
      %dma_wait3A_207 = arith.constant 0 : i32
      %dma_wait3A_208 = tpu.memref_slice %arg2[%dma_wait3A_207] : memref<16384xi32, #tpu.memory_space<hbm>> -> memref<2048xi32, #tpu.memory_space<hbm>>
      %dma_wait3A_209 = arith.constant 0 : i32
      %dma_wait3A_210 = tpu.memref_slice %arg8[%dma_wait3A, %dma_wait3A_209] : memref<2x2048xi32, #tpu.memory_space<vmem>> -> memref<1x2048xi32, #tpu.memory_space<vmem>>
      %dma_wait3A_211 = tpu.memref_squeeze %dma_wait3A_210 : memref<1x2048xi32, #tpu.memory_space<vmem>> -> memref<2048xi32, #tpu.memory_space<vmem>>
      %dma_wait3A_212 = arith.constant 0 : i32
      %dma_wait3A_213 = tpu.memref_slice %arg2[%dma_wait3A_212] : memref<16384xi32, #tpu.memory_space<hbm>> -> memref<2048xi32, #tpu.memory_space<hbm>>
      tpu.wait_dma2 semaphore(%arg23 : memref<!tpu.dma_semaphore, #tpu.memory_space<semaphore_mem>>) src(%dma_wait3A_213 : memref<2048xi32, #tpu.memory_space<hbm>>) dst(%dma_wait3A_211 : memref<2048xi32, #tpu.memory_space<vmem>>)
      %add3A_214 = arith.constant 1 : i32
      %add3A_215 = arith.addi %scan3A_202, %add3A_214 : i32
      %lt3A = arith.constant 8 : i32
      %lt3A_216 = arith.cmpi slt, %add3A_215, %lt3A : i32
      %convert_element_type3A = arith.extui %lt3A_216 : i1 to i32
      %cond3A = arith.constant 0 : i32
      %cond3A_217 = arith.cmpi ne, %convert_element_type3A, %cond3A : i32
      scf.if %cond3A_217 {
        %add3A_224 = arith.constant 1 : i32
        %add3A_225 = arith.addi %scan3A_202, %add3A_224 : i32
        %mul3A_226 = arith.constant 2048 : i32
        %mul3A_227 = arith.muli %add3A_225, %mul3A_226 : i32
        %and3A_228 = arith.constant 1 : i32
        %and3A_229 = arith.andi %add3A_225, %and3A_228 : i32
        %dma_start3A_230 = arith.constant 0 : i32
        %dma_start3A_231 = tpu.memref_slice %arg8[%and3A_229, %dma_start3A_230] : memref<2x2048xi32, #tpu.memory_space<vmem>> -> memref<1x2048xi32, #tpu.memory_space<vmem>>
        %dma_start3A_232 = tpu.memref_squeeze %dma_start3A_231 : memref<1x2048xi32, #tpu.memory_space<vmem>> -> memref<2048xi32, #tpu.memory_space<vmem>>
        %dma_start3A_233 = tpu.memref_slice %arg2[%mul3A_227] : memref<16384xi32, #tpu.memory_space<hbm>> -> memref<2048xi32, #tpu.memory_space<hbm>>
        %dma_start3A_234 = arith.constant 0 : i32
        %dma_start3A_235 = tpu.memref_slice %arg8[%and3A_229, %dma_start3A_234] : memref<2x2048xi32, #tpu.memory_space<vmem>> -> memref<1x2048xi32, #tpu.memory_space<vmem>>
        %dma_start3A_236 = tpu.memref_squeeze %dma_start3A_235 : memref<1x2048xi32, #tpu.memory_space<vmem>> -> memref<2048xi32, #tpu.memory_space<vmem>>
        %dma_start3A_237 = tpu.memref_slice %arg2[%mul3A_227] : memref<16384xi32, #tpu.memory_space<hbm>> -> memref<2048xi32, #tpu.memory_space<hbm>>
        tpu.enqueue_dma source(%dma_start3A_237 : memref<2048xi32, #tpu.memory_space<hbm>>) target(%dma_start3A_236 : memref<2048xi32, #tpu.memory_space<vmem>>) target_semaphore(%arg23 : memref<!tpu.dma_semaphore, #tpu.memory_space<semaphore_mem>>)
      } else {
      }
      %scan3A_218 = arith.constant 0 : i32
      %scan3A_219 = arith.constant 128 : i32
      %scan3A_220 = arith.addi %scan3A_218, %scan3A_219 : i32
      %scan3A_221 = arith.constant 1 : i32
      %scan3A_222 = scf.for %scan3A_224 = %scan3A_218 to %scan3A_220 step %scan3A_221 iter_args(%scan3A_225 = %scan3A_203) -> (i32)  : i32 {
        %and3A_226 = arith.constant 1 : i32
        %and3A_227 = arith.andi %scan3A_202, %and3A_226 : i32
        %mul3A_228 = arith.constant 16 : i32
        %mul3A_229 = arith.muli %scan3A_224, %mul3A_228 : i32
        %get3A = arith.index_cast %and3A_227 : i32 to index
        %get3A_230 = arith.index_cast %mul3A_229 : i32 to index
        %get3A_231 = tpu.vector_load %arg8[%get3A, %get3A_230] {strides = array<i32>} : memref<2x2048xi32, #tpu.memory_space<vmem>>, vector<16xi32>,
        %ge3A = vector.broadcast %mul3A_49 : i32 to vector<16xi32>
        %ge3A_232 = arith.cmpi sge, %get3A_231, %ge3A : vector<16xi32>
        %lt3A_233 = vector.broadcast %mul3A_51 : i32 to vector<16xi32>
        %lt3A_234 = arith.cmpi slt, %get3A_231, %lt3A_233 : vector<16xi32>
        %and3A_235 = arith.andi %ge3A_232, %lt3A_234 : vector<16xi1>
        %sub3A_236 = vector.broadcast %mul3A_49 : i32 to vector<16xi32>
        %sub3A_237 = arith.subi %get3A_231, %sub3A_236 : vector<16xi32>
        %shift_left3A = arith.constant 14 : i32
        %shift_left3A_238 = vector.broadcast %shift_left3A : i32 to vector<16xi32>
        %shift_left3A_239 = arith.shli %sub3A_237, %shift_left3A_238 : vector<16xi32>
        %mul3A_240 = arith.constant 2048 : i32
        %mul3A_241 = arith.muli %scan3A_202, %mul3A_240 : i32
        %add3A_242 = arith.constant 0 : i32
        %add3A_243 = arith.addi %add3A_242, %mul3A_241 : i32
        %mul3A_244 = arith.constant 16 : i32
        %mul3A_245 = arith.muli %scan3A_224, %mul3A_244 : i32
        %add3A_246 = arith.addi %add3A_243, %mul3A_245 : i32
        %add3A_247 = vector.broadcast %add3A_246 : i32 to vector<16xi32>
        %add3A_248 = arith.addi %iota3A, %add3A_247 : vector<16xi32>
        %or3A = arith.ori %shift_left3A_239, %add3A_248 : vector<16xi32>
        %swap3A_249 = arith.index_cast %scan3A_225 : i32 to index
        %swap3A_250 = tpu.vector_load %arg9[%swap3A_249] masked %and3A_235 {strides = array<i32>} : memref<16400xi32, #tpu.memory_space<vmem>>, vector<16xi32>, vector<16xi1>
        tpu.vector_store %arg9[%swap3A_249], %or3A masked %and3A_235 {strides = array<i32>} : memref<16400xi32, #tpu.memory_space<vmem>>, vector<16xi32>, vector<16xi1>
        %all_reduce_population_count3A = tpu.all_reduce %and3A_235 {dim = 0 : i64, kind = #tpu.reduction_kind<sum>} : vector<16xi1> -> vector<16xi32>
        %slice3A = vector.extract_strided_slice %all_reduce_population_count3A {offsets = [0], sizes = [1], strides = [1]} : vector<16xi32> to vector<1xi32>
        %squeeze3A = vector.extract %slice3A[0] : i32 from vector<1xi32>
        %add3A_251 = arith.addi %scan3A_225, %squeeze3A : i32
        scf.yield %add3A_251 : i32
      }
      %scan3A_223 = arith.constant 128 : i32
      scf.yield %scan3A_222 : i32
    }
    %scan3A_69 = arith.constant 8 : i32
    %broadcast_in_dim3A = arith.constant 0 : i32
    %broadcast_in_dim3A_70 = vector.broadcast %broadcast_in_dim3A : i32 to vector<16xi32>
    %scan3A_71 = arith.constant 0 : i32
    %scan3A_72 = arith.constant 18 : i32
    %scan3A_73 = arith.addi %scan3A_71, %scan3A_72 : i32
    %scan3A_74 = arith.constant 1 : i32
    scf.for %scan3A_202 = %scan3A_71 to %scan3A_73 step %scan3A_74  : i32 {
      %mul3A_203 = arith.constant 16 : i32
      %mul3A_204 = arith.muli %scan3A_202, %mul3A_203 : i32
      %add3A_205 = arith.constant 0 : i32
      %add3A_206 = arith.addi %add3A_205, %mul3A_204 : i32
      %swap3A_207 = arith.index_cast %add3A_206 : i32 to index
      %swap3A_208 = tpu.vector_load %arg14[%swap3A_207] {strides = array<i32>} : memref<288xi32, #tpu.memory_space<vmem>>, vector<16xi32>,
      tpu.vector_store %arg14[%swap3A_207], %broadcast_in_dim3A_70 {strides = array<i32>} : memref<288xi32, #tpu.memory_space<vmem>>, vector<16xi32>,
    }
    %scan3A_75 = arith.constant 18 : i32
    %while3A = arith.constant 0 : i32
    %while3A_76 = arith.constant 0 : i32
    %while3A_77 = arith.subi %scan3A_68, %while3A : i32
    %while3A_78 = arith.addi %while3A, %while3A_77 : i32
    %while3A_79 = arith.constant 1 : i32
    %while3A_80 = arith.divsi %while3A_77, %while3A_79 : i32
    %while3A_81 = arith.muli %while3A_80, %while3A_79 : i32
    %while3A_82 = arith.addi %while3A, %while3A_81 : i32
    %while3A_83 = arith.constant 1 : i32
    %while3A_84 = scf.for %while3A_202 = %while3A to %while3A_82 step %while3A_83 iter_args(%while3A_203 = %while3A_76) -> (i32)  : i32 {
      %get3A = arith.index_cast %while3A_202 : i32 to index
      %get3A_204 = tpu.vector_load %arg9[%get3A] {strides = array<i32>} : memref<16400xi32, #tpu.memory_space<vmem>>, vector<16xi32>,
      %slice3A = vector.extract_strided_slice %get3A_204 {offsets = [0], sizes = [1], strides = [1]} : vector<16xi32> to vector<1xi32>
      %squeeze3A = vector.extract %slice3A[0] : i32 from vector<1xi32>
      %shift_right_arithmetic3A = arith.constant 21 : i32
      %shift_right_arithmetic3A_205 = arith.shrsi %squeeze3A, %shift_right_arithmetic3A : i32
      %get3A_206 = arith.index_cast %shift_right_arithmetic3A_205 : i32 to index
      %get3A_207 = tpu.vector_load %arg14[%get3A_206] {strides = array<i32>} : memref<288xi32, #tpu.memory_space<vmem>>, vector<16xi32>,
      %slice3A_208 = vector.extract_strided_slice %get3A_207 {offsets = [0], sizes = [1], strides = [1]} : vector<16xi32> to vector<1xi32>
      %squeeze3A_209 = vector.extract %slice3A_208[0] : i32 from vector<1xi32>
      %add3A_210 = arith.constant 1 : i32
      %add3A_211 = arith.addi %squeeze3A_209, %add3A_210 : i32
      %broadcast_in_dim3A_212 = vector.broadcast %add3A_211 : i32 to vector<16xi32>
      %swap3A_213 = arith.index_cast %shift_right_arithmetic3A_205 : i32 to index
      %swap3A_214 = tpu.vector_load %arg14[%swap3A_213] masked %eq3A_53 {strides = array<i32>} : memref<288xi32, #tpu.memory_space<vmem>>, vector<16xi32>, vector<16xi1>
      tpu.vector_store %arg14[%swap3A_213], %broadcast_in_dim3A_212 masked %eq3A_53 {strides = array<i32>} : memref<288xi32, #tpu.memory_space<vmem>>, vector<16xi32>, vector<16xi1>
      %while3A_215 = arith.constant 0 : i32
      scf.yield %while3A_215 : i32
    }
    %while3A_85 = arith.constant 1 : i32
    %while3A_86 = scf.for %while3A_202 = %while3A_82 to %while3A_78 step %while3A_85 iter_args(%while3A_203 = %while3A_84) -> (i32)  : i32 {
      %get3A = arith.index_cast %while3A_202 : i32 to index
      %get3A_204 = tpu.vector_load %arg9[%get3A] {strides = array<i32>} : memref<16400xi32, #tpu.memory_space<vmem>>, vector<16xi32>,
      %slice3A = vector.extract_strided_slice %get3A_204 {offsets = [0], sizes = [1], strides = [1]} : vector<16xi32> to vector<1xi32>
      %squeeze3A = vector.extract %slice3A[0] : i32 from vector<1xi32>
      %shift_right_arithmetic3A = arith.constant 21 : i32
      %shift_right_arithmetic3A_205 = arith.shrsi %squeeze3A, %shift_right_arithmetic3A : i32
      %get3A_206 = arith.index_cast %shift_right_arithmetic3A_205 : i32 to index
      %get3A_207 = tpu.vector_load %arg14[%get3A_206] {strides = array<i32>} : memref<288xi32, #tpu.memory_space<vmem>>, vector<16xi32>,
      %slice3A_208 = vector.extract_strided_slice %get3A_207 {offsets = [0], sizes = [1], strides = [1]} : vector<16xi32> to vector<1xi32>
      %squeeze3A_209 = vector.extract %slice3A_208[0] : i32 from vector<1xi32>
      %add3A_210 = arith.constant 1 : i32
      %add3A_211 = arith.addi %squeeze3A_209, %add3A_210 : i32
      %broadcast_in_dim3A_212 = vector.broadcast %add3A_211 : i32 to vector<16xi32>
      %swap3A_213 = arith.index_cast %shift_right_arithmetic3A_205 : i32 to index
      %swap3A_214 = tpu.vector_load %arg14[%swap3A_213] masked %eq3A_53 {strides = array<i32>} : memref<288xi32, #tpu.memory_space<vmem>>, vector<16xi32>, vector<16xi1>
      tpu.vector_store %arg14[%swap3A_213], %broadcast_in_dim3A_212 masked %eq3A_53 {strides = array<i32>} : memref<288xi32, #tpu.memory_space<vmem>>, vector<16xi32>, vector<16xi1>
      %while3A_215 = arith.constant 0 : i32
      scf.yield %while3A_215 : i32
    }
    %scan3A_87 = arith.constant 0 : i32
    %scan3A_88 = arith.constant 0 : i32
    %scan3A_89 = arith.constant 17 : i32
    %scan3A_90 = arith.addi %scan3A_88, %scan3A_89 : i32
    %scan3A_91 = arith.constant 1 : i32
    %scan3A_92 = scf.for %scan3A_202 = %scan3A_88 to %scan3A_90 step %scan3A_91 iter_args(%scan3A_203 = %scan3A_87) -> (i32)  : i32 {
      %mul3A_204 = arith.constant 16 : i32
      %mul3A_205 = arith.muli %scan3A_202, %mul3A_204 : i32
      %get3A = arith.index_cast %mul3A_205 : i32 to index
      %get3A_206 = tpu.vector_load %arg14[%get3A] {strides = array<i32>} : memref<288xi32, #tpu.memory_space<vmem>>, vector<16xi32>,
      %broadcast_in_dim3A_207 = arith.constant true
      %broadcast_in_dim3A_208 = vector.broadcast %broadcast_in_dim3A_207 : i1 to vector<16xi1>
      %masked_cumsum3A = tpu.scan <sum>, %get3A_206 masked %broadcast_in_dim3A_208 : vector<16xi32>, vector<16xi1> -> vector<16xi32>
      %sub3A_209 = arith.subi %masked_cumsum3A, %get3A_206 : vector<16xi32>
      %add3A_210 = vector.broadcast %scan3A_203 : i32 to vector<16xi32>
      %add3A_211 = arith.addi %sub3A_209, %add3A_210 : vector<16xi32>
      %mul3A_212 = arith.constant 16 : i32
      %mul3A_213 = arith.muli %scan3A_202, %mul3A_212 : i32
      %swap3A_214 = arith.index_cast %mul3A_213 : i32 to index
      %swap3A_215 = tpu.vector_load %arg12[%swap3A_214] {strides = array<i32>} : memref<288xi32, #tpu.memory_space<vmem>>, vector<16xi32>,
      tpu.vector_store %arg12[%swap3A_214], %add3A_211 {strides = array<i32>} : memref<288xi32, #tpu.memory_space<vmem>>, vector<16xi32>,
      %mul3A_216 = arith.constant 16 : i32
      %mul3A_217 = arith.muli %scan3A_202, %mul3A_216 : i32
      %swap3A_218 = arith.index_cast %mul3A_217 : i32 to index
      %swap3A_219 = tpu.vector_load %arg14[%swap3A_218] {strides = array<i32>} : memref<288xi32, #tpu.memory_space<vmem>>, vector<16xi32>,
      tpu.vector_store %arg14[%swap3A_218], %add3A_211 {strides = array<i32>} : memref<288xi32, #tpu.memory_space<vmem>>, vector<16xi32>,
      %slice3A = vector.extract_strided_slice %masked_cumsum3A {offsets = [15], sizes = [1], strides = [1]} : vector<16xi32> to vector<1xi32>
      %squeeze3A = vector.extract %slice3A[0] : i32 from vector<1xi32>
      %add3A_220 = arith.addi %scan3A_203, %squeeze3A : i32
      scf.yield %add3A_220 : i32
    }
    %scan3A_93 = arith.constant 17 : i32
    %broadcast_in_dim3A_94 = vector.broadcast %scan3A_68 : i32 to vector<16xi32>
    %swap3A = arith.constant 272 : index
    %swap3A_95 = tpu.vector_load %arg12[%swap3A] {strides = array<i32>} : memref<288xi32, #tpu.memory_space<vmem>>, vector<16xi32>,
    tpu.vector_store %arg12[%swap3A], %broadcast_in_dim3A_94 {strides = array<i32>} : memref<288xi32, #tpu.memory_space<vmem>>, vector<16xi32>,
    %while3A_96 = arith.constant 0 : i32
    %while3A_97 = arith.constant 0 : i32
    %while3A_98 = arith.subi %scan3A_68, %while3A_96 : i32
    %while3A_99 = arith.addi %while3A_96, %while3A_98 : i32
    %while3A_100 = arith.constant 1 : i32
    %while3A_101 = arith.divsi %while3A_98, %while3A_100 : i32
    %while3A_102 = arith.muli %while3A_101, %while3A_100 : i32
    %while3A_103 = arith.addi %while3A_96, %while3A_102 : i32
    %while3A_104 = arith.constant 1 : i32
    %while3A_105 = scf.for %while3A_202 = %while3A_96 to %while3A_103 step %while3A_104 iter_args(%while3A_203 = %while3A_97) -> (i32)  : i32 {
      %get3A = arith.index_cast %while3A_202 : i32 to index
      %get3A_204 = tpu.vector_load %arg9[%get3A] {strides = array<i32>} : memref<16400xi32, #tpu.memory_space<vmem>>, vector<16xi32>,
      %slice3A = vector.extract_strided_slice %get3A_204 {offsets = [0], sizes = [1], strides = [1]} : vector<16xi32> to vector<1xi32>
      %squeeze3A = vector.extract %slice3A[0] : i32 from vector<1xi32>
      %shift_right_arithmetic3A = arith.constant 21 : i32
      %shift_right_arithmetic3A_205 = arith.shrsi %squeeze3A, %shift_right_arithmetic3A : i32
      %get3A_206 = arith.index_cast %shift_right_arithmetic3A_205 : i32 to index
      %get3A_207 = tpu.vector_load %arg14[%get3A_206] {strides = array<i32>} : memref<288xi32, #tpu.memory_space<vmem>>, vector<16xi32>,
      %slice3A_208 = vector.extract_strided_slice %get3A_207 {offsets = [0], sizes = [1], strides = [1]} : vector<16xi32> to vector<1xi32>
      %squeeze3A_209 = vector.extract %slice3A_208[0] : i32 from vector<1xi32>
      %broadcast_in_dim3A_210 = vector.broadcast %squeeze3A : i32 to vector<16xi32>
      %swap3A_211 = arith.index_cast %squeeze3A_209 : i32 to index
      %swap3A_212 = tpu.vector_load %arg10[%swap3A_211] masked %eq3A_53 {strides = array<i32>} : memref<16400xi32, #tpu.memory_space<vmem>>, vector<16xi32>, vector<16xi1>
      tpu.vector_store %arg10[%swap3A_211], %broadcast_in_dim3A_210 masked %eq3A_53 {strides = array<i32>} : memref<16400xi32, #tpu.memory_space<vmem>>, vector<16xi32>, vector<16xi1>
      %add3A_213 = arith.constant 1 : i32
      %add3A_214 = arith.addi %squeeze3A_209, %add3A_213 : i32
      %broadcast_in_dim3A_215 = vector.broadcast %add3A_214 : i32 to vector<16xi32>
      %swap3A_216 = arith.index_cast %shift_right_arithmetic3A_205 : i32 to index
      %swap3A_217 = tpu.vector_load %arg14[%swap3A_216] masked %eq3A_53 {strides = array<i32>} : memref<288xi32, #tpu.memory_space<vmem>>, vector<16xi32>, vector<16xi1>
      tpu.vector_store %arg14[%swap3A_216], %broadcast_in_dim3A_215 masked %eq3A_53 {strides = array<i32>} : memref<288xi32, #tpu.memory_space<vmem>>, vector<16xi32>, vector<16xi1>
      %while3A_218 = arith.constant 0 : i32
      scf.yield %while3A_218 : i32
    }
    %while3A_106 = arith.constant 1 : i32
    %while3A_107 = scf.for %while3A_202 = %while3A_103 to %while3A_99 step %while3A_106 iter_args(%while3A_203 = %while3A_105) -> (i32)  : i32 {
      %get3A = arith.index_cast %while3A_202 : i32 to index
      %get3A_204 = tpu.vector_load %arg9[%get3A] {strides = array<i32>} : memref<16400xi32, #tpu.memory_space<vmem>>, vector<16xi32>,
      %slice3A = vector.extract_strided_slice %get3A_204 {offsets = [0], sizes = [1], strides = [1]} : vector<16xi32> to vector<1xi32>
      %squeeze3A = vector.extract %slice3A[0] : i32 from vector<1xi32>
      %shift_right_arithmetic3A = arith.constant 21 : i32
      %shift_right_arithmetic3A_205 = arith.shrsi %squeeze3A, %shift_right_arithmetic3A : i32
      %get3A_206 = arith.index_cast %shift_right_arithmetic3A_205 : i32 to index
      %get3A_207 = tpu.vector_load %arg14[%get3A_206] {strides = array<i32>} : memref<288xi32, #tpu.memory_space<vmem>>, vector<16xi32>,
      %slice3A_208 = vector.extract_strided_slice %get3A_207 {offsets = [0], sizes = [1], strides = [1]} : vector<16xi32> to vector<1xi32>
      %squeeze3A_209 = vector.extract %slice3A_208[0] : i32 from vector<1xi32>
      %broadcast_in_dim3A_210 = vector.broadcast %squeeze3A : i32 to vector<16xi32>
      %swap3A_211 = arith.index_cast %squeeze3A_209 : i32 to index
      %swap3A_212 = tpu.vector_load %arg10[%swap3A_211] masked %eq3A_53 {strides = array<i32>} : memref<16400xi32, #tpu.memory_space<vmem>>, vector<16xi32>, vector<16xi1>
      tpu.vector_store %arg10[%swap3A_211], %broadcast_in_dim3A_210 masked %eq3A_53 {strides = array<i32>} : memref<16400xi32, #tpu.memory_space<vmem>>, vector<16xi32>, vector<16xi1>
      %add3A_213 = arith.constant 1 : i32
      %add3A_214 = arith.addi %squeeze3A_209, %add3A_213 : i32
      %broadcast_in_dim3A_215 = vector.broadcast %add3A_214 : i32 to vector<16xi32>
      %swap3A_216 = arith.index_cast %shift_right_arithmetic3A_205 : i32 to index
      %swap3A_217 = tpu.vector_load %arg14[%swap3A_216] masked %eq3A_53 {strides = array<i32>} : memref<288xi32, #tpu.memory_space<vmem>>, vector<16xi32>, vector<16xi1>
      tpu.vector_store %arg14[%swap3A_216], %broadcast_in_dim3A_215 masked %eq3A_53 {strides = array<i32>} : memref<288xi32, #tpu.memory_space<vmem>>, vector<16xi32>, vector<16xi1>
      %while3A_218 = arith.constant 0 : i32
      scf.yield %while3A_218 : i32
    }
    %dma_start3A_108 = arith.constant 0 : i32
    %dma_start3A_109 = arith.constant 0 : i32
    %dma_start3A_110 = tpu.memref_slice %arg8[%dma_start3A_108, %dma_start3A_109] : memref<2x2048xi32, #tpu.memory_space<vmem>> -> memref<1x2048xi32, #tpu.memory_space<vmem>>
    %dma_start3A_111 = tpu.memref_squeeze %dma_start3A_110 : memref<1x2048xi32, #tpu.memory_space<vmem>> -> memref<2048xi32, #tpu.memory_space<vmem>>
    %dma_start3A_112 = arith.constant 0 : i32
    %dma_start3A_113 = tpu.memref_slice %arg3[%dma_start3A_112] : memref<16384xi32, #tpu.memory_space<hbm>> -> memref<2048xi32, #tpu.memory_space<hbm>>
    %dma_start3A_114 = arith.constant 0 : i32
    %dma_start3A_115 = tpu.memref_slice %arg8[%dma_start3A_108, %dma_start3A_114] : memref<2x2048xi32, #tpu.memory_space<vmem>> -> memref<1x2048xi32, #tpu.memory_space<vmem>>
    %dma_start3A_116 = tpu.memref_squeeze %dma_start3A_115 : memref<1x2048xi32, #tpu.memory_space<vmem>> -> memref<2048xi32, #tpu.memory_space<vmem>>
    %dma_start3A_117 = arith.constant 0 : i32
    %dma_start3A_118 = tpu.memref_slice %arg3[%dma_start3A_117] : memref<16384xi32, #tpu.memory_space<hbm>> -> memref<2048xi32, #tpu.memory_space<hbm>>
    tpu.enqueue_dma source(%dma_start3A_118 : memref<2048xi32, #tpu.memory_space<hbm>>) target(%dma_start3A_116 : memref<2048xi32, #tpu.memory_space<vmem>>) target_semaphore(%arg23 : memref<!tpu.dma_semaphore, #tpu.memory_space<semaphore_mem>>)
    %scan3A_119 = arith.constant 0 : i32
    %scan3A_120 = arith.constant 0 : i32
    %scan3A_121 = arith.constant 8 : i32
    %scan3A_122 = arith.addi %scan3A_120, %scan3A_121 : i32
    %scan3A_123 = arith.constant 1 : i32
    %scan3A_124 = scf.for %scan3A_202 = %scan3A_120 to %scan3A_122 step %scan3A_123 iter_args(%scan3A_203 = %scan3A_119) -> (i32)  : i32 {
      %dma_wait3A = arith.constant 0 : i32
      %dma_wait3A_204 = arith.constant 0 : i32
      %dma_wait3A_205 = tpu.memref_slice %arg8[%dma_wait3A, %dma_wait3A_204] : memref<2x2048xi32, #tpu.memory_space<vmem>> -> memref<1x2048xi32, #tpu.memory_space<vmem>>
      %dma_wait3A_206 = tpu.memref_squeeze %dma_wait3A_205 : memref<1x2048xi32, #tpu.memory_space<vmem>> -> memref<2048xi32, #tpu.memory_space<vmem>>
      %dma_wait3A_207 = arith.constant 0 : i32
      %dma_wait3A_208 = tpu.memref_slice %arg3[%dma_wait3A_207] : memref<16384xi32, #tpu.memory_space<hbm>> -> memref<2048xi32, #tpu.memory_space<hbm>>
      %dma_wait3A_209 = arith.constant 0 : i32
      %dma_wait3A_210 = tpu.memref_slice %arg8[%dma_wait3A, %dma_wait3A_209] : memref<2x2048xi32, #tpu.memory_space<vmem>> -> memref<1x2048xi32, #tpu.memory_space<vmem>>
      %dma_wait3A_211 = tpu.memref_squeeze %dma_wait3A_210 : memref<1x2048xi32, #tpu.memory_space<vmem>> -> memref<2048xi32, #tpu.memory_space<vmem>>
      %dma_wait3A_212 = arith.constant 0 : i32
      %dma_wait3A_213 = tpu.memref_slice %arg3[%dma_wait3A_212] : memref<16384xi32, #tpu.memory_space<hbm>> -> memref<2048xi32, #tpu.memory_space<hbm>>
      tpu.wait_dma2 semaphore(%arg23 : memref<!tpu.dma_semaphore, #tpu.memory_space<semaphore_mem>>) src(%dma_wait3A_213 : memref<2048xi32, #tpu.memory_space<hbm>>) dst(%dma_wait3A_211 : memref<2048xi32, #tpu.memory_space<vmem>>)
      %add3A_214 = arith.constant 1 : i32
      %add3A_215 = arith.addi %scan3A_202, %add3A_214 : i32
      %lt3A = arith.constant 8 : i32
      %lt3A_216 = arith.cmpi slt, %add3A_215, %lt3A : i32
      %convert_element_type3A = arith.extui %lt3A_216 : i1 to i32
      %cond3A = arith.constant 0 : i32
      %cond3A_217 = arith.cmpi ne, %convert_element_type3A, %cond3A : i32
      scf.if %cond3A_217 {
        %add3A_224 = arith.constant 1 : i32
        %add3A_225 = arith.addi %scan3A_202, %add3A_224 : i32
        %mul3A_226 = arith.constant 2048 : i32
        %mul3A_227 = arith.muli %add3A_225, %mul3A_226 : i32
        %and3A_228 = arith.constant 1 : i32
        %and3A_229 = arith.andi %add3A_225, %and3A_228 : i32
        %dma_start3A_230 = arith.constant 0 : i32
        %dma_start3A_231 = tpu.memref_slice %arg8[%and3A_229, %dma_start3A_230] : memref<2x2048xi32, #tpu.memory_space<vmem>> -> memref<1x2048xi32, #tpu.memory_space<vmem>>
        %dma_start3A_232 = tpu.memref_squeeze %dma_start3A_231 : memref<1x2048xi32, #tpu.memory_space<vmem>> -> memref<2048xi32, #tpu.memory_space<vmem>>
        %dma_start3A_233 = tpu.memref_slice %arg3[%mul3A_227] : memref<16384xi32, #tpu.memory_space<hbm>> -> memref<2048xi32, #tpu.memory_space<hbm>>
        %dma_start3A_234 = arith.constant 0 : i32
        %dma_start3A_235 = tpu.memref_slice %arg8[%and3A_229, %dma_start3A_234] : memref<2x2048xi32, #tpu.memory_space<vmem>> -> memref<1x2048xi32, #tpu.memory_space<vmem>>
        %dma_start3A_236 = tpu.memref_squeeze %dma_start3A_235 : memref<1x2048xi32, #tpu.memory_space<vmem>> -> memref<2048xi32, #tpu.memory_space<vmem>>
        %dma_start3A_237 = tpu.memref_slice %arg3[%mul3A_227] : memref<16384xi32, #tpu.memory_space<hbm>> -> memref<2048xi32, #tpu.memory_space<hbm>>
        tpu.enqueue_dma source(%dma_start3A_237 : memref<2048xi32, #tpu.memory_space<hbm>>) target(%dma_start3A_236 : memref<2048xi32, #tpu.memory_space<vmem>>) target_semaphore(%arg23 : memref<!tpu.dma_semaphore, #tpu.memory_space<semaphore_mem>>)
      } else {
      }
      %scan3A_218 = arith.constant 0 : i32
      %scan3A_219 = arith.constant 128 : i32
      %scan3A_220 = arith.addi %scan3A_218, %scan3A_219 : i32
      %scan3A_221 = arith.constant 1 : i32
      %scan3A_222 = scf.for %scan3A_224 = %scan3A_218 to %scan3A_220 step %scan3A_221 iter_args(%scan3A_225 = %scan3A_203) -> (i32)  : i32 {
        %and3A_226 = arith.constant 1 : i32
        %and3A_227 = arith.andi %scan3A_202, %and3A_226 : i32
        %mul3A_228 = arith.constant 16 : i32
        %mul3A_229 = arith.muli %scan3A_224, %mul3A_228 : i32
        %get3A = arith.index_cast %and3A_227 : i32 to index
        %get3A_230 = arith.index_cast %mul3A_229 : i32 to index
        %get3A_231 = tpu.vector_load %arg8[%get3A, %get3A_230] {strides = array<i32>} : memref<2x2048xi32, #tpu.memory_space<vmem>>, vector<16xi32>,
        %ge3A = vector.broadcast %mul3A_49 : i32 to vector<16xi32>
        %ge3A_232 = arith.cmpi sge, %get3A_231, %ge3A : vector<16xi32>
        %lt3A_233 = vector.broadcast %mul3A_51 : i32 to vector<16xi32>
        %lt3A_234 = arith.cmpi slt, %get3A_231, %lt3A_233 : vector<16xi32>
        %and3A_235 = arith.andi %ge3A_232, %lt3A_234 : vector<16xi1>
        %sub3A_236 = vector.broadcast %mul3A_49 : i32 to vector<16xi32>
        %sub3A_237 = arith.subi %get3A_231, %sub3A_236 : vector<16xi32>
        %shift_left3A = arith.constant 14 : i32
        %shift_left3A_238 = vector.broadcast %shift_left3A : i32 to vector<16xi32>
        %shift_left3A_239 = arith.shli %sub3A_237, %shift_left3A_238 : vector<16xi32>
        %mul3A_240 = arith.constant 2048 : i32
        %mul3A_241 = arith.muli %scan3A_202, %mul3A_240 : i32
        %add3A_242 = arith.constant 0 : i32
        %add3A_243 = arith.addi %add3A_242, %mul3A_241 : i32
        %mul3A_244 = arith.constant 16 : i32
        %mul3A_245 = arith.muli %scan3A_224, %mul3A_244 : i32
        %add3A_246 = arith.addi %add3A_243, %mul3A_245 : i32
        %add3A_247 = vector.broadcast %add3A_246 : i32 to vector<16xi32>
        %add3A_248 = arith.addi %iota3A, %add3A_247 : vector<16xi32>
        %or3A = arith.ori %shift_left3A_239, %add3A_248 : vector<16xi32>
        %swap3A_249 = arith.index_cast %scan3A_225 : i32 to index
        %swap3A_250 = tpu.vector_load %arg9[%swap3A_249] masked %and3A_235 {strides = array<i32>} : memref<16400xi32, #tpu.memory_space<vmem>>, vector<16xi32>, vector<16xi1>
        tpu.vector_store %arg9[%swap3A_249], %or3A masked %and3A_235 {strides = array<i32>} : memref<16400xi32, #tpu.memory_space<vmem>>, vector<16xi32>, vector<16xi1>
        %all_reduce_population_count3A = tpu.all_reduce %and3A_235 {dim = 0 : i64, kind = #tpu.reduction_kind<sum>} : vector<16xi1> -> vector<16xi32>
        %slice3A = vector.extract_strided_slice %all_reduce_population_count3A {offsets = [0], sizes = [1], strides = [1]} : vector<16xi32> to vector<1xi32>
        %squeeze3A = vector.extract %slice3A[0] : i32 from vector<1xi32>
        %add3A_251 = arith.addi %scan3A_225, %squeeze3A : i32
        scf.yield %add3A_251 : i32
      }
      %scan3A_223 = arith.constant 128 : i32
      scf.yield %scan3A_222 : i32
    }
    %scan3A_125 = arith.constant 8 : i32
    %scan3A_126 = arith.constant 0 : i32
    %scan3A_127 = arith.constant 18 : i32
    %scan3A_128 = arith.addi %scan3A_126, %scan3A_127 : i32
    %scan3A_129 = arith.constant 1 : i32
    scf.for %scan3A_202 = %scan3A_126 to %scan3A_128 step %scan3A_129  : i32 {
      %mul3A_203 = arith.constant 16 : i32
      %mul3A_204 = arith.muli %scan3A_202, %mul3A_203 : i32
      %add3A_205 = arith.constant 0 : i32
      %add3A_206 = arith.addi %add3A_205, %mul3A_204 : i32
      %swap3A_207 = arith.index_cast %add3A_206 : i32 to index
      %swap3A_208 = tpu.vector_load %arg14[%swap3A_207] {strides = array<i32>} : memref<288xi32, #tpu.memory_space<vmem>>, vector<16xi32>,
      tpu.vector_store %arg14[%swap3A_207], %broadcast_in_dim3A_70 {strides = array<i32>} : memref<288xi32, #tpu.memory_space<vmem>>, vector<16xi32>,
    }
    %scan3A_130 = arith.constant 18 : i32
    %while3A_131 = arith.constant 0 : i32
    %while3A_132 = arith.constant 0 : i32
    %while3A_133 = arith.subi %scan3A_124, %while3A_131 : i32
    %while3A_134 = arith.addi %while3A_131, %while3A_133 : i32
    %while3A_135 = arith.constant 1 : i32
    %while3A_136 = arith.divsi %while3A_133, %while3A_135 : i32
    %while3A_137 = arith.muli %while3A_136, %while3A_135 : i32
    %while3A_138 = arith.addi %while3A_131, %while3A_137 : i32
    %while3A_139 = arith.constant 1 : i32
    %while3A_140 = scf.for %while3A_202 = %while3A_131 to %while3A_138 step %while3A_139 iter_args(%while3A_203 = %while3A_132) -> (i32)  : i32 {
      %get3A = arith.index_cast %while3A_202 : i32 to index
      %get3A_204 = tpu.vector_load %arg9[%get3A] {strides = array<i32>} : memref<16400xi32, #tpu.memory_space<vmem>>, vector<16xi32>,
      %slice3A = vector.extract_strided_slice %get3A_204 {offsets = [0], sizes = [1], strides = [1]} : vector<16xi32> to vector<1xi32>
      %squeeze3A = vector.extract %slice3A[0] : i32 from vector<1xi32>
      %shift_right_arithmetic3A = arith.constant 21 : i32
      %shift_right_arithmetic3A_205 = arith.shrsi %squeeze3A, %shift_right_arithmetic3A : i32
      %get3A_206 = arith.index_cast %shift_right_arithmetic3A_205 : i32 to index
      %get3A_207 = tpu.vector_load %arg14[%get3A_206] {strides = array<i32>} : memref<288xi32, #tpu.memory_space<vmem>>, vector<16xi32>,
      %slice3A_208 = vector.extract_strided_slice %get3A_207 {offsets = [0], sizes = [1], strides = [1]} : vector<16xi32> to vector<1xi32>
      %squeeze3A_209 = vector.extract %slice3A_208[0] : i32 from vector<1xi32>
      %add3A_210 = arith.constant 1 : i32
      %add3A_211 = arith.addi %squeeze3A_209, %add3A_210 : i32
      %broadcast_in_dim3A_212 = vector.broadcast %add3A_211 : i32 to vector<16xi32>
      %swap3A_213 = arith.index_cast %shift_right_arithmetic3A_205 : i32 to index
      %swap3A_214 = tpu.vector_load %arg14[%swap3A_213] masked %eq3A_53 {strides = array<i32>} : memref<288xi32, #tpu.memory_space<vmem>>, vector<16xi32>, vector<16xi1>
      tpu.vector_store %arg14[%swap3A_213], %broadcast_in_dim3A_212 masked %eq3A_53 {strides = array<i32>} : memref<288xi32, #tpu.memory_space<vmem>>, vector<16xi32>, vector<16xi1>
      %while3A_215 = arith.constant 0 : i32
      scf.yield %while3A_215 : i32
    }
    %while3A_141 = arith.constant 1 : i32
    %while3A_142 = scf.for %while3A_202 = %while3A_138 to %while3A_134 step %while3A_141 iter_args(%while3A_203 = %while3A_140) -> (i32)  : i32 {
      %get3A = arith.index_cast %while3A_202 : i32 to index
      %get3A_204 = tpu.vector_load %arg9[%get3A] {strides = array<i32>} : memref<16400xi32, #tpu.memory_space<vmem>>, vector<16xi32>,
      %slice3A = vector.extract_strided_slice %get3A_204 {offsets = [0], sizes = [1], strides = [1]} : vector<16xi32> to vector<1xi32>
      %squeeze3A = vector.extract %slice3A[0] : i32 from vector<1xi32>
      %shift_right_arithmetic3A = arith.constant 21 : i32
      %shift_right_arithmetic3A_205 = arith.shrsi %squeeze3A, %shift_right_arithmetic3A : i32
      %get3A_206 = arith.index_cast %shift_right_arithmetic3A_205 : i32 to index
      %get3A_207 = tpu.vector_load %arg14[%get3A_206] {strides = array<i32>} : memref<288xi32, #tpu.memory_space<vmem>>, vector<16xi32>,
      %slice3A_208 = vector.extract_strided_slice %get3A_207 {offsets = [0], sizes = [1], strides = [1]} : vector<16xi32> to vector<1xi32>
      %squeeze3A_209 = vector.extract %slice3A_208[0] : i32 from vector<1xi32>
      %add3A_210 = arith.constant 1 : i32
      %add3A_211 = arith.addi %squeeze3A_209, %add3A_210 : i32
      %broadcast_in_dim3A_212 = vector.broadcast %add3A_211 : i32 to vector<16xi32>
      %swap3A_213 = arith.index_cast %shift_right_arithmetic3A_205 : i32 to index
      %swap3A_214 = tpu.vector_load %arg14[%swap3A_213] masked %eq3A_53 {strides = array<i32>} : memref<288xi32, #tpu.memory_space<vmem>>, vector<16xi32>, vector<16xi1>
      tpu.vector_store %arg14[%swap3A_213], %broadcast_in_dim3A_212 masked %eq3A_53 {strides = array<i32>} : memref<288xi32, #tpu.memory_space<vmem>>, vector<16xi32>, vector<16xi1>
      %while3A_215 = arith.constant 0 : i32
      scf.yield %while3A_215 : i32
    }
    %scan3A_143 = arith.constant 0 : i32
    %scan3A_144 = arith.constant 0 : i32
    %scan3A_145 = arith.constant 17 : i32
    %scan3A_146 = arith.addi %scan3A_144, %scan3A_145 : i32
    %scan3A_147 = arith.constant 1 : i32
    %scan3A_148 = scf.for %scan3A_202 = %scan3A_144 to %scan3A_146 step %scan3A_147 iter_args(%scan3A_203 = %scan3A_143) -> (i32)  : i32 {
      %mul3A_204 = arith.constant 16 : i32
      %mul3A_205 = arith.muli %scan3A_202, %mul3A_204 : i32
      %get3A = arith.index_cast %mul3A_205 : i32 to index
      %get3A_206 = tpu.vector_load %arg14[%get3A] {strides = array<i32>} : memref<288xi32, #tpu.memory_space<vmem>>, vector<16xi32>,
      %broadcast_in_dim3A_207 = arith.constant true
      %broadcast_in_dim3A_208 = vector.broadcast %broadcast_in_dim3A_207 : i1 to vector<16xi1>
      %masked_cumsum3A = tpu.scan <sum>, %get3A_206 masked %broadcast_in_dim3A_208 : vector<16xi32>, vector<16xi1> -> vector<16xi32>
      %sub3A_209 = arith.subi %masked_cumsum3A, %get3A_206 : vector<16xi32>
      %add3A_210 = vector.broadcast %scan3A_203 : i32 to vector<16xi32>
      %add3A_211 = arith.addi %sub3A_209, %add3A_210 : vector<16xi32>
      %mul3A_212 = arith.constant 16 : i32
      %mul3A_213 = arith.muli %scan3A_202, %mul3A_212 : i32
      %swap3A_214 = arith.index_cast %mul3A_213 : i32 to index
      %swap3A_215 = tpu.vector_load %arg13[%swap3A_214] {strides = array<i32>} : memref<288xi32, #tpu.memory_space<vmem>>, vector<16xi32>,
      tpu.vector_store %arg13[%swap3A_214], %add3A_211 {strides = array<i32>} : memref<288xi32, #tpu.memory_space<vmem>>, vector<16xi32>,
      %mul3A_216 = arith.constant 16 : i32
      %mul3A_217 = arith.muli %scan3A_202, %mul3A_216 : i32
      %swap3A_218 = arith.index_cast %mul3A_217 : i32 to index
      %swap3A_219 = tpu.vector_load %arg14[%swap3A_218] {strides = array<i32>} : memref<288xi32, #tpu.memory_space<vmem>>, vector<16xi32>,
      tpu.vector_store %arg14[%swap3A_218], %add3A_211 {strides = array<i32>} : memref<288xi32, #tpu.memory_space<vmem>>, vector<16xi32>,
      %slice3A = vector.extract_strided_slice %masked_cumsum3A {offsets = [15], sizes = [1], strides = [1]} : vector<16xi32> to vector<1xi32>
      %squeeze3A = vector.extract %slice3A[0] : i32 from vector<1xi32>
      %add3A_220 = arith.addi %scan3A_203, %squeeze3A : i32
      scf.yield %add3A_220 : i32
    }
    %scan3A_149 = arith.constant 17 : i32
    %broadcast_in_dim3A_150 = vector.broadcast %scan3A_124 : i32 to vector<16xi32>
    %swap3A_151 = arith.constant 272 : index
    %swap3A_152 = tpu.vector_load %arg13[%swap3A_151] {strides = array<i32>} : memref<288xi32, #tpu.memory_space<vmem>>, vector<16xi32>,
    tpu.vector_store %arg13[%swap3A_151], %broadcast_in_dim3A_150 {strides = array<i32>} : memref<288xi32, #tpu.memory_space<vmem>>, vector<16xi32>,
    %while3A_153 = arith.constant 0 : i32
    %while3A_154 = arith.constant 0 : i32
    %while3A_155 = arith.subi %scan3A_124, %while3A_153 : i32
    %while3A_156 = arith.addi %while3A_153, %while3A_155 : i32
    %while3A_157 = arith.constant 1 : i32
    %while3A_158 = arith.divsi %while3A_155, %while3A_157 : i32
    %while3A_159 = arith.muli %while3A_158, %while3A_157 : i32
    %while3A_160 = arith.addi %while3A_153, %while3A_159 : i32
    %while3A_161 = arith.constant 1 : i32
    %while3A_162 = scf.for %while3A_202 = %while3A_153 to %while3A_160 step %while3A_161 iter_args(%while3A_203 = %while3A_154) -> (i32)  : i32 {
      %get3A = arith.index_cast %while3A_202 : i32 to index
      %get3A_204 = tpu.vector_load %arg9[%get3A] {strides = array<i32>} : memref<16400xi32, #tpu.memory_space<vmem>>, vector<16xi32>,
      %slice3A = vector.extract_strided_slice %get3A_204 {offsets = [0], sizes = [1], strides = [1]} : vector<16xi32> to vector<1xi32>
      %squeeze3A = vector.extract %slice3A[0] : i32 from vector<1xi32>
      %shift_right_arithmetic3A = arith.constant 21 : i32
      %shift_right_arithmetic3A_205 = arith.shrsi %squeeze3A, %shift_right_arithmetic3A : i32
      %get3A_206 = arith.index_cast %shift_right_arithmetic3A_205 : i32 to index
      %get3A_207 = tpu.vector_load %arg14[%get3A_206] {strides = array<i32>} : memref<288xi32, #tpu.memory_space<vmem>>, vector<16xi32>,
      %slice3A_208 = vector.extract_strided_slice %get3A_207 {offsets = [0], sizes = [1], strides = [1]} : vector<16xi32> to vector<1xi32>
      %squeeze3A_209 = vector.extract %slice3A_208[0] : i32 from vector<1xi32>
      %broadcast_in_dim3A_210 = vector.broadcast %squeeze3A : i32 to vector<16xi32>
      %swap3A_211 = arith.index_cast %squeeze3A_209 : i32 to index
      %swap3A_212 = tpu.vector_load %arg11[%swap3A_211] masked %eq3A_53 {strides = array<i32>} : memref<16400xi32, #tpu.memory_space<vmem>>, vector<16xi32>, vector<16xi1>
      tpu.vector_store %arg11[%swap3A_211], %broadcast_in_dim3A_210 masked %eq3A_53 {strides = array<i32>} : memref<16400xi32, #tpu.memory_space<vmem>>, vector<16xi32>, vector<16xi1>
      %add3A_213 = arith.constant 1 : i32
      %add3A_214 = arith.addi %squeeze3A_209, %add3A_213 : i32
      %broadcast_in_dim3A_215 = vector.broadcast %add3A_214 : i32 to vector<16xi32>
      %swap3A_216 = arith.index_cast %shift_right_arithmetic3A_205 : i32 to index
      %swap3A_217 = tpu.vector_load %arg14[%swap3A_216] masked %eq3A_53 {strides = array<i32>} : memref<288xi32, #tpu.memory_space<vmem>>, vector<16xi32>, vector<16xi1>
      tpu.vector_store %arg14[%swap3A_216], %broadcast_in_dim3A_215 masked %eq3A_53 {strides = array<i32>} : memref<288xi32, #tpu.memory_space<vmem>>, vector<16xi32>, vector<16xi1>
      %while3A_218 = arith.constant 0 : i32
      scf.yield %while3A_218 : i32
    }
    %while3A_163 = arith.constant 1 : i32
    %while3A_164 = scf.for %while3A_202 = %while3A_160 to %while3A_156 step %while3A_163 iter_args(%while3A_203 = %while3A_162) -> (i32)  : i32 {
      %get3A = arith.index_cast %while3A_202 : i32 to index
      %get3A_204 = tpu.vector_load %arg9[%get3A] {strides = array<i32>} : memref<16400xi32, #tpu.memory_space<vmem>>, vector<16xi32>,
      %slice3A = vector.extract_strided_slice %get3A_204 {offsets = [0], sizes = [1], strides = [1]} : vector<16xi32> to vector<1xi32>
      %squeeze3A = vector.extract %slice3A[0] : i32 from vector<1xi32>
      %shift_right_arithmetic3A = arith.constant 21 : i32
      %shift_right_arithmetic3A_205 = arith.shrsi %squeeze3A, %shift_right_arithmetic3A : i32
      %get3A_206 = arith.index_cast %shift_right_arithmetic3A_205 : i32 to index
      %get3A_207 = tpu.vector_load %arg14[%get3A_206] {strides = array<i32>} : memref<288xi32, #tpu.memory_space<vmem>>, vector<16xi32>,
      %slice3A_208 = vector.extract_strided_slice %get3A_207 {offsets = [0], sizes = [1], strides = [1]} : vector<16xi32> to vector<1xi32>
      %squeeze3A_209 = vector.extract %slice3A_208[0] : i32 from vector<1xi32>
      %broadcast_in_dim3A_210 = vector.broadcast %squeeze3A : i32 to vector<16xi32>
      %swap3A_211 = arith.index_cast %squeeze3A_209 : i32 to index
      %swap3A_212 = tpu.vector_load %arg11[%swap3A_211] masked %eq3A_53 {strides = array<i32>} : memref<16400xi32, #tpu.memory_space<vmem>>, vector<16xi32>, vector<16xi1>
      tpu.vector_store %arg11[%swap3A_211], %broadcast_in_dim3A_210 masked %eq3A_53 {strides = array<i32>} : memref<16400xi32, #tpu.memory_space<vmem>>, vector<16xi32>, vector<16xi1>
      %add3A_213 = arith.constant 1 : i32
      %add3A_214 = arith.addi %squeeze3A_209, %add3A_213 : i32
      %broadcast_in_dim3A_215 = vector.broadcast %add3A_214 : i32 to vector<16xi32>
      %swap3A_216 = arith.index_cast %shift_right_arithmetic3A_205 : i32 to index
      %swap3A_217 = tpu.vector_load %arg14[%swap3A_216] masked %eq3A_53 {strides = array<i32>} : memref<288xi32, #tpu.memory_space<vmem>>, vector<16xi32>, vector<16xi1>
      tpu.vector_store %arg14[%swap3A_216], %broadcast_in_dim3A_215 masked %eq3A_53 {strides = array<i32>} : memref<288xi32, #tpu.memory_space<vmem>>, vector<16xi32>, vector<16xi1>
      %while3A_218 = arith.constant 0 : i32
      scf.yield %while3A_218 : i32
    }
    %scan3A_165 = arith.constant 0 : i32
    %scan3A_166 = arith.constant 0 : i32
    %scan3A_167 = arith.constant 17 : i32
    %scan3A_168 = arith.addi %scan3A_166, %scan3A_167 : i32
    %scan3A_169 = arith.constant 1 : i32
    %scan3A_170 = scf.for %scan3A_202 = %scan3A_166 to %scan3A_168 step %scan3A_169 iter_args(%scan3A_203 = %scan3A_165) -> (i32)  : i32 {
      %mul3A_204 = arith.constant 16 : i32
      %mul3A_205 = arith.muli %scan3A_202, %mul3A_204 : i32
      %add3A_206 = vector.broadcast %mul3A_205 : i32 to vector<16xi32>
      %add3A_207 = arith.addi %iota3A, %add3A_206 : vector<16xi32>
      %mul3A_208 = arith.constant 16 : i32
      %mul3A_209 = arith.muli %scan3A_202, %mul3A_208 : i32
      %add3A_210 = arith.constant 1 : i32
      %add3A_211 = arith.addi %mul3A_209, %add3A_210 : i32
      %get3A = arith.index_cast %add3A_211 : i32 to index
      %get3A_212 = tpu.vector_load %arg12[%get3A] {strides = array<i32>} : memref<288xi32, #tpu.memory_space<vmem>>, vector<16xi32>,
      %mul3A_213 = arith.constant 16 : i32
      %mul3A_214 = arith.muli %scan3A_202, %mul3A_213 : i32
      %get3A_215 = arith.index_cast %mul3A_214 : i32 to index
      %get3A_216 = tpu.vector_load %arg12[%get3A_215] {strides = array<i32>} : memref<288xi32, #tpu.memory_space<vmem>>, vector<16xi32>,
      %sub3A_217 = arith.subi %get3A_212, %get3A_216 : vector<16xi32>
      %mul3A_218 = arith.constant 16 : i32
      %mul3A_219 = arith.muli %scan3A_202, %mul3A_218 : i32
      %add3A_220 = arith.constant 1 : i32
      %add3A_221 = arith.addi %mul3A_219, %add3A_220 : i32
      %get3A_222 = arith.index_cast %add3A_221 : i32 to index
      %get3A_223 = tpu.vector_load %arg13[%get3A_222] {strides = array<i32>} : memref<288xi32, #tpu.memory_space<vmem>>, vector<16xi32>,
      %mul3A_224 = arith.constant 16 : i32
      %mul3A_225 = arith.muli %scan3A_202, %mul3A_224 : i32
      %get3A_226 = arith.index_cast %mul3A_225 : i32 to index
      %get3A_227 = tpu.vector_load %arg13[%get3A_226] {strides = array<i32>} : memref<288xi32, #tpu.memory_space<vmem>>, vector<16xi32>,
      %sub3A_228 = arith.subi %get3A_223, %get3A_227 : vector<16xi32>
      %gt3A = arith.constant 0 : i32
      %gt3A_229 = vector.broadcast %gt3A : i32 to vector<16xi32>
      %gt3A_230 = arith.cmpi sgt, %sub3A_217, %gt3A_229 : vector<16xi32>
      %gt3A_231 = arith.constant 0 : i32
      %gt3A_232 = vector.broadcast %gt3A_231 : i32 to vector<16xi32>
      %gt3A_233 = arith.cmpi sgt, %sub3A_228, %gt3A_232 : vector<16xi32>
      %or3A = arith.ori %gt3A_230, %gt3A_233 : vector<16xi1>
      %lt3A = vector.broadcast %sub3A_47 : i32 to vector<16xi32>
      %lt3A_234 = arith.cmpi slt, %add3A_207, %lt3A : vector<16xi32>
      %and3A_235 = arith.andi %or3A, %lt3A_234 : vector<16xi1>
      %swap3A_236 = arith.index_cast %scan3A_203 : i32 to index
      %swap3A_237 = tpu.vector_load %arg15[%swap3A_236] masked %and3A_235 {strides = array<i32>} : memref<288xi32, #tpu.memory_space<vmem>>, vector<16xi32>, vector<16xi1>
      tpu.vector_store %arg15[%swap3A_236], %add3A_207 masked %and3A_235 {strides = array<i32>} : memref<288xi32, #tpu.memory_space<vmem>>, vector<16xi32>, vector<16xi1>
      %all_reduce_population_count3A = tpu.all_reduce %and3A_235 {dim = 0 : i64, kind = #tpu.reduction_kind<sum>} : vector<16xi1> -> vector<16xi32>
      %slice3A = vector.extract_strided_slice %all_reduce_population_count3A {offsets = [0], sizes = [1], strides = [1]} : vector<16xi32> to vector<1xi32>
      %squeeze3A = vector.extract %slice3A[0] : i32 from vector<1xi32>
      %add3A_238 = arith.addi %scan3A_203, %squeeze3A : i32
      scf.yield %add3A_238 : i32
    }
    %scan3A_171 = arith.constant 17 : i32
    %scan3A_172 = arith.constant 0 : i32
    %scan3A_173 = arith.constant 4 : i32
    %scan3A_174 = arith.addi %scan3A_172, %scan3A_173 : i32
    %scan3A_175 = arith.constant 1 : i32
    scf.for %scan3A_202 = %scan3A_172 to %scan3A_174 step %scan3A_175  : i32 {
      %mul3A_203 = arith.constant 1 : i32
      %mul3A_204 = arith.muli %scan3A_202, %mul3A_203 : i32
      %add3A_205 = arith.constant 0 : i32
      %add3A_206 = arith.addi %add3A_205, %mul3A_204 : i32
      %lt3A = arith.cmpi slt, %add3A_206, %scan3A_170 : i32
      %convert_element_type3A = arith.extui %lt3A : i1 to i32
      %cond3A = arith.constant 0 : i32
      %cond3A_207 = arith.cmpi ne, %convert_element_type3A, %cond3A : i32
      scf.if %cond3A_207 {
        %jit3A_208 = arith.constant 4 : i32
        %eq3A_209 = arith.constant 0 : i32
        %eq3A_210 = arith.cmpi eq, %jit3A_208, %eq3A_209 : i32
        %jit3A_211 = arith.constant 1 : i32
        %select_n3A_212 = arith.select %eq3A_210, %jit3A_211, %jit3A_208 : i32
        %rem3A_213 = arith.remsi %add3A_206, %select_n3A_212 : i32
        %ne3A_214 = arith.constant 0 : i32
        %ne3A_215 = arith.cmpi ne, %rem3A_213, %ne3A_214 : i32
        %lt3A_216 = arith.constant 0 : i32
        %lt3A_217 = arith.cmpi slt, %rem3A_213, %lt3A_216 : i32
        %lt3A_218 = arith.constant 0 : i32
        %lt3A_219 = arith.cmpi slt, %select_n3A_212, %lt3A_218 : i32
        %ne3A_220 = arith.xori %lt3A_217, %lt3A_219 : i1
        %and3A_221 = arith.andi %ne3A_220, %ne3A_215 : i1
        %add3A_222 = arith.addi %rem3A_213, %select_n3A_212 : i32
        %select_n3A_223 = arith.select %and3A_221, %add3A_222, %rem3A_213 : i32
        %get3A = arith.index_cast %add3A_206 : i32 to index
        %get3A_224 = tpu.vector_load %arg15[%get3A] {strides = array<i32>} : memref<288xi32, #tpu.memory_space<vmem>>, vector<16xi32>,
        %slice3A = vector.extract_strided_slice %get3A_224 {offsets = [0], sizes = [1], strides = [1]} : vector<16xi32> to vector<1xi32>
        %squeeze3A = vector.extract %slice3A[0] : i32 from vector<1xi32>
        %add3A_225 = arith.addi %select_n3A, %squeeze3A : i32
        %mul3A_226 = arith.constant 128 : i32
        %mul3A_227 = arith.muli %add3A_225, %mul3A_226 : i32
        %multiple_of3A = tpu.assume_multiple %mul3A_227, 128 : i32
        %dma_start3A_228 = arith.constant 0 : i32
        %dma_start3A_229 = arith.constant 0 : i32
        %dma_start3A_230 = tpu.memref_slice %arg16[%select_n3A_223, %dma_start3A_228, %dma_start3A_229] : memref<4x64x128xf32, #tpu.memory_space<vmem>> -> memref<1x64x128xf32, #tpu.memory_space<vmem>>
        %dma_start3A_231 = tpu.memref_squeeze %dma_start3A_230 : memref<1x64x128xf32, #tpu.memory_space<vmem>> -> memref<64x128xf32, #tpu.memory_space<vmem>>
        %dma_start3A_232 = arith.constant 0 : i32
        %dma_start3A_233 = tpu.memref_slice %arg4[%dma_start3A_232, %multiple_of3A] : memref<64x1000000xf32, #tpu.memory_space<hbm>> -> memref<64x128xf32, #tpu.memory_space<hbm>>
        %dma_start3A_234 = arith.constant 0 : i32
        %dma_start3A_235 = arith.constant 0 : i32
        %dma_start3A_236 = tpu.memref_slice %arg16[%select_n3A_223, %dma_start3A_234, %dma_start3A_235] : memref<4x64x128xf32, #tpu.memory_space<vmem>> -> memref<1x64x128xf32, #tpu.memory_space<vmem>>
        %dma_start3A_237 = tpu.memref_squeeze %dma_start3A_236 : memref<1x64x128xf32, #tpu.memory_space<vmem>> -> memref<64x128xf32, #tpu.memory_space<vmem>>
        %dma_start3A_238 = arith.constant 0 : i32
        %dma_start3A_239 = tpu.memref_slice %arg4[%dma_start3A_238, %multiple_of3A] : memref<64x1000000xf32, #tpu.memory_space<hbm>> -> memref<64x128xf32, #tpu.memory_space<hbm>>
        tpu.enqueue_dma source(%dma_start3A_239 : memref<64x128xf32, #tpu.memory_space<hbm>>) target(%dma_start3A_237 : memref<64x128xf32, #tpu.memory_space<vmem>>) target_semaphore(%arg24 : memref<!tpu.dma_semaphore, #tpu.memory_space<semaphore_mem>>)
        %dma_start3A_240 = arith.constant 0 : i32
        %dma_start3A_241 = arith.constant 0 : i32
        %dma_start3A_242 = tpu.memref_slice %arg17[%select_n3A_223, %dma_start3A_240, %dma_start3A_241] : memref<4x64x128xf32, #tpu.memory_space<vmem>> -> memref<1x64x128xf32, #tpu.memory_space<vmem>>
        %dma_start3A_243 = tpu.memref_squeeze %dma_start3A_242 : memref<1x64x128xf32, #tpu.memory_space<vmem>> -> memref<64x128xf32, #tpu.memory_space<vmem>>
        %dma_start3A_244 = arith.constant 0 : i32
        %dma_start3A_245 = tpu.memref_slice %arg5[%dma_start3A_244, %multiple_of3A] : memref<64x1000000xf32, #tpu.memory_space<hbm>> -> memref<64x128xf32, #tpu.memory_space<hbm>>
        %dma_start3A_246 = arith.constant 0 : i32
        %dma_start3A_247 = arith.constant 0 : i32
        %dma_start3A_248 = tpu.memref_slice %arg17[%select_n3A_223, %dma_start3A_246, %dma_start3A_247] : memref<4x64x128xf32, #tpu.memory_space<vmem>> -> memref<1x64x128xf32, #tpu.memory_space<vmem>>
        %dma_start3A_249 = tpu.memref_squeeze %dma_start3A_248 : memref<1x64x128xf32, #tpu.memory_space<vmem>> -> memref<64x128xf32, #tpu.memory_space<vmem>>
        %dma_start3A_250 = arith.constant 0 : i32
        %dma_start3A_251 = tpu.memref_slice %arg5[%dma_start3A_250, %multiple_of3A] : memref<64x1000000xf32, #tpu.memory_space<hbm>> -> memref<64x128xf32, #tpu.memory_space<hbm>>
        tpu.enqueue_dma source(%dma_start3A_251 : memref<64x128xf32, #tpu.memory_space<hbm>>) target(%dma_start3A_249 : memref<64x128xf32, #tpu.memory_space<vmem>>) target_semaphore(%arg25 : memref<!tpu.dma_semaphore, #tpu.memory_space<semaphore_mem>>)
      } else {
      }
    }
    %scan3A_176 = arith.constant 4 : i32
    %scan3A_177 = arith.constant 0 : i32
    %scan3A_178 = arith.constant 2 : i32
    %scan3A_179 = arith.addi %scan3A_177, %scan3A_178 : i32
    %scan3A_180 = arith.constant 1 : i32
    scf.for %scan3A_202 = %scan3A_177 to %scan3A_179 step %scan3A_180  : i32 {
      %mul3A_203 = arith.constant 16 : i32
      %mul3A_204 = arith.muli %scan3A_202, %mul3A_203 : i32
      %add3A_205 = arith.constant 0 : i32
      %add3A_206 = arith.addi %add3A_205, %mul3A_204 : i32
      %add3A_207 = arith.constant 16384 : i32
      %add3A_208 = arith.addi %add3A_207, %add3A_206 : i32
      %add3A_209 = vector.broadcast %add3A_208 : i32 to vector<16xi32>
      %add3A_210 = arith.addi %iota3A, %add3A_209 : vector<16xi32>
      %swap3A_211 = arith.index_cast %add3A_206 : i32 to index
      %swap3A_212 = tpu.vector_load %arg21[%swap3A_211] {strides = array<i32>} : memref<32xi32, #tpu.memory_space<vmem>>, vector<16xi32>,
      tpu.vector_store %arg21[%swap3A_211], %add3A_210 {strides = array<i32>} : memref<32xi32, #tpu.memory_space<vmem>>, vector<16xi32>,
      %add3A_213 = arith.constant 16384 : i32
      %add3A_214 = arith.addi %add3A_213, %add3A_206 : i32
      %add3A_215 = vector.broadcast %add3A_214 : i32 to vector<16xi32>
      %add3A_216 = arith.addi %iota3A, %add3A_215 : vector<16xi32>
      %swap3A_217 = arith.index_cast %add3A_206 : i32 to index
      %swap3A_218 = tpu.vector_load %arg22[%swap3A_217] {strides = array<i32>} : memref<32xi32, #tpu.memory_space<vmem>>, vector<16xi32>,
      tpu.vector_store %arg22[%swap3A_217], %add3A_216 {strides = array<i32>} : memref<32xi32, #tpu.memory_space<vmem>>, vector<16xi32>,
    }
    %scan3A_181 = arith.constant 2 : i32
    %broadcast_in_dim3A_182 = arith.constant 0 : i32
    %broadcast_in_dim3A_183 = vector.broadcast %broadcast_in_dim3A_182 : i32 to vector<16xi32>
    %swap3A_184 = arith.constant 0 : index
    %swap3A_185 = tpu.vector_load %arg18[%swap3A_184] {strides = array<i32>} : memref<32xi32, #tpu.memory_space<vmem>>, vector<16xi32>,
    tpu.vector_store %arg18[%swap3A_184], %broadcast_in_dim3A_183 {strides = array<i32>} : memref<32xi32, #tpu.memory_space<vmem>>, vector<16xi32>,
    %broadcast_in_dim3A_186 = arith.constant 0 : i32
    %broadcast_in_dim3A_187 = vector.broadcast %broadcast_in_dim3A_186 : i32 to vector<16xi32>
    %swap3A_188 = arith.constant 16 : index
    %swap3A_189 = tpu.vector_load %arg18[%swap3A_188] {strides = array<i32>} : memref<32xi32, #tpu.memory_space<vmem>>, vector<16xi32>,
    tpu.vector_store %arg18[%swap3A_188], %broadcast_in_dim3A_187 {strides = array<i32>} : memref<32xi32, #tpu.memory_space<vmem>>, vector<16xi32>,
    %while3A_190 = arith.constant 0 : i32
    %while3A_191 = arith.constant 0 : i32
    %while3A_192 = arith.subi %scan3A_170, %while3A_190 : i32
    %while3A_193 = arith.addi %while3A_190, %while3A_192 : i32
    %while3A_194 = arith.constant 1 : i32
    %while3A_195 = arith.divsi %while3A_192, %while3A_194 : i32
    %while3A_196 = arith.muli %while3A_195, %while3A_194 : i32
    %while3A_197 = arith.addi %while3A_190, %while3A_196 : i32
    %while3A_198 = arith.constant 1 : i32
    %while3A_199 = scf.for %while3A_202 = %while3A_190 to %while3A_197 step %while3A_198 iter_args(%while3A_203 = %while3A_191) -> (i32)  : i32 {
      %jit3A_204 = arith.constant 4 : i32
      %eq3A_205 = arith.constant 0 : i32
      %eq3A_206 = arith.cmpi eq, %jit3A_204, %eq3A_205 : i32
      %jit3A_207 = arith.constant 1 : i32
      %select_n3A_208 = arith.select %eq3A_206, %jit3A_207, %jit3A_204 : i32
      %rem3A_209 = arith.remsi %while3A_202, %select_n3A_208 : i32
      %ne3A_210 = arith.constant 0 : i32
      %ne3A_211 = arith.cmpi ne, %rem3A_209, %ne3A_210 : i32
      %lt3A = arith.constant 0 : i32
      %lt3A_212 = arith.cmpi slt, %rem3A_209, %lt3A : i32
      %lt3A_213 = arith.constant 0 : i32
      %lt3A_214 = arith.cmpi slt, %select_n3A_208, %lt3A_213 : i32
      %ne3A_215 = arith.xori %lt3A_212, %lt3A_214 : i1
      %and3A_216 = arith.andi %ne3A_215, %ne3A_211 : i1
      %add3A_217 = arith.addi %rem3A_209, %select_n3A_208 : i32
      %select_n3A_218 = arith.select %and3A_216, %add3A_217, %rem3A_209 : i32
      %get3A = arith.index_cast %while3A_202 : i32 to index
      %get3A_219 = tpu.vector_load %arg15[%get3A] {strides = array<i32>} : memref<288xi32, #tpu.memory_space<vmem>>, vector<16xi32>,
      %slice3A = vector.extract_strided_slice %get3A_219 {offsets = [0], sizes = [1], strides = [1]} : vector<16xi32> to vector<1xi32>
      %squeeze3A = vector.extract %slice3A[0] : i32 from vector<1xi32>
      %dma_wait3A = arith.constant 0 : i32
      %dma_wait3A_220 = arith.constant 0 : i32
      %dma_wait3A_221 = arith.constant 0 : i32
      %dma_wait3A_222 = tpu.memref_slice %arg16[%dma_wait3A, %dma_wait3A_220, %dma_wait3A_221] : memref<4x64x128xf32, #tpu.memory_space<vmem>> -> memref<1x64x128xf32, #tpu.memory_space<vmem>>
      %dma_wait3A_223 = tpu.memref_squeeze %dma_wait3A_222 : memref<1x64x128xf32, #tpu.memory_space<vmem>> -> memref<64x128xf32, #tpu.memory_space<vmem>>
      %dma_wait3A_224 = arith.constant 0 : i32
      %dma_wait3A_225 = arith.constant 0 : i32
      %dma_wait3A_226 = tpu.memref_slice %arg4[%dma_wait3A_224, %dma_wait3A_225] : memref<64x1000000xf32, #tpu.memory_space<hbm>> -> memref<64x128xf32, #tpu.memory_space<hbm>>
      %dma_wait3A_227 = arith.constant 0 : i32
      %dma_wait3A_228 = arith.constant 0 : i32
      %dma_wait3A_229 = tpu.memref_slice %arg16[%dma_wait3A, %dma_wait3A_227, %dma_wait3A_228] : memref<4x64x128xf32, #tpu.memory_space<vmem>> -> memref<1x64x128xf32, #tpu.memory_space<vmem>>
      %dma_wait3A_230 = tpu.memref_squeeze %dma_wait3A_229 : memref<1x64x128xf32, #tpu.memory_space<vmem>> -> memref<64x128xf32, #tpu.memory_space<vmem>>
      %dma_wait3A_231 = arith.constant 0 : i32
      %dma_wait3A_232 = arith.constant 0 : i32
      %dma_wait3A_233 = tpu.memref_slice %arg4[%dma_wait3A_231, %dma_wait3A_232] : memref<64x1000000xf32, #tpu.memory_space<hbm>> -> memref<64x128xf32, #tpu.memory_space<hbm>>
      tpu.wait_dma2 semaphore(%arg24 : memref<!tpu.dma_semaphore, #tpu.memory_space<semaphore_mem>>) src(%dma_wait3A_233 : memref<64x128xf32, #tpu.memory_space<hbm>>) dst(%dma_wait3A_230 : memref<64x128xf32, #tpu.memory_space<vmem>>)
      %dma_wait3A_234 = arith.constant 0 : i32
      %dma_wait3A_235 = arith.constant 0 : i32
      %dma_wait3A_236 = arith.constant 0 : i32
      %dma_wait3A_237 = tpu.memref_slice %arg17[%dma_wait3A_234, %dma_wait3A_235, %dma_wait3A_236] : memref<4x64x128xf32, #tpu.memory_space<vmem>> -> memref<1x64x128xf32, #tpu.memory_space<vmem>>
      %dma_wait3A_238 = tpu.memref_squeeze %dma_wait3A_237 : memref<1x64x128xf32, #tpu.memory_space<vmem>> -> memref<64x128xf32, #tpu.memory_space<vmem>>
      %dma_wait3A_239 = arith.constant 0 : i32
      %dma_wait3A_240 = arith.constant 0 : i32
      %dma_wait3A_241 = tpu.memref_slice %arg5[%dma_wait3A_239, %dma_wait3A_240] : memref<64x1000000xf32, #tpu.memory_space<hbm>> -> memref<64x128xf32, #tpu.memory_space<hbm>>
      %dma_wait3A_242 = arith.constant 0 : i32
      %dma_wait3A_243 = arith.constant 0 : i32
      %dma_wait3A_244 = tpu.memref_slice %arg17[%dma_wait3A_234, %dma_wait3A_242, %dma_wait3A_243] : memref<4x64x128xf32, #tpu.memory_space<vmem>> -> memref<1x64x128xf32, #tpu.memory_space<vmem>>
      %dma_wait3A_245 = tpu.memref_squeeze %dma_wait3A_244 : memref<1x64x128xf32, #tpu.memory_space<vmem>> -> memref<64x128xf32, #tpu.memory_space<vmem>>
      %dma_wait3A_246 = arith.constant 0 : i32
      %dma_wait3A_247 = arith.constant 0 : i32
      %dma_wait3A_248 = tpu.memref_slice %arg5[%dma_wait3A_246, %dma_wait3A_247] : memref<64x1000000xf32, #tpu.memory_space<hbm>> -> memref<64x128xf32, #tpu.memory_space<hbm>>
      tpu.wait_dma2 semaphore(%arg25 : memref<!tpu.dma_semaphore, #tpu.memory_space<semaphore_mem>>) src(%dma_wait3A_248 : memref<64x128xf32, #tpu.memory_space<hbm>>) dst(%dma_wait3A_245 : memref<64x128xf32, #tpu.memory_space<vmem>>)
      %get3A_249 = arith.index_cast %squeeze3A : i32 to index
      %get3A_250 = tpu.vector_load %arg12[%get3A_249] {strides = array<i32>} : memref<288xi32, #tpu.memory_space<vmem>>, vector<16xi32>,
      %slice3A_251 = vector.extract_strided_slice %get3A_250 {offsets = [0], sizes = [1], strides = [1]} : vector<16xi32> to vector<1xi32>
      %squeeze3A_252 = vector.extract %slice3A_251[0] : i32 from vector<1xi32>
      %slice3A_253 = vector.extract_strided_slice %get3A_250 {offsets = [1], sizes = [1], strides = [1]} : vector<16xi32> to vector<1xi32>
      %squeeze3A_254 = vector.extract %slice3A_253[0] : i32 from vector<1xi32>
      %while3A_255 = arith.constant 0 : i32
      %while3A_256 = arith.subi %squeeze3A_254, %squeeze3A_252 : i32
      %while3A_257 = arith.addi %squeeze3A_252, %while3A_256 : i32
      %while3A_258 = arith.constant 1 : i32
      %while3A_259 = arith.divsi %while3A_256, %while3A_258 : i32
      %while3A_260 = arith.muli %while3A_259, %while3A_258 : i32
      %while3A_261 = arith.addi %squeeze3A_252, %while3A_260 : i32
      %while3A_262 = arith.constant 1 : i32
      %while3A_263 = scf.for %while3A_288 = %squeeze3A_252 to %while3A_261 step %while3A_262 iter_args(%while3A_289 = %while3A_255) -> (i32)  : i32 {
        %get3A_290 = arith.index_cast %while3A_288 : i32 to index
        %get3A_291 = tpu.vector_load %arg10[%get3A_290] {strides = array<i32>} : memref<16400xi32, #tpu.memory_space<vmem>>, vector<16xi32>,
        %slice3A_292 = vector.extract_strided_slice %get3A_291 {offsets = [0], sizes = [1], strides = [1]} : vector<16xi32> to vector<1xi32>
        %squeeze3A_293 = vector.extract %slice3A_292[0] : i32 from vector<1xi32>
        %shift_right_arithmetic3A = arith.constant 14 : i32
        %shift_right_arithmetic3A_294 = arith.shrsi %squeeze3A_293, %shift_right_arithmetic3A : i32
        %and3A_295 = arith.constant 127 : i32
        %and3A_296 = arith.andi %shift_right_arithmetic3A_294, %and3A_295 : i32
        %broadcast_in_dim3A_297 = vector.broadcast %and3A_296 : i32 to vector<16xi32>
        %and3A_298 = arith.constant 16383 : i32
        %and3A_299 = arith.andi %squeeze3A_293, %and3A_298 : i32
        %get3A_300 = arith.constant 0 : index
        %get3A_301 = tpu.vector_load %arg18[%get3A_300] {strides = array<i32>} : memref<32xi32, #tpu.memory_space<vmem>>, vector<16xi32>,
        %slice3A_302 = vector.extract_strided_slice %get3A_301 {offsets = [0], sizes = [1], strides = [1]} : vector<16xi32> to vector<1xi32>
        %squeeze3A_303 = vector.extract %slice3A_302[0] : i32 from vector<1xi32>
        %add3A_304 = arith.constant 0 : i32
        %add3A_305 = vector.broadcast %add3A_304 : i32 to vector<16xi32>
        %add3A_306 = arith.addi %iota3A, %add3A_305 : vector<16xi32>
        %gather3A = arith.constant 0 : i32
        %gather3A_307 = arith.constant 0 : i32
        %gather3A_308 = tpu.memref_slice %arg16[%select_n3A_218, %gather3A, %gather3A_307] : memref<4x64x128xf32, #tpu.memory_space<vmem>> -> memref<1x64x128xf32, #tpu.memory_space<vmem>>
        %gather3A_309 = tpu.memref_squeeze %gather3A_308 : memref<1x64x128xf32, #tpu.memory_space<vmem>> -> memref<64x128xf32, #tpu.memory_space<vmem>>
        %gather3A_310 = tpu.vector_load_idx %gather3A_309[%add3A_306, %broadcast_in_dim3A_297] : memref<64x128xf32, #tpu.memory_space<vmem>>[vector<16xi32>, vector<16xi32>], vector<16xf32>,
        %swap3A_311 = arith.index_cast %squeeze3A_303 : i32 to index
        %swap3A_312 = arith.constant 0 : index
        %swap3A_313 = tpu.vector_load %arg19[%swap3A_311, %swap3A_312] {strides = array<i32>} : memref<32x128xf32, #tpu.memory_space<vmem>>, vector<16xf32>,
        tpu.vector_store %arg19[%swap3A_311, %swap3A_312], %gather3A_310 {strides = array<i32>} : memref<32x128xf32, #tpu.memory_space<vmem>>, vector<16xf32>,
        %add3A_314 = arith.constant 16 : i32
        %add3A_315 = vector.broadcast %add3A_314 : i32 to vector<16xi32>
        %add3A_316 = arith.addi %iota3A, %add3A_315 : vector<16xi32>
        %gather3A_317 = arith.constant 0 : i32
        %gather3A_318 = arith.constant 0 : i32
        %gather3A_319 = tpu.memref_slice %arg16[%select_n3A_218, %gather3A_317, %gather3A_318] : memref<4x64x128xf32, #tpu.memory_space<vmem>> -> memref<1x64x128xf32, #tpu.memory_space<vmem>>
        %gather3A_320 = tpu.memref_squeeze %gather3A_319 : memref<1x64x128xf32, #tpu.memory_space<vmem>> -> memref<64x128xf32, #tpu.memory_space<vmem>>
        %gather3A_321 = tpu.vector_load_idx %gather3A_320[%add3A_316, %broadcast_in_dim3A_297] : memref<64x128xf32, #tpu.memory_space<vmem>>[vector<16xi32>, vector<16xi32>], vector<16xf32>,
        %swap3A_322 = arith.index_cast %squeeze3A_303 : i32 to index
        %swap3A_323 = arith.constant 16 : index
        %swap3A_324 = tpu.vector_load %arg19[%swap3A_322, %swap3A_323] {strides = array<i32>} : memref<32x128xf32, #tpu.memory_space<vmem>>, vector<16xf32>,
        tpu.vector_store %arg19[%swap3A_322, %swap3A_323], %gather3A_321 {strides = array<i32>} : memref<32x128xf32, #tpu.memory_space<vmem>>, vector<16xf32>,
        %add3A_325 = arith.constant 32 : i32
        %add3A_326 = vector.broadcast %add3A_325 : i32 to vector<16xi32>
        %add3A_327 = arith.addi %iota3A, %add3A_326 : vector<16xi32>
        %gather3A_328 = arith.constant 0 : i32
        %gather3A_329 = arith.constant 0 : i32
        %gather3A_330 = tpu.memref_slice %arg16[%select_n3A_218, %gather3A_328, %gather3A_329] : memref<4x64x128xf32, #tpu.memory_space<vmem>> -> memref<1x64x128xf32, #tpu.memory_space<vmem>>
        %gather3A_331 = tpu.memref_squeeze %gather3A_330 : memref<1x64x128xf32, #tpu.memory_space<vmem>> -> memref<64x128xf32, #tpu.memory_space<vmem>>
        %gather3A_332 = tpu.vector_load_idx %gather3A_331[%add3A_327, %broadcast_in_dim3A_297] : memref<64x128xf32, #tpu.memory_space<vmem>>[vector<16xi32>, vector<16xi32>], vector<16xf32>,
        %swap3A_333 = arith.index_cast %squeeze3A_303 : i32 to index
        %swap3A_334 = arith.constant 32 : index
        %swap3A_335 = tpu.vector_load %arg19[%swap3A_333, %swap3A_334] {strides = array<i32>} : memref<32x128xf32, #tpu.memory_space<vmem>>, vector<16xf32>,
        tpu.vector_store %arg19[%swap3A_333, %swap3A_334], %gather3A_332 {strides = array<i32>} : memref<32x128xf32, #tpu.memory_space<vmem>>, vector<16xf32>,
        %add3A_336 = arith.constant 48 : i32
        %add3A_337 = vector.broadcast %add3A_336 : i32 to vector<16xi32>
        %add3A_338 = arith.addi %iota3A, %add3A_337 : vector<16xi32>
        %gather3A_339 = arith.constant 0 : i32
        %gather3A_340 = arith.constant 0 : i32
        %gather3A_341 = tpu.memref_slice %arg16[%select_n3A_218, %gather3A_339, %gather3A_340] : memref<4x64x128xf32, #tpu.memory_space<vmem>> -> memref<1x64x128xf32, #tpu.memory_space<vmem>>
        %gather3A_342 = tpu.memref_squeeze %gather3A_341 : memref<1x64x128xf32, #tpu.memory_space<vmem>> -> memref<64x128xf32, #tpu.memory_space<vmem>>
        %gather3A_343 = tpu.vector_load_idx %gather3A_342[%add3A_338, %broadcast_in_dim3A_297] : memref<64x128xf32, #tpu.memory_space<vmem>>[vector<16xi32>, vector<16xi32>], vector<16xf32>,
        %swap3A_344 = arith.index_cast %squeeze3A_303 : i32 to index
        %swap3A_345 = arith.constant 48 : index
        %swap3A_346 = tpu.vector_load %arg19[%swap3A_344, %swap3A_345] {strides = array<i32>} : memref<32x128xf32, #tpu.memory_space<vmem>>, vector<16xf32>,
        tpu.vector_store %arg19[%swap3A_344, %swap3A_345], %gather3A_343 {strides = array<i32>} : memref<32x128xf32, #tpu.memory_space<vmem>>, vector<16xf32>,
        %broadcast_in_dim3A_347 = vector.broadcast %and3A_299 : i32 to vector<16xi32>
        %swap3A_348 = arith.index_cast %squeeze3A_303 : i32 to index
        %swap3A_349 = tpu.vector_load %arg21[%swap3A_348] masked %eq3A_53 {strides = array<i32>} : memref<32xi32, #tpu.memory_space<vmem>>, vector<16xi32>, vector<16xi1>
        tpu.vector_store %arg21[%swap3A_348], %broadcast_in_dim3A_347 masked %eq3A_53 {strides = array<i32>} : memref<32xi32, #tpu.memory_space<vmem>>, vector<16xi32>, vector<16xi1>
        %add3A_350 = arith.constant 1 : i32
        %add3A_351 = arith.addi %squeeze3A_303, %add3A_350 : i32
        %eq3A_352 = arith.constant 32 : i32
        %eq3A_353 = arith.cmpi eq, %add3A_351, %eq3A_352 : i32
        %convert_element_type3A_354 = arith.extui %eq3A_353 : i1 to i32
        %cond3A_355 = arith.constant 0 : i32
        %cond3A_356 = arith.cmpi ne, %convert_element_type3A_354, %cond3A_355 : i32
        scf.if %cond3A_356 {
          "tpu.region"() ({
            %run_scoped3A = tpu.sem_alloc : memref<!tpu.dma_semaphore, #tpu.memory_space<semaphore_mem>>
            %dma_start3A_372 = arith.constant 0 : i32
            %dma_start3A_373 = arith.constant 0 : i32
            %dma_start3A_374 = tpu.memref_slice %arg6[%dma_start3A_372, %dma_start3A_373] : memref<16416x128xf32, #tpu.memory_space<hbm>> -> memref<16416x128xf32, #tpu.memory_space<hbm>>
            tpu.enqueue_indirect_dma source(%arg19 : memref<32x128xf32, #tpu.memory_space<vmem>>) target(%dma_start3A_374 : memref<16416x128xf32, #tpu.memory_space<hbm>>) offsets(%arg21 : memref<32xi32, #tpu.memory_space<vmem>>) semaphore(%run_scoped3A : memref<!tpu.dma_semaphore, #tpu.memory_space<semaphore_mem>>)
            %dma_wait3A_375 = arith.constant 0 : i32
            %dma_wait3A_376 = arith.constant 0 : i32
            %dma_wait3A_377 = tpu.memref_slice %arg6[%dma_wait3A_375, %dma_wait3A_376] : memref<16416x128xf32, #tpu.memory_space<hbm>> -> memref<16416x128xf32, #tpu.memory_space<hbm>>
            tpu.wait_indirect_dma semaphore(%run_scoped3A : memref<!tpu.dma_semaphore, #tpu.memory_space<semaphore_mem>>) src(%arg19 : memref<32x128xf32, #tpu.memory_space<vmem>>) dst(%dma_wait3A_377 : memref<16416x128xf32, #tpu.memory_space<hbm>>)
            tpu.yield
          }) : () -> ()
          %scan3A_363 = arith.constant 0 : i32
          %scan3A_364 = arith.constant 2 : i32
          %scan3A_365 = arith.addi %scan3A_363, %scan3A_364 : i32
          %scan3A_366 = arith.constant 1 : i32
          scf.for %scan3A_372 = %scan3A_363 to %scan3A_365 step %scan3A_366  : i32 {
            %mul3A_373 = arith.constant 16 : i32
            %mul3A_374 = arith.muli %scan3A_372, %mul3A_373 : i32
            %add3A_375 = arith.constant 0 : i32
            %add3A_376 = arith.addi %add3A_375, %mul3A_374 : i32
            %add3A_377 = arith.constant 16384 : i32
            %add3A_378 = arith.addi %add3A_377, %add3A_376 : i32
            %add3A_379 = vector.broadcast %add3A_378 : i32 to vector<16xi32>
            %add3A_380 = arith.addi %iota3A, %add3A_379 : vector<16xi32>
            %swap3A_381 = arith.index_cast %add3A_376 : i32 to index
            %swap3A_382 = tpu.vector_load %arg21[%swap3A_381] {strides = array<i32>} : memref<32xi32, #tpu.memory_space<vmem>>, vector<16xi32>,
            tpu.vector_store %arg21[%swap3A_381], %add3A_380 {strides = array<i32>} : memref<32xi32, #tpu.memory_space<vmem>>, vector<16xi32>,
          }
          %scan3A_367 = arith.constant 2 : i32
          %broadcast_in_dim3A_368 = arith.constant 0 : i32
          %broadcast_in_dim3A_369 = vector.broadcast %broadcast_in_dim3A_368 : i32 to vector<16xi32>
          %swap3A_370 = arith.constant 0 : index
          %swap3A_371 = tpu.vector_load %arg18[%swap3A_370] masked %eq3A_53 {strides = array<i32>} : memref<32xi32, #tpu.memory_space<vmem>>, vector<16xi32>, vector<16xi1>
          tpu.vector_store %arg18[%swap3A_370], %broadcast_in_dim3A_369 masked %eq3A_53 {strides = array<i32>} : memref<32xi32, #tpu.memory_space<vmem>>, vector<16xi32>, vector<16xi1>
        } else {
        }
        %lt3A_357 = arith.constant 32 : i32
        %lt3A_358 = arith.cmpi slt, %add3A_351, %lt3A_357 : i32
        %convert_element_type3A_359 = arith.extui %lt3A_358 : i1 to i32
        %cond3A_360 = arith.constant 0 : i32
        %cond3A_361 = arith.cmpi ne, %convert_element_type3A_359, %cond3A_360 : i32
        scf.if %cond3A_361 {
          %broadcast_in_dim3A_363 = vector.broadcast %add3A_351 : i32 to vector<16xi32>
          %swap3A_364 = arith.constant 0 : index
          %swap3A_365 = tpu.vector_load %arg18[%swap3A_364] masked %eq3A_53 {strides = array<i32>} : memref<32xi32, #tpu.memory_space<vmem>>, vector<16xi32>, vector<16xi1>
          tpu.vector_store %arg18[%swap3A_364], %broadcast_in_dim3A_363 masked %eq3A_53 {strides = array<i32>} : memref<32xi32, #tpu.memory_space<vmem>>, vector<16xi32>, vector<16xi1>
        } else {
        }
        %while3A_362 = arith.constant 0 : i32
        scf.yield %while3A_362 : i32
      }
      %while3A_264 = arith.constant 1 : i32
      %while3A_265 = scf.for %while3A_288 = %while3A_261 to %while3A_257 step %while3A_264 iter_args(%while3A_289 = %while3A_263) -> (i32)  : i32 {
        %get3A_290 = arith.index_cast %while3A_288 : i32 to index
        %get3A_291 = tpu.vector_load %arg10[%get3A_290] {strides = array<i32>} : memref<16400xi32, #tpu.memory_space<vmem>>, vector<16xi32>,
        %slice3A_292 = vector.extract_strided_slice %get3A_291 {offsets = [0], sizes = [1], strides = [1]} : vector<16xi32> to vector<1xi32>
        %squeeze3A_293 = vector.extract %slice3A_292[0] : i32 from vector<1xi32>
        %shift_right_arithmetic3A = arith.constant 14 : i32
        %shift_right_arithmetic3A_294 = arith.shrsi %squeeze3A_293, %shift_right_arithmetic3A : i32
        %and3A_295 = arith.constant 127 : i32
        %and3A_296 = arith.andi %shift_right_arithmetic3A_294, %and3A_295 : i32
        %broadcast_in_dim3A_297 = vector.broadcast %and3A_296 : i32 to vector<16xi32>
        %and3A_298 = arith.constant 16383 : i32
        %and3A_299 = arith.andi %squeeze3A_293, %and3A_298 : i32
        %get3A_300 = arith.constant 0 : index
        %get3A_301 = tpu.vector_load %arg18[%get3A_300] {strides = array<i32>} : memref<32xi32, #tpu.memory_space<vmem>>, vector<16xi32>,
        %slice3A_302 = vector.extract_strided_slice %get3A_301 {offsets = [0], sizes = [1], strides = [1]} : vector<16xi32> to vector<1xi32>
        %squeeze3A_303 = vector.extract %slice3A_302[0] : i32 from vector<1xi32>
        %add3A_304 = arith.constant 0 : i32
        %add3A_305 = vector.broadcast %add3A_304 : i32 to vector<16xi32>
        %add3A_306 = arith.addi %iota3A, %add3A_305 : vector<16xi32>
        %gather3A = arith.constant 0 : i32
        %gather3A_307 = arith.constant 0 : i32
        %gather3A_308 = tpu.memref_slice %arg16[%select_n3A_218, %gather3A, %gather3A_307] : memref<4x64x128xf32, #tpu.memory_space<vmem>> -> memref<1x64x128xf32, #tpu.memory_space<vmem>>
        %gather3A_309 = tpu.memref_squeeze %gather3A_308 : memref<1x64x128xf32, #tpu.memory_space<vmem>> -> memref<64x128xf32, #tpu.memory_space<vmem>>
        %gather3A_310 = tpu.vector_load_idx %gather3A_309[%add3A_306, %broadcast_in_dim3A_297] : memref<64x128xf32, #tpu.memory_space<vmem>>[vector<16xi32>, vector<16xi32>], vector<16xf32>,
        %swap3A_311 = arith.index_cast %squeeze3A_303 : i32 to index
        %swap3A_312 = arith.constant 0 : index
        %swap3A_313 = tpu.vector_load %arg19[%swap3A_311, %swap3A_312] {strides = array<i32>} : memref<32x128xf32, #tpu.memory_space<vmem>>, vector<16xf32>,
        tpu.vector_store %arg19[%swap3A_311, %swap3A_312], %gather3A_310 {strides = array<i32>} : memref<32x128xf32, #tpu.memory_space<vmem>>, vector<16xf32>,
        %add3A_314 = arith.constant 16 : i32
        %add3A_315 = vector.broadcast %add3A_314 : i32 to vector<16xi32>
        %add3A_316 = arith.addi %iota3A, %add3A_315 : vector<16xi32>
        %gather3A_317 = arith.constant 0 : i32
        %gather3A_318 = arith.constant 0 : i32
        %gather3A_319 = tpu.memref_slice %arg16[%select_n3A_218, %gather3A_317, %gather3A_318] : memref<4x64x128xf32, #tpu.memory_space<vmem>> -> memref<1x64x128xf32, #tpu.memory_space<vmem>>
        %gather3A_320 = tpu.memref_squeeze %gather3A_319 : memref<1x64x128xf32, #tpu.memory_space<vmem>> -> memref<64x128xf32, #tpu.memory_space<vmem>>
        %gather3A_321 = tpu.vector_load_idx %gather3A_320[%add3A_316, %broadcast_in_dim3A_297] : memref<64x128xf32, #tpu.memory_space<vmem>>[vector<16xi32>, vector<16xi32>], vector<16xf32>,
        %swap3A_322 = arith.index_cast %squeeze3A_303 : i32 to index
        %swap3A_323 = arith.constant 16 : index
        %swap3A_324 = tpu.vector_load %arg19[%swap3A_322, %swap3A_323] {strides = array<i32>} : memref<32x128xf32, #tpu.memory_space<vmem>>, vector<16xf32>,
        tpu.vector_store %arg19[%swap3A_322, %swap3A_323], %gather3A_321 {strides = array<i32>} : memref<32x128xf32, #tpu.memory_space<vmem>>, vector<16xf32>,
        %add3A_325 = arith.constant 32 : i32
        %add3A_326 = vector.broadcast %add3A_325 : i32 to vector<16xi32>
        %add3A_327 = arith.addi %iota3A, %add3A_326 : vector<16xi32>
        %gather3A_328 = arith.constant 0 : i32
        %gather3A_329 = arith.constant 0 : i32
        %gather3A_330 = tpu.memref_slice %arg16[%select_n3A_218, %gather3A_328, %gather3A_329] : memref<4x64x128xf32, #tpu.memory_space<vmem>> -> memref<1x64x128xf32, #tpu.memory_space<vmem>>
        %gather3A_331 = tpu.memref_squeeze %gather3A_330 : memref<1x64x128xf32, #tpu.memory_space<vmem>> -> memref<64x128xf32, #tpu.memory_space<vmem>>
        %gather3A_332 = tpu.vector_load_idx %gather3A_331[%add3A_327, %broadcast_in_dim3A_297] : memref<64x128xf32, #tpu.memory_space<vmem>>[vector<16xi32>, vector<16xi32>], vector<16xf32>,
        %swap3A_333 = arith.index_cast %squeeze3A_303 : i32 to index
        %swap3A_334 = arith.constant 32 : index
        %swap3A_335 = tpu.vector_load %arg19[%swap3A_333, %swap3A_334] {strides = array<i32>} : memref<32x128xf32, #tpu.memory_space<vmem>>, vector<16xf32>,
        tpu.vector_store %arg19[%swap3A_333, %swap3A_334], %gather3A_332 {strides = array<i32>} : memref<32x128xf32, #tpu.memory_space<vmem>>, vector<16xf32>,
        %add3A_336 = arith.constant 48 : i32
        %add3A_337 = vector.broadcast %add3A_336 : i32 to vector<16xi32>
        %add3A_338 = arith.addi %iota3A, %add3A_337 : vector<16xi32>
        %gather3A_339 = arith.constant 0 : i32
        %gather3A_340 = arith.constant 0 : i32
        %gather3A_341 = tpu.memref_slice %arg16[%select_n3A_218, %gather3A_339, %gather3A_340] : memref<4x64x128xf32, #tpu.memory_space<vmem>> -> memref<1x64x128xf32, #tpu.memory_space<vmem>>
        %gather3A_342 = tpu.memref_squeeze %gather3A_341 : memref<1x64x128xf32, #tpu.memory_space<vmem>> -> memref<64x128xf32, #tpu.memory_space<vmem>>
        %gather3A_343 = tpu.vector_load_idx %gather3A_342[%add3A_338, %broadcast_in_dim3A_297] : memref<64x128xf32, #tpu.memory_space<vmem>>[vector<16xi32>, vector<16xi32>], vector<16xf32>,
        %swap3A_344 = arith.index_cast %squeeze3A_303 : i32 to index
        %swap3A_345 = arith.constant 48 : index
        %swap3A_346 = tpu.vector_load %arg19[%swap3A_344, %swap3A_345] {strides = array<i32>} : memref<32x128xf32, #tpu.memory_space<vmem>>, vector<16xf32>,
        tpu.vector_store %arg19[%swap3A_344, %swap3A_345], %gather3A_343 {strides = array<i32>} : memref<32x128xf32, #tpu.memory_space<vmem>>, vector<16xf32>,
        %broadcast_in_dim3A_347 = vector.broadcast %and3A_299 : i32 to vector<16xi32>
        %swap3A_348 = arith.index_cast %squeeze3A_303 : i32 to index
        %swap3A_349 = tpu.vector_load %arg21[%swap3A_348] masked %eq3A_53 {strides = array<i32>} : memref<32xi32, #tpu.memory_space<vmem>>, vector<16xi32>, vector<16xi1>
        tpu.vector_store %arg21[%swap3A_348], %broadcast_in_dim3A_347 masked %eq3A_53 {strides = array<i32>} : memref<32xi32, #tpu.memory_space<vmem>>, vector<16xi32>, vector<16xi1>
        %add3A_350 = arith.constant 1 : i32
        %add3A_351 = arith.addi %squeeze3A_303, %add3A_350 : i32
        %eq3A_352 = arith.constant 32 : i32
        %eq3A_353 = arith.cmpi eq, %add3A_351, %eq3A_352 : i32
        %convert_element_type3A_354 = arith.extui %eq3A_353 : i1 to i32
        %cond3A_355 = arith.constant 0 : i32
        %cond3A_356 = arith.cmpi ne, %convert_element_type3A_354, %cond3A_355 : i32
        scf.if %cond3A_356 {
          "tpu.region"() ({
            %run_scoped3A = tpu.sem_alloc : memref<!tpu.dma_semaphore, #tpu.memory_space<semaphore_mem>>
            %dma_start3A_372 = arith.constant 0 : i32
            %dma_start3A_373 = arith.constant 0 : i32
            %dma_start3A_374 = tpu.memref_slice %arg6[%dma_start3A_372, %dma_start3A_373] : memref<16416x128xf32, #tpu.memory_space<hbm>> -> memref<16416x128xf32, #tpu.memory_space<hbm>>
            tpu.enqueue_indirect_dma source(%arg19 : memref<32x128xf32, #tpu.memory_space<vmem>>) target(%dma_start3A_374 : memref<16416x128xf32, #tpu.memory_space<hbm>>) offsets(%arg21 : memref<32xi32, #tpu.memory_space<vmem>>) semaphore(%run_scoped3A : memref<!tpu.dma_semaphore, #tpu.memory_space<semaphore_mem>>)
            %dma_wait3A_375 = arith.constant 0 : i32
            %dma_wait3A_376 = arith.constant 0 : i32
            %dma_wait3A_377 = tpu.memref_slice %arg6[%dma_wait3A_375, %dma_wait3A_376] : memref<16416x128xf32, #tpu.memory_space<hbm>> -> memref<16416x128xf32, #tpu.memory_space<hbm>>
            tpu.wait_indirect_dma semaphore(%run_scoped3A : memref<!tpu.dma_semaphore, #tpu.memory_space<semaphore_mem>>) src(%arg19 : memref<32x128xf32, #tpu.memory_space<vmem>>) dst(%dma_wait3A_377 : memref<16416x128xf32, #tpu.memory_space<hbm>>)
            tpu.yield
          }) : () -> ()
          %scan3A_363 = arith.constant 0 : i32
          %scan3A_364 = arith.constant 2 : i32
          %scan3A_365 = arith.addi %scan3A_363, %scan3A_364 : i32
          %scan3A_366 = arith.constant 1 : i32
          scf.for %scan3A_372 = %scan3A_363 to %scan3A_365 step %scan3A_366  : i32 {
            %mul3A_373 = arith.constant 16 : i32
            %mul3A_374 = arith.muli %scan3A_372, %mul3A_373 : i32
            %add3A_375 = arith.constant 0 : i32
            %add3A_376 = arith.addi %add3A_375, %mul3A_374 : i32
            %add3A_377 = arith.constant 16384 : i32
            %add3A_378 = arith.addi %add3A_377, %add3A_376 : i32
            %add3A_379 = vector.broadcast %add3A_378 : i32 to vector<16xi32>
            %add3A_380 = arith.addi %iota3A, %add3A_379 : vector<16xi32>
            %swap3A_381 = arith.index_cast %add3A_376 : i32 to index
            %swap3A_382 = tpu.vector_load %arg21[%swap3A_381] {strides = array<i32>} : memref<32xi32, #tpu.memory_space<vmem>>, vector<16xi32>,
            tpu.vector_store %arg21[%swap3A_381], %add3A_380 {strides = array<i32>} : memref<32xi32, #tpu.memory_space<vmem>>, vector<16xi32>,
          }
          %scan3A_367 = arith.constant 2 : i32
          %broadcast_in_dim3A_368 = arith.constant 0 : i32
          %broadcast_in_dim3A_369 = vector.broadcast %broadcast_in_dim3A_368 : i32 to vector<16xi32>
          %swap3A_370 = arith.constant 0 : index
          %swap3A_371 = tpu.vector_load %arg18[%swap3A_370] masked %eq3A_53 {strides = array<i32>} : memref<32xi32, #tpu.memory_space<vmem>>, vector<16xi32>, vector<16xi1>
          tpu.vector_store %arg18[%swap3A_370], %broadcast_in_dim3A_369 masked %eq3A_53 {strides = array<i32>} : memref<32xi32, #tpu.memory_space<vmem>>, vector<16xi32>, vector<16xi1>
        } else {
        }
        %lt3A_357 = arith.constant 32 : i32
        %lt3A_358 = arith.cmpi slt, %add3A_351, %lt3A_357 : i32
        %convert_element_type3A_359 = arith.extui %lt3A_358 : i1 to i32
        %cond3A_360 = arith.constant 0 : i32
        %cond3A_361 = arith.cmpi ne, %convert_element_type3A_359, %cond3A_360 : i32
        scf.if %cond3A_361 {
          %broadcast_in_dim3A_363 = vector.broadcast %add3A_351 : i32 to vector<16xi32>
          %swap3A_364 = arith.constant 0 : index
          %swap3A_365 = tpu.vector_load %arg18[%swap3A_364] masked %eq3A_53 {strides = array<i32>} : memref<32xi32, #tpu.memory_space<vmem>>, vector<16xi32>, vector<16xi1>
          tpu.vector_store %arg18[%swap3A_364], %broadcast_in_dim3A_363 masked %eq3A_53 {strides = array<i32>} : memref<32xi32, #tpu.memory_space<vmem>>, vector<16xi32>, vector<16xi1>
        } else {
        }
        %while3A_362 = arith.constant 0 : i32
        scf.yield %while3A_362 : i32
      }
      %get3A_266 = arith.index_cast %squeeze3A : i32 to index
      %get3A_267 = tpu.vector_load %arg13[%get3A_266] {strides = array<i32>} : memref<288xi32, #tpu.memory_space<vmem>>, vector<16xi32>,
      %slice3A_268 = vector.extract_strided_slice %get3A_267 {offsets = [0], sizes = [1], strides = [1]} : vector<16xi32> to vector<1xi32>
      %squeeze3A_269 = vector.extract %slice3A_268[0] : i32 from vector<1xi32>
      %slice3A_270 = vector.extract_strided_slice %get3A_267 {offsets = [1], sizes = [1], strides = [1]} : vector<16xi32> to vector<1xi32>
      %squeeze3A_271 = vector.extract %slice3A_270[0] : i32 from vector<1xi32>
      %while3A_272 = arith.constant 0 : i32
      %while3A_273 = arith.subi %squeeze3A_271, %squeeze3A_269 : i32
      %while3A_274 = arith.addi %squeeze3A_269, %while3A_273 : i32
      %while3A_275 = arith.constant 1 : i32
      %while3A_276 = arith.divsi %while3A_273, %while3A_275 : i32
      %while3A_277 = arith.muli %while3A_276, %while3A_275 : i32
      %while3A_278 = arith.addi %squeeze3A_269, %while3A_277 : i32
      %while3A_279 = arith.constant 1 : i32
      %while3A_280 = scf.for %while3A_288 = %squeeze3A_269 to %while3A_278 step %while3A_279 iter_args(%while3A_289 = %while3A_272) -> (i32)  : i32 {
        %get3A_290 = arith.index_cast %while3A_288 : i32 to index
        %get3A_291 = tpu.vector_load %arg11[%get3A_290] {strides = array<i32>} : memref<16400xi32, #tpu.memory_space<vmem>>, vector<16xi32>,
        %slice3A_292 = vector.extract_strided_slice %get3A_291 {offsets = [0], sizes = [1], strides = [1]} : vector<16xi32> to vector<1xi32>
        %squeeze3A_293 = vector.extract %slice3A_292[0] : i32 from vector<1xi32>
        %shift_right_arithmetic3A = arith.constant 14 : i32
        %shift_right_arithmetic3A_294 = arith.shrsi %squeeze3A_293, %shift_right_arithmetic3A : i32
        %and3A_295 = arith.constant 127 : i32
        %and3A_296 = arith.andi %shift_right_arithmetic3A_294, %and3A_295 : i32
        %broadcast_in_dim3A_297 = vector.broadcast %and3A_296 : i32 to vector<16xi32>
        %and3A_298 = arith.constant 16383 : i32
        %and3A_299 = arith.andi %squeeze3A_293, %and3A_298 : i32
        %get3A_300 = arith.constant 16 : index
        %get3A_301 = tpu.vector_load %arg18[%get3A_300] {strides = array<i32>} : memref<32xi32, #tpu.memory_space<vmem>>, vector<16xi32>,
        %slice3A_302 = vector.extract_strided_slice %get3A_301 {offsets = [0], sizes = [1], strides = [1]} : vector<16xi32> to vector<1xi32>
        %squeeze3A_303 = vector.extract %slice3A_302[0] : i32 from vector<1xi32>
        %add3A_304 = arith.constant 0 : i32
        %add3A_305 = vector.broadcast %add3A_304 : i32 to vector<16xi32>
        %add3A_306 = arith.addi %iota3A, %add3A_305 : vector<16xi32>
        %gather3A = arith.constant 0 : i32
        %gather3A_307 = arith.constant 0 : i32
        %gather3A_308 = tpu.memref_slice %arg17[%select_n3A_218, %gather3A, %gather3A_307] : memref<4x64x128xf32, #tpu.memory_space<vmem>> -> memref<1x64x128xf32, #tpu.memory_space<vmem>>
        %gather3A_309 = tpu.memref_squeeze %gather3A_308 : memref<1x64x128xf32, #tpu.memory_space<vmem>> -> memref<64x128xf32, #tpu.memory_space<vmem>>
        %gather3A_310 = tpu.vector_load_idx %gather3A_309[%add3A_306, %broadcast_in_dim3A_297] : memref<64x128xf32, #tpu.memory_space<vmem>>[vector<16xi32>, vector<16xi32>], vector<16xf32>,
        %swap3A_311 = arith.index_cast %squeeze3A_303 : i32 to index
        %swap3A_312 = arith.constant 0 : index
        %swap3A_313 = tpu.vector_load %arg20[%swap3A_311, %swap3A_312] {strides = array<i32>} : memref<32x128xf32, #tpu.memory_space<vmem>>, vector<16xf32>,
        tpu.vector_store %arg20[%swap3A_311, %swap3A_312], %gather3A_310 {strides = array<i32>} : memref<32x128xf32, #tpu.memory_space<vmem>>, vector<16xf32>,
        %add3A_314 = arith.constant 16 : i32
        %add3A_315 = vector.broadcast %add3A_314 : i32 to vector<16xi32>
        %add3A_316 = arith.addi %iota3A, %add3A_315 : vector<16xi32>
        %gather3A_317 = arith.constant 0 : i32
        %gather3A_318 = arith.constant 0 : i32
        %gather3A_319 = tpu.memref_slice %arg17[%select_n3A_218, %gather3A_317, %gather3A_318] : memref<4x64x128xf32, #tpu.memory_space<vmem>> -> memref<1x64x128xf32, #tpu.memory_space<vmem>>
        %gather3A_320 = tpu.memref_squeeze %gather3A_319 : memref<1x64x128xf32, #tpu.memory_space<vmem>> -> memref<64x128xf32, #tpu.memory_space<vmem>>
        %gather3A_321 = tpu.vector_load_idx %gather3A_320[%add3A_316, %broadcast_in_dim3A_297] : memref<64x128xf32, #tpu.memory_space<vmem>>[vector<16xi32>, vector<16xi32>], vector<16xf32>,
        %swap3A_322 = arith.index_cast %squeeze3A_303 : i32 to index
        %swap3A_323 = arith.constant 16 : index
        %swap3A_324 = tpu.vector_load %arg20[%swap3A_322, %swap3A_323] {strides = array<i32>} : memref<32x128xf32, #tpu.memory_space<vmem>>, vector<16xf32>,
        tpu.vector_store %arg20[%swap3A_322, %swap3A_323], %gather3A_321 {strides = array<i32>} : memref<32x128xf32, #tpu.memory_space<vmem>>, vector<16xf32>,
        %add3A_325 = arith.constant 32 : i32
        %add3A_326 = vector.broadcast %add3A_325 : i32 to vector<16xi32>
        %add3A_327 = arith.addi %iota3A, %add3A_326 : vector<16xi32>
        %gather3A_328 = arith.constant 0 : i32
        %gather3A_329 = arith.constant 0 : i32
        %gather3A_330 = tpu.memref_slice %arg17[%select_n3A_218, %gather3A_328, %gather3A_329] : memref<4x64x128xf32, #tpu.memory_space<vmem>> -> memref<1x64x128xf32, #tpu.memory_space<vmem>>
        %gather3A_331 = tpu.memref_squeeze %gather3A_330 : memref<1x64x128xf32, #tpu.memory_space<vmem>> -> memref<64x128xf32, #tpu.memory_space<vmem>>
        %gather3A_332 = tpu.vector_load_idx %gather3A_331[%add3A_327, %broadcast_in_dim3A_297] : memref<64x128xf32, #tpu.memory_space<vmem>>[vector<16xi32>, vector<16xi32>], vector<16xf32>,
        %swap3A_333 = arith.index_cast %squeeze3A_303 : i32 to index
        %swap3A_334 = arith.constant 32 : index
        %swap3A_335 = tpu.vector_load %arg20[%swap3A_333, %swap3A_334] {strides = array<i32>} : memref<32x128xf32, #tpu.memory_space<vmem>>, vector<16xf32>,
        tpu.vector_store %arg20[%swap3A_333, %swap3A_334], %gather3A_332 {strides = array<i32>} : memref<32x128xf32, #tpu.memory_space<vmem>>, vector<16xf32>,
        %add3A_336 = arith.constant 48 : i32
        %add3A_337 = vector.broadcast %add3A_336 : i32 to vector<16xi32>
        %add3A_338 = arith.addi %iota3A, %add3A_337 : vector<16xi32>
        %gather3A_339 = arith.constant 0 : i32
        %gather3A_340 = arith.constant 0 : i32
        %gather3A_341 = tpu.memref_slice %arg17[%select_n3A_218, %gather3A_339, %gather3A_340] : memref<4x64x128xf32, #tpu.memory_space<vmem>> -> memref<1x64x128xf32, #tpu.memory_space<vmem>>
        %gather3A_342 = tpu.memref_squeeze %gather3A_341 : memref<1x64x128xf32, #tpu.memory_space<vmem>> -> memref<64x128xf32, #tpu.memory_space<vmem>>
        %gather3A_343 = tpu.vector_load_idx %gather3A_342[%add3A_338, %broadcast_in_dim3A_297] : memref<64x128xf32, #tpu.memory_space<vmem>>[vector<16xi32>, vector<16xi32>], vector<16xf32>,
        %swap3A_344 = arith.index_cast %squeeze3A_303 : i32 to index
        %swap3A_345 = arith.constant 48 : index
        %swap3A_346 = tpu.vector_load %arg20[%swap3A_344, %swap3A_345] {strides = array<i32>} : memref<32x128xf32, #tpu.memory_space<vmem>>, vector<16xf32>,
        tpu.vector_store %arg20[%swap3A_344, %swap3A_345], %gather3A_343 {strides = array<i32>} : memref<32x128xf32, #tpu.memory_space<vmem>>, vector<16xf32>,
        %broadcast_in_dim3A_347 = vector.broadcast %and3A_299 : i32 to vector<16xi32>
        %swap3A_348 = arith.index_cast %squeeze3A_303 : i32 to index
        %swap3A_349 = tpu.vector_load %arg22[%swap3A_348] masked %eq3A_53 {strides = array<i32>} : memref<32xi32, #tpu.memory_space<vmem>>, vector<16xi32>, vector<16xi1>
        tpu.vector_store %arg22[%swap3A_348], %broadcast_in_dim3A_347 masked %eq3A_53 {strides = array<i32>} : memref<32xi32, #tpu.memory_space<vmem>>, vector<16xi32>, vector<16xi1>
        %add3A_350 = arith.constant 1 : i32
        %add3A_351 = arith.addi %squeeze3A_303, %add3A_350 : i32
        %eq3A_352 = arith.constant 32 : i32
        %eq3A_353 = arith.cmpi eq, %add3A_351, %eq3A_352 : i32
        %convert_element_type3A_354 = arith.extui %eq3A_353 : i1 to i32
        %cond3A_355 = arith.constant 0 : i32
        %cond3A_356 = arith.cmpi ne, %convert_element_type3A_354, %cond3A_355 : i32
        scf.if %cond3A_356 {
          "tpu.region"() ({
            %run_scoped3A = tpu.sem_alloc : memref<!tpu.dma_semaphore, #tpu.memory_space<semaphore_mem>>
            %dma_start3A_372 = arith.constant 0 : i32
            %dma_start3A_373 = arith.constant 0 : i32
            %dma_start3A_374 = tpu.memref_slice %arg7[%dma_start3A_372, %dma_start3A_373] : memref<16416x128xf32, #tpu.memory_space<hbm>> -> memref<16416x128xf32, #tpu.memory_space<hbm>>
            tpu.enqueue_indirect_dma source(%arg20 : memref<32x128xf32, #tpu.memory_space<vmem>>) target(%dma_start3A_374 : memref<16416x128xf32, #tpu.memory_space<hbm>>) offsets(%arg22 : memref<32xi32, #tpu.memory_space<vmem>>) semaphore(%run_scoped3A : memref<!tpu.dma_semaphore, #tpu.memory_space<semaphore_mem>>)
            %dma_wait3A_375 = arith.constant 0 : i32
            %dma_wait3A_376 = arith.constant 0 : i32
            %dma_wait3A_377 = tpu.memref_slice %arg7[%dma_wait3A_375, %dma_wait3A_376] : memref<16416x128xf32, #tpu.memory_space<hbm>> -> memref<16416x128xf32, #tpu.memory_space<hbm>>
            tpu.wait_indirect_dma semaphore(%run_scoped3A : memref<!tpu.dma_semaphore, #tpu.memory_space<semaphore_mem>>) src(%arg20 : memref<32x128xf32, #tpu.memory_space<vmem>>) dst(%dma_wait3A_377 : memref<16416x128xf32, #tpu.memory_space<hbm>>)
            tpu.yield
          }) : () -> ()
          %scan3A_363 = arith.constant 0 : i32
          %scan3A_364 = arith.constant 2 : i32
          %scan3A_365 = arith.addi %scan3A_363, %scan3A_364 : i32
          %scan3A_366 = arith.constant 1 : i32
          scf.for %scan3A_372 = %scan3A_363 to %scan3A_365 step %scan3A_366  : i32 {
            %mul3A_373 = arith.constant 16 : i32
            %mul3A_374 = arith.muli %scan3A_372, %mul3A_373 : i32
            %add3A_375 = arith.constant 0 : i32
            %add3A_376 = arith.addi %add3A_375, %mul3A_374 : i32
            %add3A_377 = arith.constant 16384 : i32
            %add3A_378 = arith.addi %add3A_377, %add3A_376 : i32
            %add3A_379 = vector.broadcast %add3A_378 : i32 to vector<16xi32>
            %add3A_380 = arith.addi %iota3A, %add3A_379 : vector<16xi32>
            %swap3A_381 = arith.index_cast %add3A_376 : i32 to index
            %swap3A_382 = tpu.vector_load %arg22[%swap3A_381] {strides = array<i32>} : memref<32xi32, #tpu.memory_space<vmem>>, vector<16xi32>,
            tpu.vector_store %arg22[%swap3A_381], %add3A_380 {strides = array<i32>} : memref<32xi32, #tpu.memory_space<vmem>>, vector<16xi32>,
          }
          %scan3A_367 = arith.constant 2 : i32
          %broadcast_in_dim3A_368 = arith.constant 0 : i32
          %broadcast_in_dim3A_369 = vector.broadcast %broadcast_in_dim3A_368 : i32 to vector<16xi32>
          %swap3A_370 = arith.constant 16 : index
          %swap3A_371 = tpu.vector_load %arg18[%swap3A_370] masked %eq3A_53 {strides = array<i32>} : memref<32xi32, #tpu.memory_space<vmem>>, vector<16xi32>, vector<16xi1>
          tpu.vector_store %arg18[%swap3A_370], %broadcast_in_dim3A_369 masked %eq3A_53 {strides = array<i32>} : memref<32xi32, #tpu.memory_space<vmem>>, vector<16xi32>, vector<16xi1>
        } else {
        }
        %lt3A_357 = arith.constant 32 : i32
        %lt3A_358 = arith.cmpi slt, %add3A_351, %lt3A_357 : i32
        %convert_element_type3A_359 = arith.extui %lt3A_358 : i1 to i32
        %cond3A_360 = arith.constant 0 : i32
        %cond3A_361 = arith.cmpi ne, %convert_element_type3A_359, %cond3A_360 : i32
        scf.if %cond3A_361 {
          %broadcast_in_dim3A_363 = vector.broadcast %add3A_351 : i32 to vector<16xi32>
          %swap3A_364 = arith.constant 16 : index
          %swap3A_365 = tpu.vector_load %arg18[%swap3A_364] masked %eq3A_53 {strides = array<i32>} : memref<32xi32, #tpu.memory_space<vmem>>, vector<16xi32>, vector<16xi1>
          tpu.vector_store %arg18[%swap3A_364], %broadcast_in_dim3A_363 masked %eq3A_53 {strides = array<i32>} : memref<32xi32, #tpu.memory_space<vmem>>, vector<16xi32>, vector<16xi1>
        } else {
        }
        %while3A_362 = arith.constant 0 : i32
        scf.yield %while3A_362 : i32
      }
      %while3A_281 = arith.constant 1 : i32
      %while3A_282 = scf.for %while3A_288 = %while3A_278 to %while3A_274 step %while3A_281 iter_args(%while3A_289 = %while3A_280) -> (i32)  : i32 {
        %get3A_290 = arith.index_cast %while3A_288 : i32 to index
        %get3A_291 = tpu.vector_load %arg11[%get3A_290] {strides = array<i32>} : memref<16400xi32, #tpu.memory_space<vmem>>, vector<16xi32>,
        %slice3A_292 = vector.extract_strided_slice %get3A_291 {offsets = [0], sizes = [1], strides = [1]} : vector<16xi32> to vector<1xi32>
        %squeeze3A_293 = vector.extract %slice3A_292[0] : i32 from vector<1xi32>
        %shift_right_arithmetic3A = arith.constant 14 : i32
        %shift_right_arithmetic3A_294 = arith.shrsi %squeeze3A_293, %shift_right_arithmetic3A : i32
        %and3A_295 = arith.constant 127 : i32
        %and3A_296 = arith.andi %shift_right_arithmetic3A_294, %and3A_295 : i32
        %broadcast_in_dim3A_297 = vector.broadcast %and3A_296 : i32 to vector<16xi32>
        %and3A_298 = arith.constant 16383 : i32
        %and3A_299 = arith.andi %squeeze3A_293, %and3A_298 : i32
        %get3A_300 = arith.constant 16 : index
        %get3A_301 = tpu.vector_load %arg18[%get3A_300] {strides = array<i32>} : memref<32xi32, #tpu.memory_space<vmem>>, vector<16xi32>,
        %slice3A_302 = vector.extract_strided_slice %get3A_301 {offsets = [0], sizes = [1], strides = [1]} : vector<16xi32> to vector<1xi32>
        %squeeze3A_303 = vector.extract %slice3A_302[0] : i32 from vector<1xi32>
        %add3A_304 = arith.constant 0 : i32
        %add3A_305 = vector.broadcast %add3A_304 : i32 to vector<16xi32>
        %add3A_306 = arith.addi %iota3A, %add3A_305 : vector<16xi32>
        %gather3A = arith.constant 0 : i32
        %gather3A_307 = arith.constant 0 : i32
        %gather3A_308 = tpu.memref_slice %arg17[%select_n3A_218, %gather3A, %gather3A_307] : memref<4x64x128xf32, #tpu.memory_space<vmem>> -> memref<1x64x128xf32, #tpu.memory_space<vmem>>
        %gather3A_309 = tpu.memref_squeeze %gather3A_308 : memref<1x64x128xf32, #tpu.memory_space<vmem>> -> memref<64x128xf32, #tpu.memory_space<vmem>>
        %gather3A_310 = tpu.vector_load_idx %gather3A_309[%add3A_306, %broadcast_in_dim3A_297] : memref<64x128xf32, #tpu.memory_space<vmem>>[vector<16xi32>, vector<16xi32>], vector<16xf32>,
        %swap3A_311 = arith.index_cast %squeeze3A_303 : i32 to index
        %swap3A_312 = arith.constant 0 : index
        %swap3A_313 = tpu.vector_load %arg20[%swap3A_311, %swap3A_312] {strides = array<i32>} : memref<32x128xf32, #tpu.memory_space<vmem>>, vector<16xf32>,
        tpu.vector_store %arg20[%swap3A_311, %swap3A_312], %gather3A_310 {strides = array<i32>} : memref<32x128xf32, #tpu.memory_space<vmem>>, vector<16xf32>,
        %add3A_314 = arith.constant 16 : i32
        %add3A_315 = vector.broadcast %add3A_314 : i32 to vector<16xi32>
        %add3A_316 = arith.addi %iota3A, %add3A_315 : vector<16xi32>
        %gather3A_317 = arith.constant 0 : i32
        %gather3A_318 = arith.constant 0 : i32
        %gather3A_319 = tpu.memref_slice %arg17[%select_n3A_218, %gather3A_317, %gather3A_318] : memref<4x64x128xf32, #tpu.memory_space<vmem>> -> memref<1x64x128xf32, #tpu.memory_space<vmem>>
        %gather3A_320 = tpu.memref_squeeze %gather3A_319 : memref<1x64x128xf32, #tpu.memory_space<vmem>> -> memref<64x128xf32, #tpu.memory_space<vmem>>
        %gather3A_321 = tpu.vector_load_idx %gather3A_320[%add3A_316, %broadcast_in_dim3A_297] : memref<64x128xf32, #tpu.memory_space<vmem>>[vector<16xi32>, vector<16xi32>], vector<16xf32>,
        %swap3A_322 = arith.index_cast %squeeze3A_303 : i32 to index
        %swap3A_323 = arith.constant 16 : index
        %swap3A_324 = tpu.vector_load %arg20[%swap3A_322, %swap3A_323] {strides = array<i32>} : memref<32x128xf32, #tpu.memory_space<vmem>>, vector<16xf32>,
        tpu.vector_store %arg20[%swap3A_322, %swap3A_323], %gather3A_321 {strides = array<i32>} : memref<32x128xf32, #tpu.memory_space<vmem>>, vector<16xf32>,
        %add3A_325 = arith.constant 32 : i32
        %add3A_326 = vector.broadcast %add3A_325 : i32 to vector<16xi32>
        %add3A_327 = arith.addi %iota3A, %add3A_326 : vector<16xi32>
        %gather3A_328 = arith.constant 0 : i32
        %gather3A_329 = arith.constant 0 : i32
        %gather3A_330 = tpu.memref_slice %arg17[%select_n3A_218, %gather3A_328, %gather3A_329] : memref<4x64x128xf32, #tpu.memory_space<vmem>> -> memref<1x64x128xf32, #tpu.memory_space<vmem>>
        %gather3A_331 = tpu.memref_squeeze %gather3A_330 : memref<1x64x128xf32, #tpu.memory_space<vmem>> -> memref<64x128xf32, #tpu.memory_space<vmem>>
        %gather3A_332 = tpu.vector_load_idx %gather3A_331[%add3A_327, %broadcast_in_dim3A_297] : memref<64x128xf32, #tpu.memory_space<vmem>>[vector<16xi32>, vector<16xi32>], vector<16xf32>,
        %swap3A_333 = arith.index_cast %squeeze3A_303 : i32 to index
        %swap3A_334 = arith.constant 32 : index
        %swap3A_335 = tpu.vector_load %arg20[%swap3A_333, %swap3A_334] {strides = array<i32>} : memref<32x128xf32, #tpu.memory_space<vmem>>, vector<16xf32>,
        tpu.vector_store %arg20[%swap3A_333, %swap3A_334], %gather3A_332 {strides = array<i32>} : memref<32x128xf32, #tpu.memory_space<vmem>>, vector<16xf32>,
        %add3A_336 = arith.constant 48 : i32
        %add3A_337 = vector.broadcast %add3A_336 : i32 to vector<16xi32>
        %add3A_338 = arith.addi %iota3A, %add3A_337 : vector<16xi32>
        %gather3A_339 = arith.constant 0 : i32
        %gather3A_340 = arith.constant 0 : i32
        %gather3A_341 = tpu.memref_slice %arg17[%select_n3A_218, %gather3A_339, %gather3A_340] : memref<4x64x128xf32, #tpu.memory_space<vmem>> -> memref<1x64x128xf32, #tpu.memory_space<vmem>>
        %gather3A_342 = tpu.memref_squeeze %gather3A_341 : memref<1x64x128xf32, #tpu.memory_space<vmem>> -> memref<64x128xf32, #tpu.memory_space<vmem>>
        %gather3A_343 = tpu.vector_load_idx %gather3A_342[%add3A_338, %broadcast_in_dim3A_297] : memref<64x128xf32, #tpu.memory_space<vmem>>[vector<16xi32>, vector<16xi32>], vector<16xf32>,
        %swap3A_344 = arith.index_cast %squeeze3A_303 : i32 to index
        %swap3A_345 = arith.constant 48 : index
        %swap3A_346 = tpu.vector_load %arg20[%swap3A_344, %swap3A_345] {strides = array<i32>} : memref<32x128xf32, #tpu.memory_space<vmem>>, vector<16xf32>,
        tpu.vector_store %arg20[%swap3A_344, %swap3A_345], %gather3A_343 {strides = array<i32>} : memref<32x128xf32, #tpu.memory_space<vmem>>, vector<16xf32>,
        %broadcast_in_dim3A_347 = vector.broadcast %and3A_299 : i32 to vector<16xi32>
        %swap3A_348 = arith.index_cast %squeeze3A_303 : i32 to index
        %swap3A_349 = tpu.vector_load %arg22[%swap3A_348] masked %eq3A_53 {strides = array<i32>} : memref<32xi32, #tpu.memory_space<vmem>>, vector<16xi32>, vector<16xi1>
        tpu.vector_store %arg22[%swap3A_348], %broadcast_in_dim3A_347 masked %eq3A_53 {strides = array<i32>} : memref<32xi32, #tpu.memory_space<vmem>>, vector<16xi32>, vector<16xi1>
        %add3A_350 = arith.constant 1 : i32
        %add3A_351 = arith.addi %squeeze3A_303, %add3A_350 : i32
        %eq3A_352 = arith.constant 32 : i32
        %eq3A_353 = arith.cmpi eq, %add3A_351, %eq3A_352 : i32
        %convert_element_type3A_354 = arith.extui %eq3A_353 : i1 to i32
        %cond3A_355 = arith.constant 0 : i32
        %cond3A_356 = arith.cmpi ne, %convert_element_type3A_354, %cond3A_355 : i32
        scf.if %cond3A_356 {
          "tpu.region"() ({
            %run_scoped3A = tpu.sem_alloc : memref<!tpu.dma_semaphore, #tpu.memory_space<semaphore_mem>>
            %dma_start3A_372 = arith.constant 0 : i32
            %dma_start3A_373 = arith.constant 0 : i32
            %dma_start3A_374 = tpu.memref_slice %arg7[%dma_start3A_372, %dma_start3A_373] : memref<16416x128xf32, #tpu.memory_space<hbm>> -> memref<16416x128xf32, #tpu.memory_space<hbm>>
            tpu.enqueue_indirect_dma source(%arg20 : memref<32x128xf32, #tpu.memory_space<vmem>>) target(%dma_start3A_374 : memref<16416x128xf32, #tpu.memory_space<hbm>>) offsets(%arg22 : memref<32xi32, #tpu.memory_space<vmem>>) semaphore(%run_scoped3A : memref<!tpu.dma_semaphore, #tpu.memory_space<semaphore_mem>>)
            %dma_wait3A_375 = arith.constant 0 : i32
            %dma_wait3A_376 = arith.constant 0 : i32
            %dma_wait3A_377 = tpu.memref_slice %arg7[%dma_wait3A_375, %dma_wait3A_376] : memref<16416x128xf32, #tpu.memory_space<hbm>> -> memref<16416x128xf32, #tpu.memory_space<hbm>>
            tpu.wait_indirect_dma semaphore(%run_scoped3A : memref<!tpu.dma_semaphore, #tpu.memory_space<semaphore_mem>>) src(%arg20 : memref<32x128xf32, #tpu.memory_space<vmem>>) dst(%dma_wait3A_377 : memref<16416x128xf32, #tpu.memory_space<hbm>>)
            tpu.yield
          }) : () -> ()
          %scan3A_363 = arith.constant 0 : i32
          %scan3A_364 = arith.constant 2 : i32
          %scan3A_365 = arith.addi %scan3A_363, %scan3A_364 : i32
          %scan3A_366 = arith.constant 1 : i32
          scf.for %scan3A_372 = %scan3A_363 to %scan3A_365 step %scan3A_366  : i32 {
            %mul3A_373 = arith.constant 16 : i32
            %mul3A_374 = arith.muli %scan3A_372, %mul3A_373 : i32
            %add3A_375 = arith.constant 0 : i32
            %add3A_376 = arith.addi %add3A_375, %mul3A_374 : i32
            %add3A_377 = arith.constant 16384 : i32
            %add3A_378 = arith.addi %add3A_377, %add3A_376 : i32
            %add3A_379 = vector.broadcast %add3A_378 : i32 to vector<16xi32>
            %add3A_380 = arith.addi %iota3A, %add3A_379 : vector<16xi32>
            %swap3A_381 = arith.index_cast %add3A_376 : i32 to index
            %swap3A_382 = tpu.vector_load %arg22[%swap3A_381] {strides = array<i32>} : memref<32xi32, #tpu.memory_space<vmem>>, vector<16xi32>,
            tpu.vector_store %arg22[%swap3A_381], %add3A_380 {strides = array<i32>} : memref<32xi32, #tpu.memory_space<vmem>>, vector<16xi32>,
          }
          %scan3A_367 = arith.constant 2 : i32
          %broadcast_in_dim3A_368 = arith.constant 0 : i32
          %broadcast_in_dim3A_369 = vector.broadcast %broadcast_in_dim3A_368 : i32 to vector<16xi32>
          %swap3A_370 = arith.constant 16 : index
          %swap3A_371 = tpu.vector_load %arg18[%swap3A_370] masked %eq3A_53 {strides = array<i32>} : memref<32xi32, #tpu.memory_space<vmem>>, vector<16xi32>, vector<16xi1>
          tpu.vector_store %arg18[%swap3A_370], %broadcast_in_dim3A_369 masked %eq3A_53 {strides = array<i32>} : memref<32xi32, #tpu.memory_space<vmem>>, vector<16xi32>, vector<16xi1>
        } else {
        }
        %lt3A_357 = arith.constant 32 : i32
        %lt3A_358 = arith.cmpi slt, %add3A_351, %lt3A_357 : i32
        %convert_element_type3A_359 = arith.extui %lt3A_358 : i1 to i32
        %cond3A_360 = arith.constant 0 : i32
        %cond3A_361 = arith.cmpi ne, %convert_element_type3A_359, %cond3A_360 : i32
        scf.if %cond3A_361 {
          %broadcast_in_dim3A_363 = vector.broadcast %add3A_351 : i32 to vector<16xi32>
          %swap3A_364 = arith.constant 16 : index
          %swap3A_365 = tpu.vector_load %arg18[%swap3A_364] masked %eq3A_53 {strides = array<i32>} : memref<32xi32, #tpu.memory_space<vmem>>, vector<16xi32>, vector<16xi1>
          tpu.vector_store %arg18[%swap3A_364], %broadcast_in_dim3A_363 masked %eq3A_53 {strides = array<i32>} : memref<32xi32, #tpu.memory_space<vmem>>, vector<16xi32>, vector<16xi1>
        } else {
        }
        %while3A_362 = arith.constant 0 : i32
        scf.yield %while3A_362 : i32
      }
      %add3A_283 = arith.constant 4 : i32
      %add3A_284 = arith.addi %while3A_202, %add3A_283 : i32
      %lt3A_285 = arith.cmpi slt, %add3A_284, %scan3A_170 : i32
      %convert_element_type3A = arith.extui %lt3A_285 : i1 to i32
      %cond3A = arith.constant 0 : i32
      %cond3A_286 = arith.cmpi ne, %convert_element_type3A, %cond3A : i32
      scf.if %cond3A_286 {
        %add3A_288 = arith.constant 4 : i32
        %add3A_289 = arith.addi %while3A_202, %add3A_288 : i32
        %jit3A_290 = arith.constant 4 : i32
        %eq3A_291 = arith.constant 0 : i32
        %eq3A_292 = arith.cmpi eq, %jit3A_290, %eq3A_291 : i32
        %jit3A_293 = arith.constant 1 : i32
        %select_n3A_294 = arith.select %eq3A_292, %jit3A_293, %jit3A_290 : i32
        %rem3A_295 = arith.remsi %add3A_289, %select_n3A_294 : i32
        %ne3A_296 = arith.constant 0 : i32
        %ne3A_297 = arith.cmpi ne, %rem3A_295, %ne3A_296 : i32
        %lt3A_298 = arith.constant 0 : i32
        %lt3A_299 = arith.cmpi slt, %rem3A_295, %lt3A_298 : i32
        %lt3A_300 = arith.constant 0 : i32
        %lt3A_301 = arith.cmpi slt, %select_n3A_294, %lt3A_300 : i32
        %ne3A_302 = arith.xori %lt3A_299, %lt3A_301 : i1
        %and3A_303 = arith.andi %ne3A_302, %ne3A_297 : i1
        %add3A_304 = arith.addi %rem3A_295, %select_n3A_294 : i32
        %select_n3A_305 = arith.select %and3A_303, %add3A_304, %rem3A_295 : i32
        %get3A_306 = arith.index_cast %add3A_289 : i32 to index
        %get3A_307 = tpu.vector_load %arg15[%get3A_306] {strides = array<i32>} : memref<288xi32, #tpu.memory_space<vmem>>, vector<16xi32>,
        %slice3A_308 = vector.extract_strided_slice %get3A_307 {offsets = [0], sizes = [1], strides = [1]} : vector<16xi32> to vector<1xi32>
        %squeeze3A_309 = vector.extract %slice3A_308[0] : i32 from vector<1xi32>
        %add3A_310 = arith.addi %select_n3A, %squeeze3A_309 : i32
        %mul3A_311 = arith.constant 128 : i32
        %mul3A_312 = arith.muli %add3A_310, %mul3A_311 : i32
        %multiple_of3A = tpu.assume_multiple %mul3A_312, 128 : i32
        %dma_start3A_313 = arith.constant 0 : i32
        %dma_start3A_314 = arith.constant 0 : i32
        %dma_start3A_315 = tpu.memref_slice %arg16[%select_n3A_305, %dma_start3A_313, %dma_start3A_314] : memref<4x64x128xf32, #tpu.memory_space<vmem>> -> memref<1x64x128xf32, #tpu.memory_space<vmem>>
        %dma_start3A_316 = tpu.memref_squeeze %dma_start3A_315 : memref<1x64x128xf32, #tpu.memory_space<vmem>> -> memref<64x128xf32, #tpu.memory_space<vmem>>
        %dma_start3A_317 = arith.constant 0 : i32
        %dma_start3A_318 = tpu.memref_slice %arg4[%dma_start3A_317, %multiple_of3A] : memref<64x1000000xf32, #tpu.memory_space<hbm>> -> memref<64x128xf32, #tpu.memory_space<hbm>>
        %dma_start3A_319 = arith.constant 0 : i32
        %dma_start3A_320 = arith.constant 0 : i32
        %dma_start3A_321 = tpu.memref_slice %arg16[%select_n3A_305, %dma_start3A_319, %dma_start3A_320] : memref<4x64x128xf32, #tpu.memory_space<vmem>> -> memref<1x64x128xf32, #tpu.memory_space<vmem>>
        %dma_start3A_322 = tpu.memref_squeeze %dma_start3A_321 : memref<1x64x128xf32, #tpu.memory_space<vmem>> -> memref<64x128xf32, #tpu.memory_space<vmem>>
        %dma_start3A_323 = arith.constant 0 : i32
        %dma_start3A_324 = tpu.memref_slice %arg4[%dma_start3A_323, %multiple_of3A] : memref<64x1000000xf32, #tpu.memory_space<hbm>> -> memref<64x128xf32, #tpu.memory_space<hbm>>
        tpu.enqueue_dma source(%dma_start3A_324 : memref<64x128xf32, #tpu.memory_space<hbm>>) target(%dma_start3A_322 : memref<64x128xf32, #tpu.memory_space<vmem>>) target_semaphore(%arg24 : memref<!tpu.dma_semaphore, #tpu.memory_space<semaphore_mem>>)
        %dma_start3A_325 = arith.constant 0 : i32
        %dma_start3A_326 = arith.constant 0 : i32
        %dma_start3A_327 = tpu.memref_slice %arg17[%select_n3A_305, %dma_start3A_325, %dma_start3A_326] : memref<4x64x128xf32, #tpu.memory_space<vmem>> -> memref<1x64x128xf32, #tpu.memory_space<vmem>>
        %dma_start3A_328 = tpu.memref_squeeze %dma_start3A_327 : memref<1x64x128xf32, #tpu.memory_space<vmem>> -> memref<64x128xf32, #tpu.memory_space<vmem>>
        %dma_start3A_329 = arith.constant 0 : i32
        %dma_start3A_330 = tpu.memref_slice %arg5[%dma_start3A_329, %multiple_of3A] : memref<64x1000000xf32, #tpu.memory_space<hbm>> -> memref<64x128xf32, #tpu.memory_space<hbm>>
        %dma_start3A_331 = arith.constant 0 : i32
        %dma_start3A_332 = arith.constant 0 : i32
        %dma_start3A_333 = tpu.memref_slice %arg17[%select_n3A_305, %dma_start3A_331, %dma_start3A_332] : memref<4x64x128xf32, #tpu.memory_space<vmem>> -> memref<1x64x128xf32, #tpu.memory_space<vmem>>
        %dma_start3A_334 = tpu.memref_squeeze %dma_start3A_333 : memref<1x64x128xf32, #tpu.memory_space<vmem>> -> memref<64x128xf32, #tpu.memory_space<vmem>>
        %dma_start3A_335 = arith.constant 0 : i32
        %dma_start3A_336 = tpu.memref_slice %arg5[%dma_start3A_335, %multiple_of3A] : memref<64x1000000xf32, #tpu.memory_space<hbm>> -> memref<64x128xf32, #tpu.memory_space<hbm>>
        tpu.enqueue_dma source(%dma_start3A_336 : memref<64x128xf32, #tpu.memory_space<hbm>>) target(%dma_start3A_334 : memref<64x128xf32, #tpu.memory_space<vmem>>) target_semaphore(%arg25 : memref<!tpu.dma_semaphore, #tpu.memory_space<semaphore_mem>>)
      } else {
      }
      %while3A_287 = arith.constant 0 : i32
      scf.yield %while3A_287 : i32
    }
    %while3A_200 = arith.constant 1 : i32
    %while3A_201 = scf.for %while3A_202 = %while3A_197 to %while3A_193 step %while3A_200 iter_args(%while3A_203 = %while3A_199) -> (i32)  : i32 {
      %jit3A_204 = arith.constant 4 : i32
      %eq3A_205 = arith.constant 0 : i32
      %eq3A_206 = arith.cmpi eq, %jit3A_204, %eq3A_205 : i32
      %jit3A_207 = arith.constant 1 : i32
      %select_n3A_208 = arith.select %eq3A_206, %jit3A_207, %jit3A_204 : i32
      %rem3A_209 = arith.remsi %while3A_202, %select_n3A_208 : i32
      %ne3A_210 = arith.constant 0 : i32
      %ne3A_211 = arith.cmpi ne, %rem3A_209, %ne3A_210 : i32
      %lt3A = arith.constant 0 : i32
      %lt3A_212 = arith.cmpi slt, %rem3A_209, %lt3A : i32
      %lt3A_213 = arith.constant 0 : i32
      %lt3A_214 = arith.cmpi slt, %select_n3A_208, %lt3A_213 : i32
      %ne3A_215 = arith.xori %lt3A_212, %lt3A_214 : i1
      %and3A_216 = arith.andi %ne3A_215, %ne3A_211 : i1
      %add3A_217 = arith.addi %rem3A_209, %select_n3A_208 : i32
      %select_n3A_218 = arith.select %and3A_216, %add3A_217, %rem3A_209 : i32
      %get3A = arith.index_cast %while3A_202 : i32 to index
      %get3A_219 = tpu.vector_load %arg15[%get3A] {strides = array<i32>} : memref<288xi32, #tpu.memory_space<vmem>>, vector<16xi32>,
      %slice3A = vector.extract_strided_slice %get3A_219 {offsets = [0], sizes = [1], strides = [1]} : vector<16xi32> to vector<1xi32>
      %squeeze3A = vector.extract %slice3A[0] : i32 from vector<1xi32>
      %dma_wait3A = arith.constant 0 : i32
      %dma_wait3A_220 = arith.constant 0 : i32
      %dma_wait3A_221 = arith.constant 0 : i32
      %dma_wait3A_222 = tpu.memref_slice %arg16[%dma_wait3A, %dma_wait3A_220, %dma_wait3A_221] : memref<4x64x128xf32, #tpu.memory_space<vmem>> -> memref<1x64x128xf32, #tpu.memory_space<vmem>>
      %dma_wait3A_223 = tpu.memref_squeeze %dma_wait3A_222 : memref<1x64x128xf32, #tpu.memory_space<vmem>> -> memref<64x128xf32, #tpu.memory_space<vmem>>
      %dma_wait3A_224 = arith.constant 0 : i32
      %dma_wait3A_225 = arith.constant 0 : i32
      %dma_wait3A_226 = tpu.memref_slice %arg4[%dma_wait3A_224, %dma_wait3A_225] : memref<64x1000000xf32, #tpu.memory_space<hbm>> -> memref<64x128xf32, #tpu.memory_space<hbm>>
      %dma_wait3A_227 = arith.constant 0 : i32
      %dma_wait3A_228 = arith.constant 0 : i32
      %dma_wait3A_229 = tpu.memref_slice %arg16[%dma_wait3A, %dma_wait3A_227, %dma_wait3A_228] : memref<4x64x128xf32, #tpu.memory_space<vmem>> -> memref<1x64x128xf32, #tpu.memory_space<vmem>>
      %dma_wait3A_230 = tpu.memref_squeeze %dma_wait3A_229 : memref<1x64x128xf32, #tpu.memory_space<vmem>> -> memref<64x128xf32, #tpu.memory_space<vmem>>
      %dma_wait3A_231 = arith.constant 0 : i32
      %dma_wait3A_232 = arith.constant 0 : i32
      %dma_wait3A_233 = tpu.memref_slice %arg4[%dma_wait3A_231, %dma_wait3A_232] : memref<64x1000000xf32, #tpu.memory_space<hbm>> -> memref<64x128xf32, #tpu.memory_space<hbm>>
      tpu.wait_dma2 semaphore(%arg24 : memref<!tpu.dma_semaphore, #tpu.memory_space<semaphore_mem>>) src(%dma_wait3A_233 : memref<64x128xf32, #tpu.memory_space<hbm>>) dst(%dma_wait3A_230 : memref<64x128xf32, #tpu.memory_space<vmem>>)
      %dma_wait3A_234 = arith.constant 0 : i32
      %dma_wait3A_235 = arith.constant 0 : i32
      %dma_wait3A_236 = arith.constant 0 : i32
      %dma_wait3A_237 = tpu.memref_slice %arg17[%dma_wait3A_234, %dma_wait3A_235, %dma_wait3A_236] : memref<4x64x128xf32, #tpu.memory_space<vmem>> -> memref<1x64x128xf32, #tpu.memory_space<vmem>>
      %dma_wait3A_238 = tpu.memref_squeeze %dma_wait3A_237 : memref<1x64x128xf32, #tpu.memory_space<vmem>> -> memref<64x128xf32, #tpu.memory_space<vmem>>
      %dma_wait3A_239 = arith.constant 0 : i32
      %dma_wait3A_240 = arith.constant 0 : i32
      %dma_wait3A_241 = tpu.memref_slice %arg5[%dma_wait3A_239, %dma_wait3A_240] : memref<64x1000000xf32, #tpu.memory_space<hbm>> -> memref<64x128xf32, #tpu.memory_space<hbm>>
      %dma_wait3A_242 = arith.constant 0 : i32
      %dma_wait3A_243 = arith.constant 0 : i32
      %dma_wait3A_244 = tpu.memref_slice %arg17[%dma_wait3A_234, %dma_wait3A_242, %dma_wait3A_243] : memref<4x64x128xf32, #tpu.memory_space<vmem>> -> memref<1x64x128xf32, #tpu.memory_space<vmem>>
      %dma_wait3A_245 = tpu.memref_squeeze %dma_wait3A_244 : memref<1x64x128xf32, #tpu.memory_space<vmem>> -> memref<64x128xf32, #tpu.memory_space<vmem>>
      %dma_wait3A_246 = arith.constant 0 : i32
      %dma_wait3A_247 = arith.constant 0 : i32
      %dma_wait3A_248 = tpu.memref_slice %arg5[%dma_wait3A_246, %dma_wait3A_247] : memref<64x1000000xf32, #tpu.memory_space<hbm>> -> memref<64x128xf32, #tpu.memory_space<hbm>>
      tpu.wait_dma2 semaphore(%arg25 : memref<!tpu.dma_semaphore, #tpu.memory_space<semaphore_mem>>) src(%dma_wait3A_248 : memref<64x128xf32, #tpu.memory_space<hbm>>) dst(%dma_wait3A_245 : memref<64x128xf32, #tpu.memory_space<vmem>>)
      %get3A_249 = arith.index_cast %squeeze3A : i32 to index
      %get3A_250 = tpu.vector_load %arg12[%get3A_249] {strides = array<i32>} : memref<288xi32, #tpu.memory_space<vmem>>, vector<16xi32>,
      %slice3A_251 = vector.extract_strided_slice %get3A_250 {offsets = [0], sizes = [1], strides = [1]} : vector<16xi32> to vector<1xi32>
      %squeeze3A_252 = vector.extract %slice3A_251[0] : i32 from vector<1xi32>
      %slice3A_253 = vector.extract_strided_slice %get3A_250 {offsets = [1], sizes = [1], strides = [1]} : vector<16xi32> to vector<1xi32>
      %squeeze3A_254 = vector.extract %slice3A_253[0] : i32 from vector<1xi32>
      %while3A_255 = arith.constant 0 : i32
      %while3A_256 = arith.subi %squeeze3A_254, %squeeze3A_252 : i32
      %while3A_257 = arith.addi %squeeze3A_252, %while3A_256 : i32
      %while3A_258 = arith.constant 1 : i32
      %while3A_259 = arith.divsi %while3A_256, %while3A_258 : i32
      %while3A_260 = arith.muli %while3A_259, %while3A_258 : i32
      %while3A_261 = arith.addi %squeeze3A_252, %while3A_260 : i32
      %while3A_262 = arith.constant 1 : i32
      %while3A_263 = scf.for %while3A_288 = %squeeze3A_252 to %while3A_261 step %while3A_262 iter_args(%while3A_289 = %while3A_255) -> (i32)  : i32 {
        %get3A_290 = arith.index_cast %while3A_288 : i32 to index
        %get3A_291 = tpu.vector_load %arg10[%get3A_290] {strides = array<i32>} : memref<16400xi32, #tpu.memory_space<vmem>>, vector<16xi32>,
        %slice3A_292 = vector.extract_strided_slice %get3A_291 {offsets = [0], sizes = [1], strides = [1]} : vector<16xi32> to vector<1xi32>
        %squeeze3A_293 = vector.extract %slice3A_292[0] : i32 from vector<1xi32>
        %shift_right_arithmetic3A = arith.constant 14 : i32
        %shift_right_arithmetic3A_294 = arith.shrsi %squeeze3A_293, %shift_right_arithmetic3A : i32
        %and3A_295 = arith.constant 127 : i32
        %and3A_296 = arith.andi %shift_right_arithmetic3A_294, %and3A_295 : i32
        %broadcast_in_dim3A_297 = vector.broadcast %and3A_296 : i32 to vector<16xi32>
        %and3A_298 = arith.constant 16383 : i32
        %and3A_299 = arith.andi %squeeze3A_293, %and3A_298 : i32
        %get3A_300 = arith.constant 0 : index
        %get3A_301 = tpu.vector_load %arg18[%get3A_300] {strides = array<i32>} : memref<32xi32, #tpu.memory_space<vmem>>, vector<16xi32>,
        %slice3A_302 = vector.extract_strided_slice %get3A_301 {offsets = [0], sizes = [1], strides = [1]} : vector<16xi32> to vector<1xi32>
        %squeeze3A_303 = vector.extract %slice3A_302[0] : i32 from vector<1xi32>
        %add3A_304 = arith.constant 0 : i32
        %add3A_305 = vector.broadcast %add3A_304 : i32 to vector<16xi32>
        %add3A_306 = arith.addi %iota3A, %add3A_305 : vector<16xi32>
        %gather3A = arith.constant 0 : i32
        %gather3A_307 = arith.constant 0 : i32
        %gather3A_308 = tpu.memref_slice %arg16[%select_n3A_218, %gather3A, %gather3A_307] : memref<4x64x128xf32, #tpu.memory_space<vmem>> -> memref<1x64x128xf32, #tpu.memory_space<vmem>>
        %gather3A_309 = tpu.memref_squeeze %gather3A_308 : memref<1x64x128xf32, #tpu.memory_space<vmem>> -> memref<64x128xf32, #tpu.memory_space<vmem>>
        %gather3A_310 = tpu.vector_load_idx %gather3A_309[%add3A_306, %broadcast_in_dim3A_297] : memref<64x128xf32, #tpu.memory_space<vmem>>[vector<16xi32>, vector<16xi32>], vector<16xf32>,
        %swap3A_311 = arith.index_cast %squeeze3A_303 : i32 to index
        %swap3A_312 = arith.constant 0 : index
        %swap3A_313 = tpu.vector_load %arg19[%swap3A_311, %swap3A_312] {strides = array<i32>} : memref<32x128xf32, #tpu.memory_space<vmem>>, vector<16xf32>,
        tpu.vector_store %arg19[%swap3A_311, %swap3A_312], %gather3A_310 {strides = array<i32>} : memref<32x128xf32, #tpu.memory_space<vmem>>, vector<16xf32>,
        %add3A_314 = arith.constant 16 : i32
        %add3A_315 = vector.broadcast %add3A_314 : i32 to vector<16xi32>
        %add3A_316 = arith.addi %iota3A, %add3A_315 : vector<16xi32>
        %gather3A_317 = arith.constant 0 : i32
        %gather3A_318 = arith.constant 0 : i32
        %gather3A_319 = tpu.memref_slice %arg16[%select_n3A_218, %gather3A_317, %gather3A_318] : memref<4x64x128xf32, #tpu.memory_space<vmem>> -> memref<1x64x128xf32, #tpu.memory_space<vmem>>
        %gather3A_320 = tpu.memref_squeeze %gather3A_319 : memref<1x64x128xf32, #tpu.memory_space<vmem>> -> memref<64x128xf32, #tpu.memory_space<vmem>>
        %gather3A_321 = tpu.vector_load_idx %gather3A_320[%add3A_316, %broadcast_in_dim3A_297] : memref<64x128xf32, #tpu.memory_space<vmem>>[vector<16xi32>, vector<16xi32>], vector<16xf32>,
        %swap3A_322 = arith.index_cast %squeeze3A_303 : i32 to index
        %swap3A_323 = arith.constant 16 : index
        %swap3A_324 = tpu.vector_load %arg19[%swap3A_322, %swap3A_323] {strides = array<i32>} : memref<32x128xf32, #tpu.memory_space<vmem>>, vector<16xf32>,
        tpu.vector_store %arg19[%swap3A_322, %swap3A_323], %gather3A_321 {strides = array<i32>} : memref<32x128xf32, #tpu.memory_space<vmem>>, vector<16xf32>,
        %add3A_325 = arith.constant 32 : i32
        %add3A_326 = vector.broadcast %add3A_325 : i32 to vector<16xi32>
        %add3A_327 = arith.addi %iota3A, %add3A_326 : vector<16xi32>
        %gather3A_328 = arith.constant 0 : i32
        %gather3A_329 = arith.constant 0 : i32
        %gather3A_330 = tpu.memref_slice %arg16[%select_n3A_218, %gather3A_328, %gather3A_329] : memref<4x64x128xf32, #tpu.memory_space<vmem>> -> memref<1x64x128xf32, #tpu.memory_space<vmem>>
        %gather3A_331 = tpu.memref_squeeze %gather3A_330 : memref<1x64x128xf32, #tpu.memory_space<vmem>> -> memref<64x128xf32, #tpu.memory_space<vmem>>
        %gather3A_332 = tpu.vector_load_idx %gather3A_331[%add3A_327, %broadcast_in_dim3A_297] : memref<64x128xf32, #tpu.memory_space<vmem>>[vector<16xi32>, vector<16xi32>], vector<16xf32>,
        %swap3A_333 = arith.index_cast %squeeze3A_303 : i32 to index
        %swap3A_334 = arith.constant 32 : index
        %swap3A_335 = tpu.vector_load %arg19[%swap3A_333, %swap3A_334] {strides = array<i32>} : memref<32x128xf32, #tpu.memory_space<vmem>>, vector<16xf32>,
        tpu.vector_store %arg19[%swap3A_333, %swap3A_334], %gather3A_332 {strides = array<i32>} : memref<32x128xf32, #tpu.memory_space<vmem>>, vector<16xf32>,
        %add3A_336 = arith.constant 48 : i32
        %add3A_337 = vector.broadcast %add3A_336 : i32 to vector<16xi32>
        %add3A_338 = arith.addi %iota3A, %add3A_337 : vector<16xi32>
        %gather3A_339 = arith.constant 0 : i32
        %gather3A_340 = arith.constant 0 : i32
        %gather3A_341 = tpu.memref_slice %arg16[%select_n3A_218, %gather3A_339, %gather3A_340] : memref<4x64x128xf32, #tpu.memory_space<vmem>> -> memref<1x64x128xf32, #tpu.memory_space<vmem>>
        %gather3A_342 = tpu.memref_squeeze %gather3A_341 : memref<1x64x128xf32, #tpu.memory_space<vmem>> -> memref<64x128xf32, #tpu.memory_space<vmem>>
        %gather3A_343 = tpu.vector_load_idx %gather3A_342[%add3A_338, %broadcast_in_dim3A_297] : memref<64x128xf32, #tpu.memory_space<vmem>>[vector<16xi32>, vector<16xi32>], vector<16xf32>,
        %swap3A_344 = arith.index_cast %squeeze3A_303 : i32 to index
        %swap3A_345 = arith.constant 48 : index
        %swap3A_346 = tpu.vector_load %arg19[%swap3A_344, %swap3A_345] {strides = array<i32>} : memref<32x128xf32, #tpu.memory_space<vmem>>, vector<16xf32>,
        tpu.vector_store %arg19[%swap3A_344, %swap3A_345], %gather3A_343 {strides = array<i32>} : memref<32x128xf32, #tpu.memory_space<vmem>>, vector<16xf32>,
        %broadcast_in_dim3A_347 = vector.broadcast %and3A_299 : i32 to vector<16xi32>
        %swap3A_348 = arith.index_cast %squeeze3A_303 : i32 to index
        %swap3A_349 = tpu.vector_load %arg21[%swap3A_348] masked %eq3A_53 {strides = array<i32>} : memref<32xi32, #tpu.memory_space<vmem>>, vector<16xi32>, vector<16xi1>
        tpu.vector_store %arg21[%swap3A_348], %broadcast_in_dim3A_347 masked %eq3A_53 {strides = array<i32>} : memref<32xi32, #tpu.memory_space<vmem>>, vector<16xi32>, vector<16xi1>
        %add3A_350 = arith.constant 1 : i32
        %add3A_351 = arith.addi %squeeze3A_303, %add3A_350 : i32
        %eq3A_352 = arith.constant 32 : i32
        %eq3A_353 = arith.cmpi eq, %add3A_351, %eq3A_352 : i32
        %convert_element_type3A_354 = arith.extui %eq3A_353 : i1 to i32
        %cond3A_355 = arith.constant 0 : i32
        %cond3A_356 = arith.cmpi ne, %convert_element_type3A_354, %cond3A_355 : i32
        scf.if %cond3A_356 {
          "tpu.region"() ({
            %run_scoped3A = tpu.sem_alloc : memref<!tpu.dma_semaphore, #tpu.memory_space<semaphore_mem>>
            %dma_start3A_372 = arith.constant 0 : i32
            %dma_start3A_373 = arith.constant 0 : i32
            %dma_start3A_374 = tpu.memref_slice %arg6[%dma_start3A_372, %dma_start3A_373] : memref<16416x128xf32, #tpu.memory_space<hbm>> -> memref<16416x128xf32, #tpu.memory_space<hbm>>
            tpu.enqueue_indirect_dma source(%arg19 : memref<32x128xf32, #tpu.memory_space<vmem>>) target(%dma_start3A_374 : memref<16416x128xf32, #tpu.memory_space<hbm>>) offsets(%arg21 : memref<32xi32, #tpu.memory_space<vmem>>) semaphore(%run_scoped3A : memref<!tpu.dma_semaphore, #tpu.memory_space<semaphore_mem>>)
            %dma_wait3A_375 = arith.constant 0 : i32
            %dma_wait3A_376 = arith.constant 0 : i32
            %dma_wait3A_377 = tpu.memref_slice %arg6[%dma_wait3A_375, %dma_wait3A_376] : memref<16416x128xf32, #tpu.memory_space<hbm>> -> memref<16416x128xf32, #tpu.memory_space<hbm>>
            tpu.wait_indirect_dma semaphore(%run_scoped3A : memref<!tpu.dma_semaphore, #tpu.memory_space<semaphore_mem>>) src(%arg19 : memref<32x128xf32, #tpu.memory_space<vmem>>) dst(%dma_wait3A_377 : memref<16416x128xf32, #tpu.memory_space<hbm>>)
            tpu.yield
          }) : () -> ()
          %scan3A_363 = arith.constant 0 : i32
          %scan3A_364 = arith.constant 2 : i32
          %scan3A_365 = arith.addi %scan3A_363, %scan3A_364 : i32
          %scan3A_366 = arith.constant 1 : i32
          scf.for %scan3A_372 = %scan3A_363 to %scan3A_365 step %scan3A_366  : i32 {
            %mul3A_373 = arith.constant 16 : i32
            %mul3A_374 = arith.muli %scan3A_372, %mul3A_373 : i32
            %add3A_375 = arith.constant 0 : i32
            %add3A_376 = arith.addi %add3A_375, %mul3A_374 : i32
            %add3A_377 = arith.constant 16384 : i32
            %add3A_378 = arith.addi %add3A_377, %add3A_376 : i32
            %add3A_379 = vector.broadcast %add3A_378 : i32 to vector<16xi32>
            %add3A_380 = arith.addi %iota3A, %add3A_379 : vector<16xi32>
            %swap3A_381 = arith.index_cast %add3A_376 : i32 to index
            %swap3A_382 = tpu.vector_load %arg21[%swap3A_381] {strides = array<i32>} : memref<32xi32, #tpu.memory_space<vmem>>, vector<16xi32>,
            tpu.vector_store %arg21[%swap3A_381], %add3A_380 {strides = array<i32>} : memref<32xi32, #tpu.memory_space<vmem>>, vector<16xi32>,
          }
          %scan3A_367 = arith.constant 2 : i32
          %broadcast_in_dim3A_368 = arith.constant 0 : i32
          %broadcast_in_dim3A_369 = vector.broadcast %broadcast_in_dim3A_368 : i32 to vector<16xi32>
          %swap3A_370 = arith.constant 0 : index
          %swap3A_371 = tpu.vector_load %arg18[%swap3A_370] masked %eq3A_53 {strides = array<i32>} : memref<32xi32, #tpu.memory_space<vmem>>, vector<16xi32>, vector<16xi1>
          tpu.vector_store %arg18[%swap3A_370], %broadcast_in_dim3A_369 masked %eq3A_53 {strides = array<i32>} : memref<32xi32, #tpu.memory_space<vmem>>, vector<16xi32>, vector<16xi1>
        } else {
        }
        %lt3A_357 = arith.constant 32 : i32
        %lt3A_358 = arith.cmpi slt, %add3A_351, %lt3A_357 : i32
        %convert_element_type3A_359 = arith.extui %lt3A_358 : i1 to i32
        %cond3A_360 = arith.constant 0 : i32
        %cond3A_361 = arith.cmpi ne, %convert_element_type3A_359, %cond3A_360 : i32
        scf.if %cond3A_361 {
          %broadcast_in_dim3A_363 = vector.broadcast %add3A_351 : i32 to vector<16xi32>
          %swap3A_364 = arith.constant 0 : index
          %swap3A_365 = tpu.vector_load %arg18[%swap3A_364] masked %eq3A_53 {strides = array<i32>} : memref<32xi32, #tpu.memory_space<vmem>>, vector<16xi32>, vector<16xi1>
          tpu.vector_store %arg18[%swap3A_364], %broadcast_in_dim3A_363 masked %eq3A_53 {strides = array<i32>} : memref<32xi32, #tpu.memory_space<vmem>>, vector<16xi32>, vector<16xi1>
        } else {
        }
        %while3A_362 = arith.constant 0 : i32
        scf.yield %while3A_362 : i32
      }
      %while3A_264 = arith.constant 1 : i32
      %while3A_265 = scf.for %while3A_288 = %while3A_261 to %while3A_257 step %while3A_264 iter_args(%while3A_289 = %while3A_263) -> (i32)  : i32 {
        %get3A_290 = arith.index_cast %while3A_288 : i32 to index
        %get3A_291 = tpu.vector_load %arg10[%get3A_290] {strides = array<i32>} : memref<16400xi32, #tpu.memory_space<vmem>>, vector<16xi32>,
        %slice3A_292 = vector.extract_strided_slice %get3A_291 {offsets = [0], sizes = [1], strides = [1]} : vector<16xi32> to vector<1xi32>
        %squeeze3A_293 = vector.extract %slice3A_292[0] : i32 from vector<1xi32>
        %shift_right_arithmetic3A = arith.constant 14 : i32
        %shift_right_arithmetic3A_294 = arith.shrsi %squeeze3A_293, %shift_right_arithmetic3A : i32
        %and3A_295 = arith.constant 127 : i32
        %and3A_296 = arith.andi %shift_right_arithmetic3A_294, %and3A_295 : i32
        %broadcast_in_dim3A_297 = vector.broadcast %and3A_296 : i32 to vector<16xi32>
        %and3A_298 = arith.constant 16383 : i32
        %and3A_299 = arith.andi %squeeze3A_293, %and3A_298 : i32
        %get3A_300 = arith.constant 0 : index
        %get3A_301 = tpu.vector_load %arg18[%get3A_300] {strides = array<i32>} : memref<32xi32, #tpu.memory_space<vmem>>, vector<16xi32>,
        %slice3A_302 = vector.extract_strided_slice %get3A_301 {offsets = [0], sizes = [1], strides = [1]} : vector<16xi32> to vector<1xi32>
        %squeeze3A_303 = vector.extract %slice3A_302[0] : i32 from vector<1xi32>
        %add3A_304 = arith.constant 0 : i32
        %add3A_305 = vector.broadcast %add3A_304 : i32 to vector<16xi32>
        %add3A_306 = arith.addi %iota3A, %add3A_305 : vector<16xi32>
        %gather3A = arith.constant 0 : i32
        %gather3A_307 = arith.constant 0 : i32
        %gather3A_308 = tpu.memref_slice %arg16[%select_n3A_218, %gather3A, %gather3A_307] : memref<4x64x128xf32, #tpu.memory_space<vmem>> -> memref<1x64x128xf32, #tpu.memory_space<vmem>>
        %gather3A_309 = tpu.memref_squeeze %gather3A_308 : memref<1x64x128xf32, #tpu.memory_space<vmem>> -> memref<64x128xf32, #tpu.memory_space<vmem>>
        %gather3A_310 = tpu.vector_load_idx %gather3A_309[%add3A_306, %broadcast_in_dim3A_297] : memref<64x128xf32, #tpu.memory_space<vmem>>[vector<16xi32>, vector<16xi32>], vector<16xf32>,
        %swap3A_311 = arith.index_cast %squeeze3A_303 : i32 to index
        %swap3A_312 = arith.constant 0 : index
        %swap3A_313 = tpu.vector_load %arg19[%swap3A_311, %swap3A_312] {strides = array<i32>} : memref<32x128xf32, #tpu.memory_space<vmem>>, vector<16xf32>,
        tpu.vector_store %arg19[%swap3A_311, %swap3A_312], %gather3A_310 {strides = array<i32>} : memref<32x128xf32, #tpu.memory_space<vmem>>, vector<16xf32>,
        %add3A_314 = arith.constant 16 : i32
        %add3A_315 = vector.broadcast %add3A_314 : i32 to vector<16xi32>
        %add3A_316 = arith.addi %iota3A, %add3A_315 : vector<16xi32>
        %gather3A_317 = arith.constant 0 : i32
        %gather3A_318 = arith.constant 0 : i32
        %gather3A_319 = tpu.memref_slice %arg16[%select_n3A_218, %gather3A_317, %gather3A_318] : memref<4x64x128xf32, #tpu.memory_space<vmem>> -> memref<1x64x128xf32, #tpu.memory_space<vmem>>
        %gather3A_320 = tpu.memref_squeeze %gather3A_319 : memref<1x64x128xf32, #tpu.memory_space<vmem>> -> memref<64x128xf32, #tpu.memory_space<vmem>>
        %gather3A_321 = tpu.vector_load_idx %gather3A_320[%add3A_316, %broadcast_in_dim3A_297] : memref<64x128xf32, #tpu.memory_space<vmem>>[vector<16xi32>, vector<16xi32>], vector<16xf32>,
        %swap3A_322 = arith.index_cast %squeeze3A_303 : i32 to index
        %swap3A_323 = arith.constant 16 : index
        %swap3A_324 = tpu.vector_load %arg19[%swap3A_322, %swap3A_323] {strides = array<i32>} : memref<32x128xf32, #tpu.memory_space<vmem>>, vector<16xf32>,
        tpu.vector_store %arg19[%swap3A_322, %swap3A_323], %gather3A_321 {strides = array<i32>} : memref<32x128xf32, #tpu.memory_space<vmem>>, vector<16xf32>,
        %add3A_325 = arith.constant 32 : i32
        %add3A_326 = vector.broadcast %add3A_325 : i32 to vector<16xi32>
        %add3A_327 = arith.addi %iota3A, %add3A_326 : vector<16xi32>
        %gather3A_328 = arith.constant 0 : i32
        %gather3A_329 = arith.constant 0 : i32
        %gather3A_330 = tpu.memref_slice %arg16[%select_n3A_218, %gather3A_328, %gather3A_329] : memref<4x64x128xf32, #tpu.memory_space<vmem>> -> memref<1x64x128xf32, #tpu.memory_space<vmem>>
        %gather3A_331 = tpu.memref_squeeze %gather3A_330 : memref<1x64x128xf32, #tpu.memory_space<vmem>> -> memref<64x128xf32, #tpu.memory_space<vmem>>
        %gather3A_332 = tpu.vector_load_idx %gather3A_331[%add3A_327, %broadcast_in_dim3A_297] : memref<64x128xf32, #tpu.memory_space<vmem>>[vector<16xi32>, vector<16xi32>], vector<16xf32>,
        %swap3A_333 = arith.index_cast %squeeze3A_303 : i32 to index
        %swap3A_334 = arith.constant 32 : index
        %swap3A_335 = tpu.vector_load %arg19[%swap3A_333, %swap3A_334] {strides = array<i32>} : memref<32x128xf32, #tpu.memory_space<vmem>>, vector<16xf32>,
        tpu.vector_store %arg19[%swap3A_333, %swap3A_334], %gather3A_332 {strides = array<i32>} : memref<32x128xf32, #tpu.memory_space<vmem>>, vector<16xf32>,
        %add3A_336 = arith.constant 48 : i32
        %add3A_337 = vector.broadcast %add3A_336 : i32 to vector<16xi32>
        %add3A_338 = arith.addi %iota3A, %add3A_337 : vector<16xi32>
        %gather3A_339 = arith.constant 0 : i32
        %gather3A_340 = arith.constant 0 : i32
        %gather3A_341 = tpu.memref_slice %arg16[%select_n3A_218, %gather3A_339, %gather3A_340] : memref<4x64x128xf32, #tpu.memory_space<vmem>> -> memref<1x64x128xf32, #tpu.memory_space<vmem>>
        %gather3A_342 = tpu.memref_squeeze %gather3A_341 : memref<1x64x128xf32, #tpu.memory_space<vmem>> -> memref<64x128xf32, #tpu.memory_space<vmem>>
        %gather3A_343 = tpu.vector_load_idx %gather3A_342[%add3A_338, %broadcast_in_dim3A_297] : memref<64x128xf32, #tpu.memory_space<vmem>>[vector<16xi32>, vector<16xi32>], vector<16xf32>,
        %swap3A_344 = arith.index_cast %squeeze3A_303 : i32 to index
        %swap3A_345 = arith.constant 48 : index
        %swap3A_346 = tpu.vector_load %arg19[%swap3A_344, %swap3A_345] {strides = array<i32>} : memref<32x128xf32, #tpu.memory_space<vmem>>, vector<16xf32>,
        tpu.vector_store %arg19[%swap3A_344, %swap3A_345], %gather3A_343 {strides = array<i32>} : memref<32x128xf32, #tpu.memory_space<vmem>>, vector<16xf32>,
        %broadcast_in_dim3A_347 = vector.broadcast %and3A_299 : i32 to vector<16xi32>
        %swap3A_348 = arith.index_cast %squeeze3A_303 : i32 to index
        %swap3A_349 = tpu.vector_load %arg21[%swap3A_348] masked %eq3A_53 {strides = array<i32>} : memref<32xi32, #tpu.memory_space<vmem>>, vector<16xi32>, vector<16xi1>
        tpu.vector_store %arg21[%swap3A_348], %broadcast_in_dim3A_347 masked %eq3A_53 {strides = array<i32>} : memref<32xi32, #tpu.memory_space<vmem>>, vector<16xi32>, vector<16xi1>
        %add3A_350 = arith.constant 1 : i32
        %add3A_351 = arith.addi %squeeze3A_303, %add3A_350 : i32
        %eq3A_352 = arith.constant 32 : i32
        %eq3A_353 = arith.cmpi eq, %add3A_351, %eq3A_352 : i32
        %convert_element_type3A_354 = arith.extui %eq3A_353 : i1 to i32
        %cond3A_355 = arith.constant 0 : i32
        %cond3A_356 = arith.cmpi ne, %convert_element_type3A_354, %cond3A_355 : i32
        scf.if %cond3A_356 {
          "tpu.region"() ({
            %run_scoped3A = tpu.sem_alloc : memref<!tpu.dma_semaphore, #tpu.memory_space<semaphore_mem>>
            %dma_start3A_372 = arith.constant 0 : i32
            %dma_start3A_373 = arith.constant 0 : i32
            %dma_start3A_374 = tpu.memref_slice %arg6[%dma_start3A_372, %dma_start3A_373] : memref<16416x128xf32, #tpu.memory_space<hbm>> -> memref<16416x128xf32, #tpu.memory_space<hbm>>
            tpu.enqueue_indirect_dma source(%arg19 : memref<32x128xf32, #tpu.memory_space<vmem>>) target(%dma_start3A_374 : memref<16416x128xf32, #tpu.memory_space<hbm>>) offsets(%arg21 : memref<32xi32, #tpu.memory_space<vmem>>) semaphore(%run_scoped3A : memref<!tpu.dma_semaphore, #tpu.memory_space<semaphore_mem>>)
            %dma_wait3A_375 = arith.constant 0 : i32
            %dma_wait3A_376 = arith.constant 0 : i32
            %dma_wait3A_377 = tpu.memref_slice %arg6[%dma_wait3A_375, %dma_wait3A_376] : memref<16416x128xf32, #tpu.memory_space<hbm>> -> memref<16416x128xf32, #tpu.memory_space<hbm>>
            tpu.wait_indirect_dma semaphore(%run_scoped3A : memref<!tpu.dma_semaphore, #tpu.memory_space<semaphore_mem>>) src(%arg19 : memref<32x128xf32, #tpu.memory_space<vmem>>) dst(%dma_wait3A_377 : memref<16416x128xf32, #tpu.memory_space<hbm>>)
            tpu.yield
          }) : () -> ()
          %scan3A_363 = arith.constant 0 : i32
          %scan3A_364 = arith.constant 2 : i32
          %scan3A_365 = arith.addi %scan3A_363, %scan3A_364 : i32
          %scan3A_366 = arith.constant 1 : i32
          scf.for %scan3A_372 = %scan3A_363 to %scan3A_365 step %scan3A_366  : i32 {
            %mul3A_373 = arith.constant 16 : i32
            %mul3A_374 = arith.muli %scan3A_372, %mul3A_373 : i32
            %add3A_375 = arith.constant 0 : i32
            %add3A_376 = arith.addi %add3A_375, %mul3A_374 : i32
            %add3A_377 = arith.constant 16384 : i32
            %add3A_378 = arith.addi %add3A_377, %add3A_376 : i32
            %add3A_379 = vector.broadcast %add3A_378 : i32 to vector<16xi32>
            %add3A_380 = arith.addi %iota3A, %add3A_379 : vector<16xi32>
            %swap3A_381 = arith.index_cast %add3A_376 : i32 to index
            %swap3A_382 = tpu.vector_load %arg21[%swap3A_381] {strides = array<i32>} : memref<32xi32, #tpu.memory_space<vmem>>, vector<16xi32>,
            tpu.vector_store %arg21[%swap3A_381], %add3A_380 {strides = array<i32>} : memref<32xi32, #tpu.memory_space<vmem>>, vector<16xi32>,
          }
          %scan3A_367 = arith.constant 2 : i32
          %broadcast_in_dim3A_368 = arith.constant 0 : i32
          %broadcast_in_dim3A_369 = vector.broadcast %broadcast_in_dim3A_368 : i32 to vector<16xi32>
          %swap3A_370 = arith.constant 0 : index
          %swap3A_371 = tpu.vector_load %arg18[%swap3A_370] masked %eq3A_53 {strides = array<i32>} : memref<32xi32, #tpu.memory_space<vmem>>, vector<16xi32>, vector<16xi1>
          tpu.vector_store %arg18[%swap3A_370], %broadcast_in_dim3A_369 masked %eq3A_53 {strides = array<i32>} : memref<32xi32, #tpu.memory_space<vmem>>, vector<16xi32>, vector<16xi1>
        } else {
        }
        %lt3A_357 = arith.constant 32 : i32
        %lt3A_358 = arith.cmpi slt, %add3A_351, %lt3A_357 : i32
        %convert_element_type3A_359 = arith.extui %lt3A_358 : i1 to i32
        %cond3A_360 = arith.constant 0 : i32
        %cond3A_361 = arith.cmpi ne, %convert_element_type3A_359, %cond3A_360 : i32
        scf.if %cond3A_361 {
          %broadcast_in_dim3A_363 = vector.broadcast %add3A_351 : i32 to vector<16xi32>
          %swap3A_364 = arith.constant 0 : index
          %swap3A_365 = tpu.vector_load %arg18[%swap3A_364] masked %eq3A_53 {strides = array<i32>} : memref<32xi32, #tpu.memory_space<vmem>>, vector<16xi32>, vector<16xi1>
          tpu.vector_store %arg18[%swap3A_364], %broadcast_in_dim3A_363 masked %eq3A_53 {strides = array<i32>} : memref<32xi32, #tpu.memory_space<vmem>>, vector<16xi32>, vector<16xi1>
        } else {
        }
        %while3A_362 = arith.constant 0 : i32
        scf.yield %while3A_362 : i32
      }
      %get3A_266 = arith.index_cast %squeeze3A : i32 to index
      %get3A_267 = tpu.vector_load %arg13[%get3A_266] {strides = array<i32>} : memref<288xi32, #tpu.memory_space<vmem>>, vector<16xi32>,
      %slice3A_268 = vector.extract_strided_slice %get3A_267 {offsets = [0], sizes = [1], strides = [1]} : vector<16xi32> to vector<1xi32>
      %squeeze3A_269 = vector.extract %slice3A_268[0] : i32 from vector<1xi32>
      %slice3A_270 = vector.extract_strided_slice %get3A_267 {offsets = [1], sizes = [1], strides = [1]} : vector<16xi32> to vector<1xi32>
      %squeeze3A_271 = vector.extract %slice3A_270[0] : i32 from vector<1xi32>
      %while3A_272 = arith.constant 0 : i32
      %while3A_273 = arith.subi %squeeze3A_271, %squeeze3A_269 : i32
      %while3A_274 = arith.addi %squeeze3A_269, %while3A_273 : i32
      %while3A_275 = arith.constant 1 : i32
      %while3A_276 = arith.divsi %while3A_273, %while3A_275 : i32
      %while3A_277 = arith.muli %while3A_276, %while3A_275 : i32
      %while3A_278 = arith.addi %squeeze3A_269, %while3A_277 : i32
      %while3A_279 = arith.constant 1 : i32
      %while3A_280 = scf.for %while3A_288 = %squeeze3A_269 to %while3A_278 step %while3A_279 iter_args(%while3A_289 = %while3A_272) -> (i32)  : i32 {
        %get3A_290 = arith.index_cast %while3A_288 : i32 to index
        %get3A_291 = tpu.vector_load %arg11[%get3A_290] {strides = array<i32>} : memref<16400xi32, #tpu.memory_space<vmem>>, vector<16xi32>,
        %slice3A_292 = vector.extract_strided_slice %get3A_291 {offsets = [0], sizes = [1], strides = [1]} : vector<16xi32> to vector<1xi32>
        %squeeze3A_293 = vector.extract %slice3A_292[0] : i32 from vector<1xi32>
        %shift_right_arithmetic3A = arith.constant 14 : i32
        %shift_right_arithmetic3A_294 = arith.shrsi %squeeze3A_293, %shift_right_arithmetic3A : i32
        %and3A_295 = arith.constant 127 : i32
        %and3A_296 = arith.andi %shift_right_arithmetic3A_294, %and3A_295 : i32
        %broadcast_in_dim3A_297 = vector.broadcast %and3A_296 : i32 to vector<16xi32>
        %and3A_298 = arith.constant 16383 : i32
        %and3A_299 = arith.andi %squeeze3A_293, %and3A_298 : i32
        %get3A_300 = arith.constant 16 : index
        %get3A_301 = tpu.vector_load %arg18[%get3A_300] {strides = array<i32>} : memref<32xi32, #tpu.memory_space<vmem>>, vector<16xi32>,
        %slice3A_302 = vector.extract_strided_slice %get3A_301 {offsets = [0], sizes = [1], strides = [1]} : vector<16xi32> to vector<1xi32>
        %squeeze3A_303 = vector.extract %slice3A_302[0] : i32 from vector<1xi32>
        %add3A_304 = arith.constant 0 : i32
        %add3A_305 = vector.broadcast %add3A_304 : i32 to vector<16xi32>
        %add3A_306 = arith.addi %iota3A, %add3A_305 : vector<16xi32>
        %gather3A = arith.constant 0 : i32
        %gather3A_307 = arith.constant 0 : i32
        %gather3A_308 = tpu.memref_slice %arg17[%select_n3A_218, %gather3A, %gather3A_307] : memref<4x64x128xf32, #tpu.memory_space<vmem>> -> memref<1x64x128xf32, #tpu.memory_space<vmem>>
        %gather3A_309 = tpu.memref_squeeze %gather3A_308 : memref<1x64x128xf32, #tpu.memory_space<vmem>> -> memref<64x128xf32, #tpu.memory_space<vmem>>
        %gather3A_310 = tpu.vector_load_idx %gather3A_309[%add3A_306, %broadcast_in_dim3A_297] : memref<64x128xf32, #tpu.memory_space<vmem>>[vector<16xi32>, vector<16xi32>], vector<16xf32>,
        %swap3A_311 = arith.index_cast %squeeze3A_303 : i32 to index
        %swap3A_312 = arith.constant 0 : index
        %swap3A_313 = tpu.vector_load %arg20[%swap3A_311, %swap3A_312] {strides = array<i32>} : memref<32x128xf32, #tpu.memory_space<vmem>>, vector<16xf32>,
        tpu.vector_store %arg20[%swap3A_311, %swap3A_312], %gather3A_310 {strides = array<i32>} : memref<32x128xf32, #tpu.memory_space<vmem>>, vector<16xf32>,
        %add3A_314 = arith.constant 16 : i32
        %add3A_315 = vector.broadcast %add3A_314 : i32 to vector<16xi32>
        %add3A_316 = arith.addi %iota3A, %add3A_315 : vector<16xi32>
        %gather3A_317 = arith.constant 0 : i32
        %gather3A_318 = arith.constant 0 : i32
        %gather3A_319 = tpu.memref_slice %arg17[%select_n3A_218, %gather3A_317, %gather3A_318] : memref<4x64x128xf32, #tpu.memory_space<vmem>> -> memref<1x64x128xf32, #tpu.memory_space<vmem>>
        %gather3A_320 = tpu.memref_squeeze %gather3A_319 : memref<1x64x128xf32, #tpu.memory_space<vmem>> -> memref<64x128xf32, #tpu.memory_space<vmem>>
        %gather3A_321 = tpu.vector_load_idx %gather3A_320[%add3A_316, %broadcast_in_dim3A_297] : memref<64x128xf32, #tpu.memory_space<vmem>>[vector<16xi32>, vector<16xi32>], vector<16xf32>,
        %swap3A_322 = arith.index_cast %squeeze3A_303 : i32 to index
        %swap3A_323 = arith.constant 16 : index
        %swap3A_324 = tpu.vector_load %arg20[%swap3A_322, %swap3A_323] {strides = array<i32>} : memref<32x128xf32, #tpu.memory_space<vmem>>, vector<16xf32>,
        tpu.vector_store %arg20[%swap3A_322, %swap3A_323], %gather3A_321 {strides = array<i32>} : memref<32x128xf32, #tpu.memory_space<vmem>>, vector<16xf32>,
        %add3A_325 = arith.constant 32 : i32
        %add3A_326 = vector.broadcast %add3A_325 : i32 to vector<16xi32>
        %add3A_327 = arith.addi %iota3A, %add3A_326 : vector<16xi32>
        %gather3A_328 = arith.constant 0 : i32
        %gather3A_329 = arith.constant 0 : i32
        %gather3A_330 = tpu.memref_slice %arg17[%select_n3A_218, %gather3A_328, %gather3A_329] : memref<4x64x128xf32, #tpu.memory_space<vmem>> -> memref<1x64x128xf32, #tpu.memory_space<vmem>>
        %gather3A_331 = tpu.memref_squeeze %gather3A_330 : memref<1x64x128xf32, #tpu.memory_space<vmem>> -> memref<64x128xf32, #tpu.memory_space<vmem>>
        %gather3A_332 = tpu.vector_load_idx %gather3A_331[%add3A_327, %broadcast_in_dim3A_297] : memref<64x128xf32, #tpu.memory_space<vmem>>[vector<16xi32>, vector<16xi32>], vector<16xf32>,
        %swap3A_333 = arith.index_cast %squeeze3A_303 : i32 to index
        %swap3A_334 = arith.constant 32 : index
        %swap3A_335 = tpu.vector_load %arg20[%swap3A_333, %swap3A_334] {strides = array<i32>} : memref<32x128xf32, #tpu.memory_space<vmem>>, vector<16xf32>,
        tpu.vector_store %arg20[%swap3A_333, %swap3A_334], %gather3A_332 {strides = array<i32>} : memref<32x128xf32, #tpu.memory_space<vmem>>, vector<16xf32>,
        %add3A_336 = arith.constant 48 : i32
        %add3A_337 = vector.broadcast %add3A_336 : i32 to vector<16xi32>
        %add3A_338 = arith.addi %iota3A, %add3A_337 : vector<16xi32>
        %gather3A_339 = arith.constant 0 : i32
        %gather3A_340 = arith.constant 0 : i32
        %gather3A_341 = tpu.memref_slice %arg17[%select_n3A_218, %gather3A_339, %gather3A_340] : memref<4x64x128xf32, #tpu.memory_space<vmem>> -> memref<1x64x128xf32, #tpu.memory_space<vmem>>
        %gather3A_342 = tpu.memref_squeeze %gather3A_341 : memref<1x64x128xf32, #tpu.memory_space<vmem>> -> memref<64x128xf32, #tpu.memory_space<vmem>>
        %gather3A_343 = tpu.vector_load_idx %gather3A_342[%add3A_338, %broadcast_in_dim3A_297] : memref<64x128xf32, #tpu.memory_space<vmem>>[vector<16xi32>, vector<16xi32>], vector<16xf32>,
        %swap3A_344 = arith.index_cast %squeeze3A_303 : i32 to index
        %swap3A_345 = arith.constant 48 : index
        %swap3A_346 = tpu.vector_load %arg20[%swap3A_344, %swap3A_345] {strides = array<i32>} : memref<32x128xf32, #tpu.memory_space<vmem>>, vector<16xf32>,
        tpu.vector_store %arg20[%swap3A_344, %swap3A_345], %gather3A_343 {strides = array<i32>} : memref<32x128xf32, #tpu.memory_space<vmem>>, vector<16xf32>,
        %broadcast_in_dim3A_347 = vector.broadcast %and3A_299 : i32 to vector<16xi32>
        %swap3A_348 = arith.index_cast %squeeze3A_303 : i32 to index
        %swap3A_349 = tpu.vector_load %arg22[%swap3A_348] masked %eq3A_53 {strides = array<i32>} : memref<32xi32, #tpu.memory_space<vmem>>, vector<16xi32>, vector<16xi1>
        tpu.vector_store %arg22[%swap3A_348], %broadcast_in_dim3A_347 masked %eq3A_53 {strides = array<i32>} : memref<32xi32, #tpu.memory_space<vmem>>, vector<16xi32>, vector<16xi1>
        %add3A_350 = arith.constant 1 : i32
        %add3A_351 = arith.addi %squeeze3A_303, %add3A_350 : i32
        %eq3A_352 = arith.constant 32 : i32
        %eq3A_353 = arith.cmpi eq, %add3A_351, %eq3A_352 : i32
        %convert_element_type3A_354 = arith.extui %eq3A_353 : i1 to i32
        %cond3A_355 = arith.constant 0 : i32
        %cond3A_356 = arith.cmpi ne, %convert_element_type3A_354, %cond3A_355 : i32
        scf.if %cond3A_356 {
          "tpu.region"() ({
            %run_scoped3A = tpu.sem_alloc : memref<!tpu.dma_semaphore, #tpu.memory_space<semaphore_mem>>
            %dma_start3A_372 = arith.constant 0 : i32
            %dma_start3A_373 = arith.constant 0 : i32
            %dma_start3A_374 = tpu.memref_slice %arg7[%dma_start3A_372, %dma_start3A_373] : memref<16416x128xf32, #tpu.memory_space<hbm>> -> memref<16416x128xf32, #tpu.memory_space<hbm>>
            tpu.enqueue_indirect_dma source(%arg20 : memref<32x128xf32, #tpu.memory_space<vmem>>) target(%dma_start3A_374 : memref<16416x128xf32, #tpu.memory_space<hbm>>) offsets(%arg22 : memref<32xi32, #tpu.memory_space<vmem>>) semaphore(%run_scoped3A : memref<!tpu.dma_semaphore, #tpu.memory_space<semaphore_mem>>)
            %dma_wait3A_375 = arith.constant 0 : i32
            %dma_wait3A_376 = arith.constant 0 : i32
            %dma_wait3A_377 = tpu.memref_slice %arg7[%dma_wait3A_375, %dma_wait3A_376] : memref<16416x128xf32, #tpu.memory_space<hbm>> -> memref<16416x128xf32, #tpu.memory_space<hbm>>
            tpu.wait_indirect_dma semaphore(%run_scoped3A : memref<!tpu.dma_semaphore, #tpu.memory_space<semaphore_mem>>) src(%arg20 : memref<32x128xf32, #tpu.memory_space<vmem>>) dst(%dma_wait3A_377 : memref<16416x128xf32, #tpu.memory_space<hbm>>)
            tpu.yield
          }) : () -> ()
          %scan3A_363 = arith.constant 0 : i32
          %scan3A_364 = arith.constant 2 : i32
          %scan3A_365 = arith.addi %scan3A_363, %scan3A_364 : i32
          %scan3A_366 = arith.constant 1 : i32
          scf.for %scan3A_372 = %scan3A_363 to %scan3A_365 step %scan3A_366  : i32 {
            %mul3A_373 = arith.constant 16 : i32
            %mul3A_374 = arith.muli %scan3A_372, %mul3A_373 : i32
            %add3A_375 = arith.constant 0 : i32
            %add3A_376 = arith.addi %add3A_375, %mul3A_374 : i32
            %add3A_377 = arith.constant 16384 : i32
            %add3A_378 = arith.addi %add3A_377, %add3A_376 : i32
            %add3A_379 = vector.broadcast %add3A_378 : i32 to vector<16xi32>
            %add3A_380 = arith.addi %iota3A, %add3A_379 : vector<16xi32>
            %swap3A_381 = arith.index_cast %add3A_376 : i32 to index
            %swap3A_382 = tpu.vector_load %arg22[%swap3A_381] {strides = array<i32>} : memref<32xi32, #tpu.memory_space<vmem>>, vector<16xi32>,
            tpu.vector_store %arg22[%swap3A_381], %add3A_380 {strides = array<i32>} : memref<32xi32, #tpu.memory_space<vmem>>, vector<16xi32>,
          }
          %scan3A_367 = arith.constant 2 : i32
          %broadcast_in_dim3A_368 = arith.constant 0 : i32
          %broadcast_in_dim3A_369 = vector.broadcast %broadcast_in_dim3A_368 : i32 to vector<16xi32>
          %swap3A_370 = arith.constant 16 : index
          %swap3A_371 = tpu.vector_load %arg18[%swap3A_370] masked %eq3A_53 {strides = array<i32>} : memref<32xi32, #tpu.memory_space<vmem>>, vector<16xi32>, vector<16xi1>
          tpu.vector_store %arg18[%swap3A_370], %broadcast_in_dim3A_369 masked %eq3A_53 {strides = array<i32>} : memref<32xi32, #tpu.memory_space<vmem>>, vector<16xi32>, vector<16xi1>
        } else {
        }
        %lt3A_357 = arith.constant 32 : i32
        %lt3A_358 = arith.cmpi slt, %add3A_351, %lt3A_357 : i32
        %convert_element_type3A_359 = arith.extui %lt3A_358 : i1 to i32
        %cond3A_360 = arith.constant 0 : i32
        %cond3A_361 = arith.cmpi ne, %convert_element_type3A_359, %cond3A_360 : i32
        scf.if %cond3A_361 {
          %broadcast_in_dim3A_363 = vector.broadcast %add3A_351 : i32 to vector<16xi32>
          %swap3A_364 = arith.constant 16 : index
          %swap3A_365 = tpu.vector_load %arg18[%swap3A_364] masked %eq3A_53 {strides = array<i32>} : memref<32xi32, #tpu.memory_space<vmem>>, vector<16xi32>, vector<16xi1>
          tpu.vector_store %arg18[%swap3A_364], %broadcast_in_dim3A_363 masked %eq3A_53 {strides = array<i32>} : memref<32xi32, #tpu.memory_space<vmem>>, vector<16xi32>, vector<16xi1>
        } else {
        }
        %while3A_362 = arith.constant 0 : i32
        scf.yield %while3A_362 : i32
      }
      %while3A_281 = arith.constant 1 : i32
      %while3A_282 = scf.for %while3A_288 = %while3A_278 to %while3A_274 step %while3A_281 iter_args(%while3A_289 = %while3A_280) -> (i32)  : i32 {
        %get3A_290 = arith.index_cast %while3A_288 : i32 to index
        %get3A_291 = tpu.vector_load %arg11[%get3A_290] {strides = array<i32>} : memref<16400xi32, #tpu.memory_space<vmem>>, vector<16xi32>,
        %slice3A_292 = vector.extract_strided_slice %get3A_291 {offsets = [0], sizes = [1], strides = [1]} : vector<16xi32> to vector<1xi32>
        %squeeze3A_293 = vector.extract %slice3A_292[0] : i32 from vector<1xi32>
        %shift_right_arithmetic3A = arith.constant 14 : i32
        %shift_right_arithmetic3A_294 = arith.shrsi %squeeze3A_293, %shift_right_arithmetic3A : i32
        %and3A_295 = arith.constant 127 : i32
        %and3A_296 = arith.andi %shift_right_arithmetic3A_294, %and3A_295 : i32
        %broadcast_in_dim3A_297 = vector.broadcast %and3A_296 : i32 to vector<16xi32>
        %and3A_298 = arith.constant 16383 : i32
        %and3A_299 = arith.andi %squeeze3A_293, %and3A_298 : i32
        %get3A_300 = arith.constant 16 : index
        %get3A_301 = tpu.vector_load %arg18[%get3A_300] {strides = array<i32>} : memref<32xi32, #tpu.memory_space<vmem>>, vector<16xi32>,
        %slice3A_302 = vector.extract_strided_slice %get3A_301 {offsets = [0], sizes = [1], strides = [1]} : vector<16xi32> to vector<1xi32>
        %squeeze3A_303 = vector.extract %slice3A_302[0] : i32 from vector<1xi32>
        %add3A_304 = arith.constant 0 : i32
        %add3A_305 = vector.broadcast %add3A_304 : i32 to vector<16xi32>
        %add3A_306 = arith.addi %iota3A, %add3A_305 : vector<16xi32>
        %gather3A = arith.constant 0 : i32
        %gather3A_307 = arith.constant 0 : i32
        %gather3A_308 = tpu.memref_slice %arg17[%select_n3A_218, %gather3A, %gather3A_307] : memref<4x64x128xf32, #tpu.memory_space<vmem>> -> memref<1x64x128xf32, #tpu.memory_space<vmem>>
        %gather3A_309 = tpu.memref_squeeze %gather3A_308 : memref<1x64x128xf32, #tpu.memory_space<vmem>> -> memref<64x128xf32, #tpu.memory_space<vmem>>
        %gather3A_310 = tpu.vector_load_idx %gather3A_309[%add3A_306, %broadcast_in_dim3A_297] : memref<64x128xf32, #tpu.memory_space<vmem>>[vector<16xi32>, vector<16xi32>], vector<16xf32>,
        %swap3A_311 = arith.index_cast %squeeze3A_303 : i32 to index
        %swap3A_312 = arith.constant 0 : index
        %swap3A_313 = tpu.vector_load %arg20[%swap3A_311, %swap3A_312] {strides = array<i32>} : memref<32x128xf32, #tpu.memory_space<vmem>>, vector<16xf32>,
        tpu.vector_store %arg20[%swap3A_311, %swap3A_312], %gather3A_310 {strides = array<i32>} : memref<32x128xf32, #tpu.memory_space<vmem>>, vector<16xf32>,
        %add3A_314 = arith.constant 16 : i32
        %add3A_315 = vector.broadcast %add3A_314 : i32 to vector<16xi32>
        %add3A_316 = arith.addi %iota3A, %add3A_315 : vector<16xi32>
        %gather3A_317 = arith.constant 0 : i32
        %gather3A_318 = arith.constant 0 : i32
        %gather3A_319 = tpu.memref_slice %arg17[%select_n3A_218, %gather3A_317, %gather3A_318] : memref<4x64x128xf32, #tpu.memory_space<vmem>> -> memref<1x64x128xf32, #tpu.memory_space<vmem>>
        %gather3A_320 = tpu.memref_squeeze %gather3A_319 : memref<1x64x128xf32, #tpu.memory_space<vmem>> -> memref<64x128xf32, #tpu.memory_space<vmem>>
        %gather3A_321 = tpu.vector_load_idx %gather3A_320[%add3A_316, %broadcast_in_dim3A_297] : memref<64x128xf32, #tpu.memory_space<vmem>>[vector<16xi32>, vector<16xi32>], vector<16xf32>,
        %swap3A_322 = arith.index_cast %squeeze3A_303 : i32 to index
        %swap3A_323 = arith.constant 16 : index
        %swap3A_324 = tpu.vector_load %arg20[%swap3A_322, %swap3A_323] {strides = array<i32>} : memref<32x128xf32, #tpu.memory_space<vmem>>, vector<16xf32>,
        tpu.vector_store %arg20[%swap3A_322, %swap3A_323], %gather3A_321 {strides = array<i32>} : memref<32x128xf32, #tpu.memory_space<vmem>>, vector<16xf32>,
        %add3A_325 = arith.constant 32 : i32
        %add3A_326 = vector.broadcast %add3A_325 : i32 to vector<16xi32>
        %add3A_327 = arith.addi %iota3A, %add3A_326 : vector<16xi32>
        %gather3A_328 = arith.constant 0 : i32
        %gather3A_329 = arith.constant 0 : i32
        %gather3A_330 = tpu.memref_slice %arg17[%select_n3A_218, %gather3A_328, %gather3A_329] : memref<4x64x128xf32, #tpu.memory_space<vmem>> -> memref<1x64x128xf32, #tpu.memory_space<vmem>>
        %gather3A_331 = tpu.memref_squeeze %gather3A_330 : memref<1x64x128xf32, #tpu.memory_space<vmem>> -> memref<64x128xf32, #tpu.memory_space<vmem>>
        %gather3A_332 = tpu.vector_load_idx %gather3A_331[%add3A_327, %broadcast_in_dim3A_297] : memref<64x128xf32, #tpu.memory_space<vmem>>[vector<16xi32>, vector<16xi32>], vector<16xf32>,
        %swap3A_333 = arith.index_cast %squeeze3A_303 : i32 to index
        %swap3A_334 = arith.constant 32 : index
        %swap3A_335 = tpu.vector_load %arg20[%swap3A_333, %swap3A_334] {strides = array<i32>} : memref<32x128xf32, #tpu.memory_space<vmem>>, vector<16xf32>,
        tpu.vector_store %arg20[%swap3A_333, %swap3A_334], %gather3A_332 {strides = array<i32>} : memref<32x128xf32, #tpu.memory_space<vmem>>, vector<16xf32>,
        %add3A_336 = arith.constant 48 : i32
        %add3A_337 = vector.broadcast %add3A_336 : i32 to vector<16xi32>
        %add3A_338 = arith.addi %iota3A, %add3A_337 : vector<16xi32>
        %gather3A_339 = arith.constant 0 : i32
        %gather3A_340 = arith.constant 0 : i32
        %gather3A_341 = tpu.memref_slice %arg17[%select_n3A_218, %gather3A_339, %gather3A_340] : memref<4x64x128xf32, #tpu.memory_space<vmem>> -> memref<1x64x128xf32, #tpu.memory_space<vmem>>
        %gather3A_342 = tpu.memref_squeeze %gather3A_341 : memref<1x64x128xf32, #tpu.memory_space<vmem>> -> memref<64x128xf32, #tpu.memory_space<vmem>>
        %gather3A_343 = tpu.vector_load_idx %gather3A_342[%add3A_338, %broadcast_in_dim3A_297] : memref<64x128xf32, #tpu.memory_space<vmem>>[vector<16xi32>, vector<16xi32>], vector<16xf32>,
        %swap3A_344 = arith.index_cast %squeeze3A_303 : i32 to index
        %swap3A_345 = arith.constant 48 : index
        %swap3A_346 = tpu.vector_load %arg20[%swap3A_344, %swap3A_345] {strides = array<i32>} : memref<32x128xf32, #tpu.memory_space<vmem>>, vector<16xf32>,
        tpu.vector_store %arg20[%swap3A_344, %swap3A_345], %gather3A_343 {strides = array<i32>} : memref<32x128xf32, #tpu.memory_space<vmem>>, vector<16xf32>,
        %broadcast_in_dim3A_347 = vector.broadcast %and3A_299 : i32 to vector<16xi32>
        %swap3A_348 = arith.index_cast %squeeze3A_303 : i32 to index
        %swap3A_349 = tpu.vector_load %arg22[%swap3A_348] masked %eq3A_53 {strides = array<i32>} : memref<32xi32, #tpu.memory_space<vmem>>, vector<16xi32>, vector<16xi1>
        tpu.vector_store %arg22[%swap3A_348], %broadcast_in_dim3A_347 masked %eq3A_53 {strides = array<i32>} : memref<32xi32, #tpu.memory_space<vmem>>, vector<16xi32>, vector<16xi1>
        %add3A_350 = arith.constant 1 : i32
        %add3A_351 = arith.addi %squeeze3A_303, %add3A_350 : i32
        %eq3A_352 = arith.constant 32 : i32
        %eq3A_353 = arith.cmpi eq, %add3A_351, %eq3A_352 : i32
        %convert_element_type3A_354 = arith.extui %eq3A_353 : i1 to i32
        %cond3A_355 = arith.constant 0 : i32
        %cond3A_356 = arith.cmpi ne, %convert_element_type3A_354, %cond3A_355 : i32
        scf.if %cond3A_356 {
          "tpu.region"() ({
            %run_scoped3A = tpu.sem_alloc : memref<!tpu.dma_semaphore, #tpu.memory_space<semaphore_mem>>
            %dma_start3A_372 = arith.constant 0 : i32
            %dma_start3A_373 = arith.constant 0 : i32
            %dma_start3A_374 = tpu.memref_slice %arg7[%dma_start3A_372, %dma_start3A_373] : memref<16416x128xf32, #tpu.memory_space<hbm>> -> memref<16416x128xf32, #tpu.memory_space<hbm>>
            tpu.enqueue_indirect_dma source(%arg20 : memref<32x128xf32, #tpu.memory_space<vmem>>) target(%dma_start3A_374 : memref<16416x128xf32, #tpu.memory_space<hbm>>) offsets(%arg22 : memref<32xi32, #tpu.memory_space<vmem>>) semaphore(%run_scoped3A : memref<!tpu.dma_semaphore, #tpu.memory_space<semaphore_mem>>)
            %dma_wait3A_375 = arith.constant 0 : i32
            %dma_wait3A_376 = arith.constant 0 : i32
            %dma_wait3A_377 = tpu.memref_slice %arg7[%dma_wait3A_375, %dma_wait3A_376] : memref<16416x128xf32, #tpu.memory_space<hbm>> -> memref<16416x128xf32, #tpu.memory_space<hbm>>
            tpu.wait_indirect_dma semaphore(%run_scoped3A : memref<!tpu.dma_semaphore, #tpu.memory_space<semaphore_mem>>) src(%arg20 : memref<32x128xf32, #tpu.memory_space<vmem>>) dst(%dma_wait3A_377 : memref<16416x128xf32, #tpu.memory_space<hbm>>)
            tpu.yield
          }) : () -> ()
          %scan3A_363 = arith.constant 0 : i32
          %scan3A_364 = arith.constant 2 : i32
          %scan3A_365 = arith.addi %scan3A_363, %scan3A_364 : i32
          %scan3A_366 = arith.constant 1 : i32
          scf.for %scan3A_372 = %scan3A_363 to %scan3A_365 step %scan3A_366  : i32 {
            %mul3A_373 = arith.constant 16 : i32
            %mul3A_374 = arith.muli %scan3A_372, %mul3A_373 : i32
            %add3A_375 = arith.constant 0 : i32
            %add3A_376 = arith.addi %add3A_375, %mul3A_374 : i32
            %add3A_377 = arith.constant 16384 : i32
            %add3A_378 = arith.addi %add3A_377, %add3A_376 : i32
            %add3A_379 = vector.broadcast %add3A_378 : i32 to vector<16xi32>
            %add3A_380 = arith.addi %iota3A, %add3A_379 : vector<16xi32>
            %swap3A_381 = arith.index_cast %add3A_376 : i32 to index
            %swap3A_382 = tpu.vector_load %arg22[%swap3A_381] {strides = array<i32>} : memref<32xi32, #tpu.memory_space<vmem>>, vector<16xi32>,
            tpu.vector_store %arg22[%swap3A_381], %add3A_380 {strides = array<i32>} : memref<32xi32, #tpu.memory_space<vmem>>, vector<16xi32>,
          }
          %scan3A_367 = arith.constant 2 : i32
          %broadcast_in_dim3A_368 = arith.constant 0 : i32
          %broadcast_in_dim3A_369 = vector.broadcast %broadcast_in_dim3A_368 : i32 to vector<16xi32>
          %swap3A_370 = arith.constant 16 : index
          %swap3A_371 = tpu.vector_load %arg18[%swap3A_370] masked %eq3A_53 {strides = array<i32>} : memref<32xi32, #tpu.memory_space<vmem>>, vector<16xi32>, vector<16xi1>
          tpu.vector_store %arg18[%swap3A_370], %broadcast_in_dim3A_369 masked %eq3A_53 {strides = array<i32>} : memref<32xi32, #tpu.memory_space<vmem>>, vector<16xi32>, vector<16xi1>
        } else {
        }
        %lt3A_357 = arith.constant 32 : i32
        %lt3A_358 = arith.cmpi slt, %add3A_351, %lt3A_357 : i32
        %convert_element_type3A_359 = arith.extui %lt3A_358 : i1 to i32
        %cond3A_360 = arith.constant 0 : i32
        %cond3A_361 = arith.cmpi ne, %convert_element_type3A_359, %cond3A_360 : i32
        scf.if %cond3A_361 {
          %broadcast_in_dim3A_363 = vector.broadcast %add3A_351 : i32 to vector<16xi32>
          %swap3A_364 = arith.constant 16 : index
          %swap3A_365 = tpu.vector_load %arg18[%swap3A_364] masked %eq3A_53 {strides = array<i32>} : memref<32xi32, #tpu.memory_space<vmem>>, vector<16xi32>, vector<16xi1>
          tpu.vector_store %arg18[%swap3A_364], %broadcast_in_dim3A_363 masked %eq3A_53 {strides = array<i32>} : memref<32xi32, #tpu.memory_space<vmem>>, vector<16xi32>, vector<16xi1>
        } else {
        }
        %while3A_362 = arith.constant 0 : i32
        scf.yield %while3A_362 : i32
      }
      %add3A_283 = arith.constant 4 : i32
      %add3A_284 = arith.addi %while3A_202, %add3A_283 : i32
      %lt3A_285 = arith.cmpi slt, %add3A_284, %scan3A_170 : i32
      %convert_element_type3A = arith.extui %lt3A_285 : i1 to i32
      %cond3A = arith.constant 0 : i32
      %cond3A_286 = arith.cmpi ne, %convert_element_type3A, %cond3A : i32
      scf.if %cond3A_286 {
        %add3A_288 = arith.constant 4 : i32
        %add3A_289 = arith.addi %while3A_202, %add3A_288 : i32
        %jit3A_290 = arith.constant 4 : i32
        %eq3A_291 = arith.constant 0 : i32
        %eq3A_292 = arith.cmpi eq, %jit3A_290, %eq3A_291 : i32
        %jit3A_293 = arith.constant 1 : i32
        %select_n3A_294 = arith.select %eq3A_292, %jit3A_293, %jit3A_290 : i32
        %rem3A_295 = arith.remsi %add3A_289, %select_n3A_294 : i32
        %ne3A_296 = arith.constant 0 : i32
        %ne3A_297 = arith.cmpi ne, %rem3A_295, %ne3A_296 : i32
        %lt3A_298 = arith.constant 0 : i32
        %lt3A_299 = arith.cmpi slt, %rem3A_295, %lt3A_298 : i32
        %lt3A_300 = arith.constant 0 : i32
        %lt3A_301 = arith.cmpi slt, %select_n3A_294, %lt3A_300 : i32
        %ne3A_302 = arith.xori %lt3A_299, %lt3A_301 : i1
        %and3A_303 = arith.andi %ne3A_302, %ne3A_297 : i1
        %add3A_304 = arith.addi %rem3A_295, %select_n3A_294 : i32
        %select_n3A_305 = arith.select %and3A_303, %add3A_304, %rem3A_295 : i32
        %get3A_306 = arith.index_cast %add3A_289 : i32 to index
        %get3A_307 = tpu.vector_load %arg15[%get3A_306] {strides = array<i32>} : memref<288xi32, #tpu.memory_space<vmem>>, vector<16xi32>,
        %slice3A_308 = vector.extract_strided_slice %get3A_307 {offsets = [0], sizes = [1], strides = [1]} : vector<16xi32> to vector<1xi32>
        %squeeze3A_309 = vector.extract %slice3A_308[0] : i32 from vector<1xi32>
        %add3A_310 = arith.addi %select_n3A, %squeeze3A_309 : i32
        %mul3A_311 = arith.constant 128 : i32
        %mul3A_312 = arith.muli %add3A_310, %mul3A_311 : i32
        %multiple_of3A = tpu.assume_multiple %mul3A_312, 128 : i32
        %dma_start3A_313 = arith.constant 0 : i32
        %dma_start3A_314 = arith.constant 0 : i32
        %dma_start3A_315 = tpu.memref_slice %arg16[%select_n3A_305, %dma_start3A_313, %dma_start3A_314] : memref<4x64x128xf32, #tpu.memory_space<vmem>> -> memref<1x64x128xf32, #tpu.memory_space<vmem>>
        %dma_start3A_316 = tpu.memref_squeeze %dma_start3A_315 : memref<1x64x128xf32, #tpu.memory_space<vmem>> -> memref<64x128xf32, #tpu.memory_space<vmem>>
        %dma_start3A_317 = arith.constant 0 : i32
        %dma_start3A_318 = tpu.memref_slice %arg4[%dma_start3A_317, %multiple_of3A] : memref<64x1000000xf32, #tpu.memory_space<hbm>> -> memref<64x128xf32, #tpu.memory_space<hbm>>
        %dma_start3A_319 = arith.constant 0 : i32
        %dma_start3A_320 = arith.constant 0 : i32
        %dma_start3A_321 = tpu.memref_slice %arg16[%select_n3A_305, %dma_start3A_319, %dma_start3A_320] : memref<4x64x128xf32, #tpu.memory_space<vmem>> -> memref<1x64x128xf32, #tpu.memory_space<vmem>>
        %dma_start3A_322 = tpu.memref_squeeze %dma_start3A_321 : memref<1x64x128xf32, #tpu.memory_space<vmem>> -> memref<64x128xf32, #tpu.memory_space<vmem>>
        %dma_start3A_323 = arith.constant 0 : i32
        %dma_start3A_324 = tpu.memref_slice %arg4[%dma_start3A_323, %multiple_of3A] : memref<64x1000000xf32, #tpu.memory_space<hbm>> -> memref<64x128xf32, #tpu.memory_space<hbm>>
        tpu.enqueue_dma source(%dma_start3A_324 : memref<64x128xf32, #tpu.memory_space<hbm>>) target(%dma_start3A_322 : memref<64x128xf32, #tpu.memory_space<vmem>>) target_semaphore(%arg24 : memref<!tpu.dma_semaphore, #tpu.memory_space<semaphore_mem>>)
        %dma_start3A_325 = arith.constant 0 : i32
        %dma_start3A_326 = arith.constant 0 : i32
        %dma_start3A_327 = tpu.memref_slice %arg17[%select_n3A_305, %dma_start3A_325, %dma_start3A_326] : memref<4x64x128xf32, #tpu.memory_space<vmem>> -> memref<1x64x128xf32, #tpu.memory_space<vmem>>
        %dma_start3A_328 = tpu.memref_squeeze %dma_start3A_327 : memref<1x64x128xf32, #tpu.memory_space<vmem>> -> memref<64x128xf32, #tpu.memory_space<vmem>>
        %dma_start3A_329 = arith.constant 0 : i32
        %dma_start3A_330 = tpu.memref_slice %arg5[%dma_start3A_329, %multiple_of3A] : memref<64x1000000xf32, #tpu.memory_space<hbm>> -> memref<64x128xf32, #tpu.memory_space<hbm>>
        %dma_start3A_331 = arith.constant 0 : i32
        %dma_start3A_332 = arith.constant 0 : i32
        %dma_start3A_333 = tpu.memref_slice %arg17[%select_n3A_305, %dma_start3A_331, %dma_start3A_332] : memref<4x64x128xf32, #tpu.memory_space<vmem>> -> memref<1x64x128xf32, #tpu.memory_space<vmem>>
        %dma_start3A_334 = tpu.memref_squeeze %dma_start3A_333 : memref<1x64x128xf32, #tpu.memory_space<vmem>> -> memref<64x128xf32, #tpu.memory_space<vmem>>
        %dma_start3A_335 = arith.constant 0 : i32
        %dma_start3A_336 = tpu.memref_slice %arg5[%dma_start3A_335, %multiple_of3A] : memref<64x1000000xf32, #tpu.memory_space<hbm>> -> memref<64x128xf32, #tpu.memory_space<hbm>>
        tpu.enqueue_dma source(%dma_start3A_336 : memref<64x128xf32, #tpu.memory_space<hbm>>) target(%dma_start3A_334 : memref<64x128xf32, #tpu.memory_space<vmem>>) target_semaphore(%arg25 : memref<!tpu.dma_semaphore, #tpu.memory_space<semaphore_mem>>)
      } else {
      }
      %while3A_287 = arith.constant 0 : i32
      scf.yield %while3A_287 : i32
    }
    "tpu.region"() ({
      %run_scoped3A = tpu.sem_alloc : memref<!tpu.dma_semaphore, #tpu.memory_space<semaphore_mem>>
      %dma_start3A_202 = arith.constant 0 : i32
      %dma_start3A_203 = arith.constant 0 : i32
      %dma_start3A_204 = tpu.memref_slice %arg6[%dma_start3A_202, %dma_start3A_203] : memref<16416x128xf32, #tpu.memory_space<hbm>> -> memref<16416x128xf32, #tpu.memory_space<hbm>>
      tpu.enqueue_indirect_dma source(%arg19 : memref<32x128xf32, #tpu.memory_space<vmem>>) target(%dma_start3A_204 : memref<16416x128xf32, #tpu.memory_space<hbm>>) offsets(%arg21 : memref<32xi32, #tpu.memory_space<vmem>>) semaphore(%run_scoped3A : memref<!tpu.dma_semaphore, #tpu.memory_space<semaphore_mem>>)
      %dma_wait3A = arith.constant 0 : i32
      %dma_wait3A_205 = arith.constant 0 : i32
      %dma_wait3A_206 = tpu.memref_slice %arg6[%dma_wait3A, %dma_wait3A_205] : memref<16416x128xf32, #tpu.memory_space<hbm>> -> memref<16416x128xf32, #tpu.memory_space<hbm>>
      tpu.wait_indirect_dma semaphore(%run_scoped3A : memref<!tpu.dma_semaphore, #tpu.memory_space<semaphore_mem>>) src(%arg19 : memref<32x128xf32, #tpu.memory_space<vmem>>) dst(%dma_wait3A_206 : memref<16416x128xf32, #tpu.memory_space<hbm>>)
      tpu.yield
    }) : () -> ()
    "tpu.region"() ({
      %run_scoped3A = tpu.sem_alloc : memref<!tpu.dma_semaphore, #tpu.memory_space<semaphore_mem>>
      %dma_start3A_202 = arith.constant 0 : i32
      %dma_start3A_203 = arith.constant 0 : i32
      %dma_start3A_204 = tpu.memref_slice %arg7[%dma_start3A_202, %dma_start3A_203] : memref<16416x128xf32, #tpu.memory_space<hbm>> -> memref<16416x128xf32, #tpu.memory_space<hbm>>
      tpu.enqueue_indirect_dma source(%arg20 : memref<32x128xf32, #tpu.memory_space<vmem>>) target(%dma_start3A_204 : memref<16416x128xf32, #tpu.memory_space<hbm>>) offsets(%arg22 : memref<32xi32, #tpu.memory_space<vmem>>) semaphore(%run_scoped3A : memref<!tpu.dma_semaphore, #tpu.memory_space<semaphore_mem>>)
      %dma_wait3A = arith.constant 0 : i32
      %dma_wait3A_205 = arith.constant 0 : i32
      %dma_wait3A_206 = tpu.memref_slice %arg7[%dma_wait3A, %dma_wait3A_205] : memref<16416x128xf32, #tpu.memory_space<hbm>> -> memref<16416x128xf32, #tpu.memory_space<hbm>>
      tpu.wait_indirect_dma semaphore(%run_scoped3A : memref<!tpu.dma_semaphore, #tpu.memory_space<semaphore_mem>>) src(%arg20 : memref<32x128xf32, #tpu.memory_space<vmem>>) dst(%dma_wait3A_206 : memref<16416x128xf32, #tpu.memory_space<hbm>>)
      tpu.yield
    }) : () -> ()
    return
  }
}

</mosaic_0001>

<sc_bundles>
// kernel: kernel.4.cloned.1.call-start
scs
__scs_entry_jumppad:
0x0: {  	(pc) =	sbr.rel $0x88, $3  }
0x1: {  	(tag) =	ssettag $0x0;
	lr =	simm.s32 $0x1  }
0x2: {  	[smem:$0x3F9B] =	sst lr;
	_ =	strace $0xD0000000  }
0x3: {  	_ = 	snop  }
0x4: {  	_ = 	snop  }
0x5: {  	_ = 	snop  }
0x6: {  	_ = 	snop  }
0x7: {  	_ = 	snop  }
__scs_overlays_trampoline_lowered:
0x8: {  	[smem:$0x3FAA] =	sst s0  }
0x9: {  	[smem:$0x3FAB] =	sst s1  }
0xa: {  	[smem:$0x3FAC] =	sst s2  }
0xb: {  	[smem:$0x3FAD] =	sst s3  }
0xc: {  	[smem:$0x3FAE] =	sst s4  }
0xd: {  	[smem:$0x3FAF] =	sst s5  }
0xe: {  	[smem:$0x3FB0] =	sst s6  }
0xf: {  	[smem:$0x3FB1] =	sst s7  }
0x10: {  	[smem:$0x3FB2] =	sst s8  }
0x11: {  	[smem:$0x3FB3] =	sst s9;
	s0 =	simm.s32 @!p0 $0x0  }
0x12: {  	s1 =	sld [smem:$0x3F99];
	s0 =	simm.s32 @p0 $0x1  }
0x13: {  	[smem:$0x3FB4] =	sst s0;
	s0 =	simm.s32 @!p1 $0x0  }
0x14: {  	s2 =	sld [smem:$0x3F98];
	s0 =	simm.s32 @p1 $0x1  }
0x15: {  	[smem:$0x3FB5] =	sst s0;
	s0 =	simm.s32 @!p2 $0x0  }
0x16: {  	s3 =	sld [smem:$0x3FDB];
	s0 =	simm.s32 @p2 $0x1  }
0x17: {  	s4 =	simm.s32 $0x1BF5;
	[smem:$0x3FB7] =	sst s0  }
0x18: {  	s0 =	sld [smem:$0x3F9A];
	_ =	swait.ge [sflag:s4], $0x0  }
0x19: {  	s7 =	sld [smem:$0x3F9B]  }
0x1a: {  	s8 =	sadd.s32 $0xFFFFE003, lr  }
0x1b: {  	s9 =	sadd.s32 $0xFFFFFEF7, lr;
	s5 =	simm.s32 $0xFFFFFFFF;
	p2 =	slt.u32 s8, $0xFFFFF086  }
0x1c: {  	p1 =	slt.u32 s9, $0xF7A;
	s5 =	simm.s32 @!p2 $0x0  }
0x1d: {  	s5 =	simm.s32 @p1 $0x1;
	p0 =	seq.s32 s7, s2  }
0x1e: {  	s7 =	smul.u32 @!p0 $0xF7A, s2;
	p2 =	seq.s32 @!p0 s5, $0x0  }
0x1f: {  	s9 =	smul.u32 $0xF7A, s1;
	s8 =	simm.s32 @!p0 $0x1BF5;
	p2 =	por !p2, p0  }
0x20: {  	[sflag:s8] =	ssyncset.s32 @!p0 $0xFFFFF086;
	s6 =	sadd.s32 @!p0 s3, s7;
	s7 =	simm.s32 @!p0 $0x108  }
0x21: {  	s3 =	sadd.s32 s3, s9;
	s6 =	sadd.s32 @!p0 $0x88, s6;
	s7 =	simm.s32 @p2 $0x1082  }
0x22: {  	[simem:s7], [sflag:s8] =	dma.local @!p0 [hbm:s6], $0xF7A  }
0x23: {  	s9 =	sor.u32 $0xD0000000, s2;
	s6 =	simm.s32 $0x108;
	_ =	swait.ge @!p0 [sflag:s8], $0x0  }
0x24: {  	s3 =	sadd.s32 $0x88, s3;
	s6 =	simm.s32 @!p1 $0x1082;
	[sflag:s4] =	ssyncset.s32 $0xFFFFF086  }
0x25: {  	[simem:s6], [sflag:s4] =	dma.local [hbm:s3], $0xF7A  }
0x26: {  	[smem:$0x3F9B] =	sst s1;
	(tag) =	ssettag s2;
	_ =	strace s9  }
0x27: {  	s1 =	sld [smem:$0x3FAB]  }
0x28: {  	s2 =	sld [smem:$0x3FAC]  }
0x29: {  	s4 =	sld [smem:$0x3FAE]  }
0x2a: {  	p0 =	seq.s32 s5, $0x0;
	s5 =	sld [smem:$0x3FAF]  }
0x2b: {  	s6 =	sld [smem:$0x3FB0]  }
0x2c: {  	s7 =	sld [smem:$0x3FB1]  }
0x2d: {  	s3 =	simm.s32 $0x108;
	s8 =	sld [smem:$0x3FB2]  }
0x2e: {  	s3 =	simm.s32 @!p0 $0x1082;
	s9 =	sld [smem:$0x3FB3]  }
0x2f: {  	lr =	sadd.s32 s0, s3;
	s0 =	sld [smem:$0x3FAA]  }
0x30: {  	s3 =	sld [smem:$0x3FAD]  }
0x31: {  	[smem:$0x3FB6] =	sst s10  }
0x32: {  	s10 =	sld [smem:$0x3FB4];
	_ =	sdelay $0x3  }
0x33: {  	p0 =	seq.s32 s10, $0x1;
	s10 =	sld [smem:$0x3FB6];
	_ =	sdelay $0x3  }
0x34: {  	[smem:$0x3FB6] =	sst s10  }
0x35: {  	s10 =	sld [smem:$0x3FB5];
	_ =	sdelay $0x3  }
0x36: {  	p1 =	seq.s32 s10, $0x1;
	s10 =	sld [smem:$0x3FB6];
	_ =	sdelay $0x3  }
0x37: {  	[smem:$0x3FB6] =	sst s10  }
0x38: {  	s10 =	sld [smem:$0x3FB7]  }
0x39: {  	_ = 	snop;
	(pc) =	sbr.ind lr, $3  }
0x3a: {  	_ = 	snop  }
0x3b: {  	_ = 	snop  }
0x3c: {  	p2 =	seq.s32 s10, $0x1;
	s10 =	sld [smem:$0x3FB6]  }
0x3d: {  	_ =	shalt  }
0x3e: {  	_ =	shalt  }
0x3f: {  	_ =	shalt  }
0x40: {  	_ =	shalt  }
0x41: {  	_ =	shalt  }
0x42: {  	_ =	shalt  }
0x43: {  	_ =	shalt  }
0x44: {  	_ =	shalt  }
0x45: {  	_ =	shalt  }
0x46: {  	_ =	shalt  }
0x47: {  	_ =	shalt  }
0x48: {  	_ =	shalt  }
0x49: {  	_ =	shalt  }
0x4a: {  	_ =	shalt  }
0x4b: {  	_ =	shalt  }
0x4c: {  	_ =	shalt  }
0x4d: {  	_ =	shalt  }
0x4e: {  	_ =	shalt  }
0x4f: {  	_ =	shalt  }
0x50: {  	_ =	shalt  }
0x51: {  	_ =	shalt  }
0x52: {  	_ =	shalt  }
0x53: {  	_ =	shalt  }
0x54: {  	_ =	shalt  }
0x55: {  	_ =	shalt  }
0x56: {  	_ =	shalt  }
0x57: {  	_ =	shalt  }
0x58: {  	_ =	shalt  }
0x59: {  	_ =	shalt  }
0x5a: {  	_ =	shalt  }
0x5b: {  	_ =	shalt  }
0x5c: {  	_ =	shalt  }
0x5d: {  	_ =	shalt  }
0x5e: {  	_ =	shalt  }
0x5f: {  	_ =	shalt  }
0x60: {  	_ =	shalt  }
0x61: {  	_ =	shalt  }
0x62: {  	_ =	shalt  }
0x63: {  	_ =	shalt  }
0x64: {  	_ =	shalt  }
0x65: {  	_ =	shalt  }
0x66: {  	_ =	shalt  }
0x67: {  	_ =	shalt  }
0x68: {  	_ =	shalt  }
0x69: {  	_ =	shalt  }
0x6a: {  	_ =	shalt  }
0x6b: {  	_ =	shalt  }
0x6c: {  	_ =	shalt  }
0x6d: {  	_ =	shalt  }
0x6e: {  	_ =	shalt  }
0x6f: {  	_ =	shalt  }
0x70: {  	_ =	shalt  }
0x71: {  	_ =	shalt  }
0x72: {  	_ =	shalt  }
0x73: {  	_ =	shalt  }
0x74: {  	_ =	shalt  }
0x75: {  	_ =	shalt  }
0x76: {  	_ =	shalt  }
0x77: {  	_ =	shalt  }
0x78: {  	_ =	shalt  }
0x79: {  	_ =	shalt  }
0x7a: {  	_ =	shalt  }
0x7b: {  	_ =	shalt  }
0x7c: {  	_ =	shalt  }
0x7d: {  	_ =	shalt  }
0x7e: {  	_ =	shalt  }
0x7f: {  	_ =	shalt  }
0x80: {  	_ =	shalt  }
0x81: {  	_ =	shalt  }
0x82: {  	_ =	shalt  }
0x83: {  	_ =	shalt  }
0x84: {  	_ =	shalt  }
0x85: {  	_ =	shalt  }
0x86: {  	_ =	shalt  }
0x87: {  	_ =	shalt  }
.Lfunc_end0:
.L_simem_size_0:
called_computation_lowered:
.L_overlay_start_0:
0x88: {  	s2 =	sld [smem:$0x3FD9]  }
0x89: {  	s3 =	sld [smem:$0x3FFE];
	_ =	sdelay $0x1  }
0x8a: {  	s1 =	srdreg.scid  }
0x8b: {  	s0 =	sand.u32 $0x1, s1  }
0x8c: {  	s17 =	sshll.u32 s0, $0xA;
	s2 =	sadd.s32 s3, s2  }
0x8d: {  	s2 =	sadd.s32 s2, s17  }
0x8e: {  	[smem:$0x3FC2] =	sst s2  }
0x8f: {  	_ = 	snop  }
0x90: {  	s2 =	sld [smem:$0x3FC9]  }
0x91: {  	s18 =	sld [smem:$0x3FC8]  }
0x92: {  	s4 =	sld [smem:$0x3FC7]  }
0x93: {  	s5 =	sld [smem:$0x3FC5];
	(tm) =	ssettm $0x1  }
0x94: {  	s6 =	sld [smem:$0x3FFB];
	_ =	sdelay $0x3  }
0x95: {  	_ =	strace s6  }
0x96: {  	s6 =	sld [smem:$0x3FFC];
	_ =	sdelay $0x3  }
0x97: {  	_ =	strace s6  }
0x98: {  	s6 =	sld [smem:$0x3FFD];
	_ =	sdelay $0x3  }
0x99: {  	_ =	strace s6  }
0x9a: {  	_ =	strace $0x8FFFFFFF  }
0x9b: {  	s19 =	sld [smem:$0x3FDB];
	_ =	sdelay $0x1  }
0x9c: {  	s7 =	simm.s32 $_scs_section_size  }
0x9d: {  	s8 =	simm.s32 $_size__tile_overlayer_lowered;
	s9 =	simm.s32 $_tile_overlayer_lowered  }
0x9e: {  	s22 =	simm.s32 $0x1BFF;
	s21 =	sshll.u32 s9, $0x1;
	s6 =	sadd.s32 s7, s19  }
0x9f: {  	s10 =	simm.s32 $0x0;
	s20 =	sshll.u32 s8, $0x1;
	s8 =	sadd.s32 s21, s6  }
0xa0: {  	[timem:s10], [sflag:s22] =	dma.local [hbm:s8], s20  }
0xa1: {  	_ =	swait.ge [sflag:s22], s20  }
0xa2: {  	s7 =	ssub.s32 $0x0, s20;
	[sflag:s22] =	ssyncset.done $0x0  }
0xa3: {  	[sflag:s22] =	ssyncadd.s32 s7;
	_ =	sdelay $0x1  }
0xa4: {  	s23 =	simm.s32 $0x1B8B  }
0xa5: {  	_ =	swait.ge [sflag:s23], $0x1  }
0xa6: {  	[sflag:s23] =	ssyncset.done $0x0  }
0xa7: {  	s25 =	simm.s32 $0x1B8E;
	s24 =	sld [smem:$0x3FFE];
	[sflag:s23] =	ssyncadd.s32 $0xFFFFFFFF  }
0xa8: {  	s26 =	simm.s32 $execute0_lowered;
	[smem:$0x3FD2] =	sst s25  }
0xa9: {  	s8 =	sshll.u32 s26, $0x1;
	_ =	strace $0x80000046;
	[dreg:$0x1] =	wrdreg $0xFFFFFFFF  }
0xaa: {  	s28 =	simm.s32 $_size_execute0_lowered;
	s6 =	sadd.s32 s6, s8;
	[dreg:$0x0] =	wrdreg $0x0  }
0xab: {  	s8 =	sshll.u32 s28, $0x1;
	[dreg:$0x2] =	wrdreg s6  }
0xac: {  	[dreg:$0x3] =	wrdreg s8  }
0xad: {  	[dreg:$0x4] =	wrdreg $0xC0  }
0xae: {  	_ =	task [dreg:s10], $0x5FFFF  }
0xaf: {  	[dreg:$0x1] =	wrdreg $0xFFFFFFFF  }
0xb0: {  	[dreg:$0x0] =	wrdreg $0x60  }
0xb1: {  	[dreg:$0x2] =	wrdreg s2  }
0xb2: {  	[dreg:$0x3] =	wrdreg s18  }
0xb3: {  	[dreg:$0x4] =	wrdreg s4  }
0xb4: {  	[dreg:$0x5] =	wrdreg s5  }
0xb5: {  	[dreg:$0x6] =	wrdreg s24  }
0xb6: {  	[dreg:$0x7] =	wrdreg $0x9  }
0xb7: {  	_ =	task.clear_ibuf [dreg:s10], $0x8FFFF;
	_ =	strace $0x90000046  }
0xb8: {  	s29 =	simm.s32 $0x9;
	_ =	strace $0x80000048  }
0xb9: {  	_ =	swait.ge [sflag:s29], $0x1  }
0xba: {  	[sflag:s29] =	ssyncadd.s32 $0xFFFFFFFF  }
0xbb: {  	_ =	strace $0x90000048  }
0xbc: {  	_ =	sfence  }
0xbd: {  	s30 =	sld [smem:$0x0];
	_ =	sdelay $0x2  }
0xbe: {  	s31 =	sshll.u32 s1, $0xD;
	s1 =	sshrl.u32 s1, $0x2  }
0xbf: {  	s3 =	sand.u32 $0x4000, s31;
	s1 =	sadd.s32 s1, s30  }
0xc0: {  	s0 =	sor.u32 s3, s0;
	s1 =	sshll.u32 s1, $0x11  }
0xc1: {  	s0 =	sor.u32 s1, s0  }
0xc2: {  	s0 =	sadd.s32 $0x8F2B, s0  }
0xc3: {  	[sflag:s0] =	ssyncadd.remote.s32 $0x1  }
0xc4: {  	_ =	sfence.sel $0xFFFF  }
0xc5: {  	[dreg:$0x0] =	wrdreg $0xFFFFFFFF;
	(pc) =	sbr.abs _section_cstart, $3  }
0xc6: {  	[dreg:$0x1] =	wrdreg $0xFFFFFFFF  }
0xc7: {  	_ =	task.clear_ibuf [dreg:s10], $0x2FFFF;
	_ =	strace $0x9FFFFFFF  }
0xc8: {  	(tm) =	ssettm $0x7FFFFFFF  }
0xc9: {  	_ =	shalt  }
tec
execute0_lowered:
.L_overlay_start_1:
0x0: {  	(tag) =	ssettag $0x1  }
0x1: {  	s0 =	rddreg [dreg:$0x0]  }
0x2: {  	s2 =	rddreg [dreg:$0x1]  }
0x3: {  	s3 =	rddreg [dreg:$0x2]  }
0x4: {  	s5 =	rddreg [dreg:$0x3];
	s6 =	stileid.u32  }
0x5: {  	s4 =	rddreg [dreg:$0x4];
	s7 =	sshll.u32 s6, $0x1;
	s6 =	simm.s32 $0x0  }
0x6: {  	s20 =	sadd.s32 $0x10, s0;
	[smem:$0x7FF] =	sst s6  }
0x7: {  	s21 =	sadd.s32 $0x20, s0;
	_ =	strace $0x80000047;
	[dreg:$0x7] =	wrdreg s20  }
0x8: {  	s22 =	sadd.s32 $0x30, s0;
	[dreg:$0x8] =	wrdreg s21  }
0x9: {  	s23 =	sadd.s32 $0x40, s0;
	[dreg:$0x9] =	wrdreg s22  }
0xa: {  	s24 =	sadd.s32 $0x50, s0;
	[dreg:$0xa] =	wrdreg s23  }
0xb: {  	s25 =	sadd.s32 $0x60, s0;
	[dreg:$0xb] =	wrdreg s24  }
0xc: {  	s26 =	sadd.s32 $0x70, s0;
	[dreg:$0xc] =	wrdreg s25  }
0xd: {  	s30 =	sadd.s32 $0x80, s0;
	[dreg:$0xd] =	wrdreg s26  }
0xe: {  	s31 =	sadd.s32 $0x90, s0;
	[dreg:$0xe] =	wrdreg s30  }
0xf: {  	s12 =	sadd.s32 $0xB0, s0;
	[dreg:$0xf] =	wrdreg s31  }
0x10: {  	s13 =	sadd.s32 $0xC0, s0;
	[dreg:$0x11] =	wrdreg s12  }
0x11: {  	s1 =	srdreg.scid;
	s14 =	sadd.s32 $0xD0, s0;
	[dreg:$0x12] =	wrdreg s13  }
0x12: {  	s28 =	simm.s32 $0x20;
	s15 =	sadd.s32 $0xE0, s0;
	[dreg:$0x13] =	wrdreg s14  }
0x13: {  	s29 =	simm.s32 $0x0;
	s16 =	sadd.s32 $0xF0, s0;
	[dreg:$0x14] =	wrdreg s15  }
0x14: {  	s1 =	sand.u32 $0x1, s1;
	s17 =	sadd.s32 $0x10, s2;
	[dreg:$0x15] =	wrdreg s16  }
0x15: {  	s19 =	sadd.s32 $0x20, s2;
	s7 =	sor.u32 s1, s7;
	[dreg:$0x16] =	wrdreg s17  }
0x16: {  	s1 =	ssub.s32 $0x2, s1;
	[dreg:$0x17] =	wrdreg s19;
	s20 =	sadd.s32 $0x30, s2  }
0x17: {  	s8 =	smul.u32 $0x1E85, s7;
	s21 =	sadd.s32 $0x40, s2;
	[dreg:$0x18] =	wrdreg s20  }
0x18: {  	s7 =	sadd.s32 $0x800, s4;
	s22 =	sadd.s32 $0x50, s2;
	[dreg:$0x19] =	wrdreg s21  }
0x19: {  	s10 =	sshrl.u32 s1, $0x1;
	s23 =	sadd.s32 $0x60, s2;
	[dreg:$0x1a] =	wrdreg s22  }
0x1a: {  	s24 =	sadd.s32 $0x70, s2;
	s25 =	sadd.s32 $0x80, s2;
	[dreg:$0x1b] =	wrdreg s23  }
0x1b: {  	s26 =	sadd.s32 $0x90, s2;
	s30 =	sadd.s32 $0xA0, s2;
	[dreg:$0x1c] =	wrdreg s24  }
0x1c: {  	s31 =	sadd.s32 $0xB0, s2;
	s14 =	sadd.s32 $0xC0, s2;
	[dreg:$0x1d] =	wrdreg s25  }
0x1d: {  	s15 =	sadd.s32 $0xD0, s2;
	s16 =	sadd.s32 $0xE0, s2;
	[dreg:$0x1e] =	wrdreg s26  }
0x1e: {  	s17 =	sadd.s32 $0xF0, s2;
	s19 =	simm.s32 $0x400;
	[dreg:$0x1f] =	wrdreg s30  }
0x1f: {  	s1 =	ssub.s32 s1, s10;
	[smem:$0x7FD] =	sst s31;
	s22 =	simm.s32 $0x1  }
.Ltmp0:
0x20: {  	v1 =	vlaneseq.u32;
	s26 =	simm.s32 $0x2;
	s9 =	sadd.s32 $0x1E85, s8;
	(pc) =	sbr.rel .LBB2_1-.Ltmp0, $4  }
0x21: {  	v4 =	vmul.u32 $0x80, v1;
	s8 =	sshrl.u32 s8, $0x5;
	s1 =	smax.u32 s1, $0x1;
	s11 =	sshrl.u32 s9, $0x5  }
0x22: {  	v5 =	vimm.s32 $0x0;
	v6 =	vor.u32 $0x4000, v1;
	v7 =	vor.u32 $0x4010, v1;
	s9 =	sadd.s32 $0x40A00, s4;
	s10 =	sshll.u32 s8, $0x7;
	[dreg:$0x6] =	wrdreg s1  }
0x23: {  	v8 =	vor.u32 $0x800, v4;
	v9 =	vor.u32 $0x1000, v4;
	v10 =	vor.u32 $0x1800, v4;
	s4 =	ssub.s32 s11, s8;
	s18 =	sshll.u32 s11, $0x7;
	s11 =	sadd.s32 $0xA0, s0  }
0x24: {  	s20 =	simm.s32 $0x3;
	s23 =	simm.s32 $0x4;
	v0 =	vmov s10;
	[dreg:$0x10] =	wrdreg s11;
	v2 =	vmov s18;
	v3 =	vmov s4  }
.LBB2_34:
0x25: {  	[tilespmem:$0x1F800] =	vst v6  }
0x26: {  	[tilespmem:$0x1F880] =	vst v6  }
0x27: {  	[tilespmem:$0x1F810] =	vst v7  }
0x28: {  	[tilespmem:$0x1F890] =	vst v7  }
0x29: {  	[tilespmem:$0x1D780] =	vst v5  }
0x2a: {  	[tilespmem:$0x1D790] =	vst v5  }
.LBB2_46:
0x2b: {  	s1 =	simm.s32 $0x1F800;
	s4 =	simm.s32 $0x1D800  }
0x2c: {  	[hbm4b:s7+s28] =	stream.indirect.scatter [tilespmem:s4], [sflag:$0x4], $0x80, s1, s28, $0xb8;
	[tilespmem:$0x1F900] =	vst v63  }
0x2d: {  	_ =	swait.ge [sflag:s23], $0x1000  }
0x2e: {  	[sflag:s23] =	ssyncset.done $0x0  }
0x2f: {  	s25 =	simm.s32 $0x1F880;
	s30 =	simm.s32 $0x1E800;
	[sflag:s23] =	ssyncadd.s32 $0xFFFFF000  }
0x30: {  	[hbm4b:s9+s28] =	stream.indirect.scatter [tilespmem:s30], [sflag:$0x4], $0x80, s25, s28, $0xb8;
	[tilespmem:$0x1F900] =	vst v63  }
0x31: {  	_ =	swait.ge [sflag:s23], $0x1000  }
0x32: {  	s29 =	sadd.s32 $0x1, s29;
	s31 =	rddreg [dreg:$0x6]  }
0x33: {  	p0 =	sne.s32 s29, s31  }
.Ltmp1:
0x34: {  	_ = 	snop;
	(pc) =	sbr.rel @!p0 .LBB2_47-.Ltmp1, $3  }
0x35: {  	_ =	sdelay $0x1  }
0x36: {  	[sflag:s23] =	ssyncset.done $0x0  }
0x37: {  	[sflag:s23] =	ssyncadd.s32 $0xFFFFF000  }
.LBB2_1:
0x38: {  	[tilespmem:s6], [sflag:$0x1] =	stream.linear.gather [hbm4b:s0+s6], $0x80, $0x38;
	[tilespmem:$0x1F900] =	vst v63  }
0x39: {  	s1 =	rddreg [dreg:$0x7]  }
0x3a: {  	s4 =	simm.s32 $0x100;
	s13 =	rddreg [dreg:$0x8]  }
0x3b: {  	[tilespmem:s4], [sflag:$0x1] =	stream.linear.gather [hbm4b:s1+s6], $0x80, $0x38;
	[tilespmem:$0x1F900] =	vst v63  }
0x3c: {  	s18 =	simm.s32 $0x200;
	s21 =	rddreg [dreg:$0x9]  }
0x3d: {  	[tilespmem:s18], [sflag:$0x1] =	stream.linear.gather [hbm4b:s13+s6], $0x80, $0x38;
	[tilespmem:$0x1F900] =	vst v63  }
0x3e: {  	s24 =	simm.s32 $0x300;
	s25 =	rddreg [dreg:$0xa]  }
0x3f: {  	[tilespmem:s24], [sflag:$0x1] =	stream.linear.gather [hbm4b:s21+s6], $0x80, $0x38;
	[tilespmem:$0x1F900] =	vst v63  }
0x40: {  	s30 =	rddreg [dreg:$0xb]  }
0x41: {  	[tilespmem:s19], [sflag:$0x1] =	stream.linear.gather [hbm4b:s25+s6], $0x80, $0x38;
	[tilespmem:$0x1F900] =	vst v63  }
0x42: {  	s31 =	simm.s32 $0x500;
	s10 =	rddreg [dreg:$0xc]  }
0x43: {  	[tilespmem:s31], [sflag:$0x1] =	stream.linear.gather [hbm4b:s30+s6], $0x80, $0x38;
	[tilespmem:$0x1F900] =	vst v63  }
0x44: {  	s11 =	simm.s32 $0x600;
	s12 =	rddreg [dreg:$0xd]  }
0x45: {  	[tilespmem:s11], [sflag:$0x1] =	stream.linear.gather [hbm4b:s10+s6], $0x80, $0x38;
	[tilespmem:$0x1F900] =	vst v63  }
0x46: {  	s13 =	simm.s32 $0x700;
	s18 =	rddreg [dreg:$0xe]  }
0x47: {  	[tilespmem:s13], [sflag:$0x1] =	stream.linear.gather [hbm4b:s12+s6], $0x80, $0x38;
	[tilespmem:$0x1F900] =	vst v63  }
0x48: {  	s21 =	simm.s32 $0x800;
	s24 =	rddreg [dreg:$0xf]  }
0x49: {  	[tilespmem:s21], [sflag:$0x1] =	stream.linear.gather [hbm4b:s18+s6], $0x80, $0x38;
	[tilespmem:$0x1F900] =	vst v63  }
0x4a: {  	s25 =	simm.s32 $0x900;
	s30 =	rddreg [dreg:$0x10]  }
0x4b: {  	[tilespmem:s25], [sflag:$0x1] =	stream.linear.gather [hbm4b:s24+s6], $0x80, $0x38;
	[tilespmem:$0x1F900] =	vst v63  }
0x4c: {  	s31 =	simm.s32 $0xA00;
	s10 =	rddreg [dreg:$0x11]  }
0x4d: {  	[tilespmem:s31], [sflag:$0x1] =	stream.linear.gather [hbm4b:s30+s6], $0x80, $0x38;
	[tilespmem:$0x1F900] =	vst v63  }
0x4e: {  	s11 =	simm.s32 $0xB00;
	s12 =	rddreg [dreg:$0x12]  }
0x4f: {  	[tilespmem:s11], [sflag:$0x1] =	stream.linear.gather [hbm4b:s10+s6], $0x80, $0x38;
	[tilespmem:$0x1F900] =	vst v63  }
0x50: {  	s13 =	simm.s32 $0xC00;
	s18 =	rddreg [dreg:$0x13]  }
0x51: {  	[tilespmem:s13], [sflag:$0x1] =	stream.linear.gather [hbm4b:s12+s6], $0x80, $0x38;
	[tilespmem:$0x1F900] =	vst v63  }
0x52: {  	s21 =	simm.s32 $0xD00;
	s24 =	rddreg [dreg:$0x14]  }
0x53: {  	[tilespmem:s21], [sflag:$0x1] =	stream.linear.gather [hbm4b:s18+s6], $0x80, $0x38;
	[tilespmem:$0x1F900] =	vst v63  }
0x54: {  	s25 =	simm.s32 $0xE00;
	s30 =	rddreg [dreg:$0x15];
	s31 =	simm.s32 $0xF00  }
0x55: {  	[tilespmem:s25], [sflag:$0x1] =	stream.linear.gather [hbm4b:s24+s6], $0x80, $0x38;
	[tilespmem:$0x1F900] =	vst v63  }
0x56: {  	s21 =	simm.s32 $0x0;
	s18 =	simm.s32 $0x0;
	s24 =	simm.s32 $0x0  }
0x57: {  	[tilespmem:s31], [sflag:$0x1] =	stream.linear.gather [hbm4b:s30+s6], $0x80, $0x38;
	[tilespmem:$0x1F900] =	vst v63  }
.LBB2_2:
0x58: {  	s1 =	smov.u32 s18;
	_ =	swait.ge [sflag:s22], $0x800  }
0x59: {  	s18 =	sadd.s32 $0x1, s18;
	[sflag:s22] =	ssyncset.done $0x0;
	p0 =	seq.s32 s1, $0x7  }
0x5a: {  	[sflag:s22] =	ssyncadd.s32 $0xFFFFF800;
	s4 =	sshll.u32 @!p0 s18, $0x7;
	s10 =	sshll.u32 @!p0 s18, $0x8  }
0x5b: {  	s25 =	simm.s32 @!p0 $0x0;
	s4 =	sand.u32 @!p0 $0x80, s4;
	s10 =	sadd.s32 @!p0 s0, s10  }
0x5c: {  	[tilespmem:s4], [sflag:$0x1] =	stream.linear.gather @!p0 [hbm4b:s10+s25], $0x80, $0x38;
	[tilespmem:$0x1F900] =	vst v63  }
0x5d: {  	s30 =	sadd.s32 @!p0 $0x10, s10;
	s31 =	sor.u32 @!p0 $0x100, s4  }
0x5e: {  	[tilespmem:s31], [sflag:$0x1] =	stream.linear.gather @!p0 [hbm4b:s30+s25], $0x80, $0x38;
	[tilespmem:$0x1F900] =	vst v63  }
0x5f: {  	s30 =	sadd.s32 @!p0 $0x20, s10;
	s31 =	sor.u32 @!p0 $0x200, s4  }
0x60: {  	[tilespmem:s31], [sflag:$0x1] =	stream.linear.gather @!p0 [hbm4b:s30+s25], $0x80, $0x38;
	[tilespmem:$0x1F900] =	vst v63  }
0x61: {  	s30 =	sadd.s32 @!p0 $0x30, s10;
	s31 =	sor.u32 @!p0 $0x300, s4  }
0x62: {  	[tilespmem:s31], [sflag:$0x1] =	stream.linear.gather @!p0 [hbm4b:s30+s25], $0x80, $0x38;
	[tilespmem:$0x1F900] =	vst v63  }
0x63: {  	s30 =	sadd.s32 @!p0 $0x40, s10;
	s31 =	sor.u32 @!p0 $0x400, s4  }
0x64: {  	[tilespmem:s31], [sflag:$0x1] =	stream.linear.gather @!p0 [hbm4b:s30+s25], $0x80, $0x38;
	[tilespmem:$0x1F900] =	vst v63  }
0x65: {  	s30 =	sadd.s32 @!p0 $0x50, s10;
	s31 =	sor.u32 @!p0 $0x500, s4  }
0x66: {  	[tilespmem:s31], [sflag:$0x1] =	stream.linear.gather @!p0 [hbm4b:s30+s25], $0x80, $0x38;
	[tilespmem:$0x1F900] =	vst v63  }
0x67: {  	s30 =	sadd.s32 @!p0 $0x60, s10;
	s31 =	sor.u32 @!p0 $0x600, s4  }
0x68: {  	[tilespmem:s31], [sflag:$0x1] =	stream.linear.gather @!p0 [hbm4b:s30+s25], $0x80, $0x38;
	[tilespmem:$0x1F900] =	vst v63  }
0x69: {  	s30 =	sadd.s32 @!p0 $0x70, s10;
	s31 =	sor.u32 @!p0 $0x700, s4  }
0x6a: {  	[tilespmem:s31], [sflag:$0x1] =	stream.linear.gather @!p0 [hbm4b:s30+s25], $0x80, $0x38;
	[tilespmem:$0x1F900] =	vst v63  }
0x6b: {  	s30 =	sadd.s32 @!p0 $0x80, s10;
	s31 =	sor.u32 @!p0 $0x800, s4  }
0x6c: {  	[tilespmem:s31], [sflag:$0x1] =	stream.linear.gather @!p0 [hbm4b:s30+s25], $0x80, $0x38;
	[tilespmem:$0x1F900] =	vst v63  }
0x6d: {  	s30 =	sadd.s32 @!p0 $0x90, s10;
	s31 =	sor.u32 @!p0 $0x900, s4  }
0x6e: {  	[tilespmem:s31], [sflag:$0x1] =	stream.linear.gather @!p0 [hbm4b:s30+s25], $0x80, $0x38;
	[tilespmem:$0x1F900] =	vst v63  }
0x6f: {  	s30 =	sadd.s32 @!p0 $0xA0, s10;
	s31 =	sor.u32 @!p0 $0xA00, s4  }
0x70: {  	[tilespmem:s31], [sflag:$0x1] =	stream.linear.gather @!p0 [hbm4b:s30+s25], $0x80, $0x38;
	[tilespmem:$0x1F900] =	vst v63  }
0x71: {  	s30 =	sadd.s32 @!p0 $0xB0, s10;
	s31 =	sor.u32 @!p0 $0xB00, s4  }
0x72: {  	[tilespmem:s31], [sflag:$0x1] =	stream.linear.gather @!p0 [hbm4b:s30+s25], $0x80, $0x38;
	[tilespmem:$0x1F900] =	vst v63  }
0x73: {  	s30 =	sadd.s32 @!p0 $0xC0, s10;
	s31 =	sor.u32 @!p0 $0xC00, s4  }
0x74: {  	[tilespmem:s31], [sflag:$0x1] =	stream.linear.gather @!p0 [hbm4b:s30+s25], $0x80, $0x38;
	[tilespmem:$0x1F900] =	vst v63  }
0x75: {  	s30 =	sadd.s32 @!p0 $0xD0, s10;
	s31 =	sor.u32 @!p0 $0xD00, s4  }
0x76: {  	[tilespmem:s31], [sflag:$0x1] =	stream.linear.gather @!p0 [hbm4b:s30+s25], $0x80, $0x38;
	[tilespmem:$0x1F900] =	vst v63  }
0x77: {  	s13 =	simm.s32 $0x0;
	s30 =	sadd.s32 @!p0 $0xE0, s10;
	s31 =	sor.u32 @!p0 $0xE00, s4  }
0x78: {  	[tilespmem:s31], [sflag:$0x1] =	stream.linear.gather @!p0 [hbm4b:s30+s25], $0x80, $0x38;
	[tilespmem:$0x1F900] =	vst v63  }
0x79: {  	s1 =	sshll.u32 s1, $0x7;
	s10 =	sadd.s32 @!p0 $0xF0, s10;
	s4 =	sor.u32 @!p0 $0xF00, s4  }
0x7a: {  	[tilespmem:s4], [sflag:$0x1] =	stream.linear.gather @!p0 [hbm4b:s10+s25], $0x80, $0x38;
	[tilespmem:$0x1F900] =	vst v63  }
0x7b: {  	s4 =	sand.u32 $0x80, s1;
	s25 =	sand.u32 $0xF00, s13  }
0x7c: {  	s10 =	sand.u32 $0x70, s13;
	s1 =	sor.u32 s25, s4  }
0x7d: {  	s1 =	sadd.s32 s10, s1  }
0x7e: {  	v11 =	vld [tilespmem:s1+$0x0];
	_ =	sdelay $0x4  }
0x7f: {  	vm0 =	vge.s32 v11, v0;
	vm1 =	vlt.s32 v11, v2  }
0x80: {  	vm0 =	vmand vm0, vm1  }
0x81: {  	v12 =	vmpcnt.ones.xlane vm0;
	_ =	sdelay $0x1  }
0x82: {  	(v2sf) =	vpush v12, $0x0  }
0x83: {  	v11 =	vsub.s32 v11, v0  }
0x84: {  	s11 =	sadd.s32 $0x0, s24;
	s12 =	simm.s32 $0x20;
	v11 =	vshll.u32 v11, $0xE  }
0x85: {  	s13 =	simm.s32 $0x10;
	v11 =	vadd.s32 s11, v11;
	s11 =	sand.u32 $0xF00, s12  }
0x86: {  	s12 =	sand.u32 $0x70, s13;
	v11 =	vadd.s32 v1, v11;
	s1 =	sor.u32 s11, s4  }
0x87: {  	[tilespmem:s21+$0x1000] =	vst.msk vm0, v11;
	s1 =	sadd.s32 s12, s1  }
0x88: {  	v11 =	vld [tilespmem:s1+$0x0];
	_ =	sdelay $0x4  }
0x89: {  	vm0 =	vge.s32 v11, v0;
	vm1 =	vlt.s32 v11, v2  }
0x8a: {  	v11 =	vsub.s32 v11, v0;
	vm0 =	vmand vm0, vm1  }
0x8b: {  	s13 =	sadd.s32 $0x10, s24;
	v11 =	vshll.u32 v11, $0xE;
	v63 =	vmpcnt.ones.xlane vm0  }
0x8c: {  	s30 =	simm.s32 $0x30;
	v11 =	vadd.s32 s13, v11  }
0x8d: {  	s25 =	simm.s32 $0x20;
	s1 =	simm.s32 $0x40;
	v11 =	vadd.s32 v1, v11;
	(v2sf) =	vpush v63, $0x0;
	s31 =	spop (v2sf)  }
.LBB2_3:
0x8e: {  	s10 =	sand.u32 $0xF00, s1  }
0x8f: {  	s21 =	sadd.s32 s21, s31;
	s31 =	smov.u32 s30;
	s11 =	sadd.s32 $0x10, s30  }
0x90: {  	p0 =	seq.s32 s30, $0x7F0;
	s30 =	sand.u32 $0x70, s25;
	s10 =	sor.u32 s10, s4;
	[tilespmem:s21+$0x1000] =	vst.msk vm0, v11  }
0x91: {  	s10 =	sadd.s32 s30, s10  }
0x92: {  	v11 =	vld [tilespmem:s10+$0x0];
	_ =	sdelay $0x4  }
0x93: {  	vm0 =	vge.s32 v11, v0;
	vm1 =	vlt.s32 v11, v2;
	v11 =	vsub.s32 v11, v0  }
.Ltmp2:
0x94: {  	s10 =	sadd.s32 s25, s24;
	s25 =	smov.u32 s31;
	vm0 =	vmand vm0, vm1;
	v11 =	vshll.u32 v11, $0xE;
	(pc) =	sbr.rel @!p0 .LBB2_3-.Ltmp2, $4  }
0x95: {  	v11 =	vadd.s32 s10, v11;
	v12 =	vmpcnt.ones.xlane vm0  }
0x96: {  	v11 =	vadd.s32 v1, v11  }
0x97: {  	(v2sf) =	vpush v12, $0x0  }
0x98: {  	s1 =	sadd.s32 $0x20, s1;
	s30 =	smov.u32 s11;
	s31 =	spop (v2sf)  }
0x99: {  	s1 =	sand.u32 $0xF00, s1  }
0x9a: {  	s10 =	sadd.s32 s21, s31;
	s11 =	sand.u32 $0x70, s25;
	s1 =	sor.u32 s1, s4  }
0x9b: {  	[tilespmem:s10+$0x1000] =	vst.msk vm0, v11;
	s1 =	sadd.s32 s11, s1  }
0x9c: {  	v11 =	vld [tilespmem:s1+$0x0];
	_ =	sdelay $0x4  }
0x9d: {  	vm15 =	vge.s32 v11, v0;
	vm1 =	vlt.s32 v11, v2  }
0x9e: {  	vm0 =	vmand vm15, vm1  }
0x9f: {  	v12 =	vmpcnt.ones.xlane vm0;
	_ =	sdelay $0x1  }
0xa0: {  	(v2sf) =	vpush v12, $0x0;
	_ =	sdelay $0xa  }
0xa1: {  	p0 =	sne.s32 s18, $0x8  }
.Ltmp3:
0xa2: {  	v11 =	vsub.s32 v11, v0;
	(pc) =	sbr.rel @p0 .LBB2_2-.Ltmp3, $4  }
0xa3: {  	s30 =	sadd.s32 s25, s24;
	v11 =	vshll.u32 v11, $0xE  }
0xa4: {  	v11 =	vadd.s32 s30, v11;
	s31 =	spop (v2sf)  }
0xa5: {  	v11 =	vadd.s32 v1, v11;
	s1 =	sadd.s32 s10, s31;
	s4 =	spop (v2sf)  }
0xa6: {  	s24 =	sadd.s32 $0x800, s24;
	[tilespmem:s1+$0x1000] =	vst.msk vm0, v11;
	s21 =	sadd.s32 s1, s4  }
0xa7: {  	[tilespmem:$0xD480] =	vst v5  }
0xa8: {  	[tilespmem:$0xD490] =	vst v5  }
0xa9: {  	[tilespmem:$0xD4A0] =	vst v5  }
0xaa: {  	[tilespmem:$0xD4B0] =	vst v5  }
0xab: {  	[tilespmem:$0xD4C0] =	vst v5  }
0xac: {  	[tilespmem:$0xD4D0] =	vst v5  }
0xad: {  	[tilespmem:$0xD4E0] =	vst v5  }
0xae: {  	[tilespmem:$0xD4F0] =	vst v5  }
0xaf: {  	[tilespmem:$0xD500] =	vst v5  }
0xb0: {  	[tilespmem:$0xD510] =	vst v5  }
0xb1: {  	[tilespmem:$0xD520] =	vst v5  }
0xb2: {  	[tilespmem:$0xD530] =	vst v5  }
0xb3: {  	[tilespmem:$0xD540] =	vst v5;
	p0 =	slt.s32 s21, $0x1  }
.Ltmp4:
0xb4: {  	[tilespmem:$0xD550] =	vst v5;
	(pc) =	sbr.rel @p0 .LBB2_9-.Ltmp4, $4  }
0xb5: {  	[tilespmem:$0xD560] =	vst v5  }
0xb6: {  	[tilespmem:$0xD570] =	vst v5  }
0xb7: {  	[tilespmem:$0xD580] =	vst v5  }
0xb8: {  	[tilespmem:$0xD590] =	vst v5;
	s4 =	sadd.s32 s1, s4  }
0xb9: {  	p1 =	sne.s32 s4, $0x1  }
.Ltmp5:
0xba: {  	_ = 	snop;
	(pc) =	sbr.rel @!p1 .LBB2_8-.Ltmp5, $3  }
0xbb: {  	_ =	sdelay $0x1  }
0xbc: {  	s18 =	simm.s32 $0x1000  }
0xbd: {  	s24 =	sadd.s32 $0xFFFFFFFF, s4;
	v11 =	vld [tilespmem:s18+$0x0]  }
.LBB2_7:
0xbe: {  	p1 =	sne.s32 s24, $0x1;
	_ =	sdelay $0x3  }
0xbf: {  	(v2sf) =	vpush v11, $0x0;
	_ =	sdelay $0xe  }
0xc0: {  	s1 =	spop (v2sf)  }
0xc1: {  	s1 =	sshra.s32 s1, $0x15  }
0xc2: {  	v11 =	vld [tilespmem:s1+$0xD480];
	_ =	sdelay $0x4  }
0xc3: {  	(v2sf) =	vpush v11, $0x0;
	_ =	sdelay $0xe  }
.Ltmp6:
0xc4: {  	s10 =	spop (v2sf);
	(pc) =	sbr.rel @p1 .LBB2_7-.Ltmp6, $4  }
0xc5: {  	s10 =	sadd.s32 $0x1, s10  }
0xc6: {  	v11 =	vmov s10  }
0xc7: {  	s18 =	sadd.s32 $0x1, s18;
	[tilespmem:s1+$0xD480] =	vst.msk $0x1, v11  }
0xc8: {  	s24 =	sadd.s32 $0xFFFFFFFF, s24;
	v11 =	vld [tilespmem:s18+$0x0]  }
.LBB2_8:
0xc9: {  	_ =	sdelay $0x3  }
0xca: {  	(v2sf) =	vpush v11, $0x0;
	_ =	sdelay $0xe  }
0xcb: {  	s1 =	spop (v2sf)  }
0xcc: {  	s1 =	sshra.s32 s1, $0x15  }
0xcd: {  	v11 =	vld [tilespmem:s1+$0xD480];
	_ =	sdelay $0x4  }
0xce: {  	(v2sf) =	vpush v11, $0x0;
	_ =	sdelay $0xe  }
0xcf: {  	s10 =	spop (v2sf)  }
0xd0: {  	s10 =	sadd.s32 $0x1, s10  }
0xd1: {  	v11 =	vmov s10  }
0xd2: {  	[tilespmem:s1+$0xD480] =	vst.msk $0x1, v11  }
.LBB2_9:
0xd3: {  	s10 =	simm.s32 $0x0  }
0xd4: {  	v11 =	vld [tilespmem:s10+$0xD480];
	_ =	sdelay $0x4  }
0xd5: {  	(xrf0) =	vadd.scan.msk.s32 $0xffff, v11;
	_ =	sdelay $0x5  }
0xd6: {  	v12, _, _ =	vpop (xrf0)  }
0xd7: {  	s1 =	simm.s32 $0x0;
	v11 =	vsub.s32 v12, v11;
	(v2sf) =	vpush v12, $0xF  }
0xd8: {  	v11 =	vadd.s32 s1, v11  }
0xd9: {  	[tilespmem:s10+$0xD480] =	vst v11  }
0xda: {  	s18 =	simm.s32 $0x10;
	s24 =	simm.s32 $0x80;
	[tilespmem:s10+$0xD180] =	vst v11  }
.LBB2_10:
0xdb: {  	p1 =	sne.s32 s24, $0x400;
	v11 =	vld [tilespmem:s18+$0xD480];
	_ =	sdelay $0x4  }
0xdc: {  	(xrf0) =	vadd.scan.msk.s32 $0xffff, v11;
	_ =	sdelay $0x5  }
.Ltmp7:
0xdd: {  	v12, _, _ =	vpop (xrf0);
	s10 =	spop (v2sf);
	(pc) =	sbr.rel @p1 .LBB2_10-.Ltmp7, $4  }
0xde: {  	v11 =	vsub.s32 v12, v11;
	(v2sf) =	vpush v12, $0xF;
	s1 =	sadd.s32 s1, s10  }
0xdf: {  	v11 =	vadd.s32 s1, v11  }
0xe0: {  	[tilespmem:s18+$0xD480] =	vst v11  }
0xe1: {  	[tilespmem:s18+$0xD180] =	vst v11;
	s18 =	sshra.s32 s24, $0x2;
	s24 =	sadd.s32 $0x40, s24  }
0xe2: {  	v11 =	vld [tilespmem:s18+$0xD480];
	_ =	sdelay $0x4  }
0xe3: {  	(xrf0) =	vadd.scan.msk.s32 $0xffff, v11;
	_ =	sdelay $0x5  }
0xe4: {  	v12, _, _ =	vpop (xrf0)  }
0xe5: {  	(v2sf) =	vpush v12, $0xF;
	_ =	sdelay $0x9  }
0xe6: {  	s10 =	spop (v2sf)  }
.Ltmp8:
0xe7: {  	v11 =	vsub.s32 v12, v11;
	s1 =	sadd.s32 s1, s10;
	(pc) =	sbr.rel @p0 .LBB2_15-.Ltmp8, $4  }
0xe8: {  	v11 =	vadd.s32 s1, v11  }
0xe9: {  	[tilespmem:s18+$0xD480] =	vst v11  }
0xea: {  	[tilespmem:s18+$0xD180] =	vst v11;
	v11 =	vmov s21  }
0xeb: {  	[tilespmem:$0xD290] =	vst v11;
	s31 =	spop (v2sf)  }
0xec: {  	p0 =	seq.s32 s4, $0x1  }
.Ltmp9:
0xed: {  	_ = 	snop;
	(pc) =	sbr.rel @p0 .LBB2_14-.Ltmp9, $3  }
0xee: {  	_ =	sdelay $0x1  }
0xef: {  	s18 =	simm.s32 $0x1000  }
0xf0: {  	s4 =	sadd.s32 $0xFFFFFFFF, s4;
	v11 =	vld [tilespmem:s18+$0x0]  }
.LBB2_13:
0xf1: {  	p0 =	seq.s32 s4, $0x1;
	_ =	sdelay $0x3  }
0xf2: {  	(v2sf) =	vpush v11, $0x0;
	_ =	sdelay $0xe  }
0xf3: {  	s1 =	spop (v2sf)  }
0xf4: {  	s1 =	sshra.s32 s1, $0x15  }
0xf5: {  	v12 =	vld [tilespmem:s1+$0xD480];
	_ =	sdelay $0x4  }
0xf6: {  	(v2sf) =	vpush v12, $0x0;
	_ =	sdelay $0xe  }
.Ltmp10:
0xf7: {  	s10 =	spop (v2sf);
	(pc) =	sbr.rel @!p0 .LBB2_13-.Ltmp10, $4  }
0xf8: {  	s11 =	sadd.s32 $0x1, s10  }
0xf9: {  	[tilespmem:s10+$0x5080] =	vst.msk $0x1, v11;
	v11 =	vmov s11  }
0xfa: {  	s18 =	sadd.s32 $0x1, s18;
	[tilespmem:s1+$0xD480] =	vst.msk $0x1, v11  }
0xfb: {  	s4 =	sadd.s32 $0xFFFFFFFF, s4;
	v11 =	vld [tilespmem:s18+$0x0]  }
.LBB2_14:
0xfc: {  	_ =	sdelay $0x3  }
0xfd: {  	(v2sf) =	vpush v11, $0x0;
	_ =	sdelay $0xe  }
0xfe: {  	s1 =	spop (v2sf)  }
0xff: {  	s1 =	sshra.s32 s1, $0x15  }
0x100: {  	v12 =	vld [tilespmem:s1+$0xD480];
	_ =	sdelay $0x4  }
0x101: {  	(v2sf) =	vpush v12, $0x0;
	_ =	sdelay $0xe  }
0x102: {  	s4 =	spop (v2sf)  }
0x103: {  	s10 =	sadd.s32 $0x1, s4  }
0x104: {  	[tilespmem:s4+$0x5080] =	vst.msk $0x1, v11;
	v11 =	vmov s10  }
0x105: {  	[tilespmem:s1+$0xD480] =	vst.msk $0x1, v11  }
.LBB2_15:
0x106: {  	s24 =	simm.s32 $0x0;
	s1 =	rddreg [dreg:$0x16]  }
0x107: {  	[tilespmem:s24], [sflag:$0x1] =	stream.linear.gather [hbm4b:s2+s24], $0x80, $0x38;
	[tilespmem:$0x1F900] =	vst v63  }
0x108: {  	s4 =	simm.s32 $0x100;
	s11 =	rddreg [dreg:$0x17]  }
0x109: {  	[tilespmem:s4], [sflag:$0x1] =	stream.linear.gather [hbm4b:s1+s24], $0x80, $0x38;
	[tilespmem:$0x1F900] =	vst v63  }
0x10a: {  	s12 =	simm.s32 $0x200;
	s13 =	rddreg [dreg:$0x18]  }
0x10b: {  	[tilespmem:s12], [sflag:$0x1] =	stream.linear.gather [hbm4b:s11+s24], $0x80, $0x38;
	[tilespmem:$0x1F900] =	vst v63  }
0x10c: {  	s18 =	simm.s32 $0x300;
	s21 =	rddreg [dreg:$0x19]  }
0x10d: {  	[tilespmem:s18], [sflag:$0x1] =	stream.linear.gather [hbm4b:s13+s24], $0x80, $0x38;
	[tilespmem:$0x1F900] =	vst v63  }
0x10e: {  	s25 =	rddreg [dreg:$0x1a]  }
0x10f: {  	[tilespmem:s19], [sflag:$0x1] =	stream.linear.gather [hbm4b:s21+s24], $0x80, $0x38;
	[tilespmem:$0x1F900] =	vst v63  }
0x110: {  	s31 =	simm.s32 $0x500;
	s10 =	rddreg [dreg:$0x1b]  }
0x111: {  	[tilespmem:s31], [sflag:$0x1] =	stream.linear.gather [hbm4b:s25+s24], $0x80, $0x38;
	[tilespmem:$0x1F900] =	vst v63  }
0x112: {  	s11 =	simm.s32 $0x600;
	s12 =	rddreg [dreg:$0x1c]  }
0x113: {  	[tilespmem:s11], [sflag:$0x1] =	stream.linear.gather [hbm4b:s10+s24], $0x80, $0x38;
	[tilespmem:$0x1F900] =	vst v63  }
0x114: {  	s13 =	simm.s32 $0x700;
	s18 =	rddreg [dreg:$0x1d]  }
0x115: {  	[tilespmem:s13], [sflag:$0x1] =	stream.linear.gather [hbm4b:s12+s24], $0x80, $0x38;
	[tilespmem:$0x1F900] =	vst v63  }
0x116: {  	s21 =	simm.s32 $0x800;
	s25 =	rddreg [dreg:$0x1e]  }
0x117: {  	[tilespmem:s21], [sflag:$0x1] =	stream.linear.gather [hbm4b:s18+s24], $0x80, $0x38;
	[tilespmem:$0x1F900] =	vst v63  }
0x118: {  	s31 =	simm.s32 $0x900;
	s10 =	rddreg [dreg:$0x1f]  }
0x119: {  	[tilespmem:s31], [sflag:$0x1] =	stream.linear.gather [hbm4b:s25+s24], $0x80, $0x38;
	[tilespmem:$0x1F900] =	vst v63  }
0x11a: {  	s11 =	simm.s32 $0xA00;
	s12 =	sld [smem:$0x7FD]  }
0x11b: {  	[tilespmem:s11], [sflag:$0x1] =	stream.linear.gather [hbm4b:s10+s24], $0x80, $0x38;
	[tilespmem:$0x1F900] =	vst v63  }
0x11c: {  	s13 =	simm.s32 $0xB00  }
0x11d: {  	[tilespmem:s13], [sflag:$0x1] =	stream.linear.gather [hbm4b:s12+s24], $0x80, $0x38;
	[tilespmem:$0x1F900] =	vst v63  }
0x11e: {  	s18 =	simm.s32 $0xC00  }
0x11f: {  	[tilespmem:s18], [sflag:$0x1] =	stream.linear.gather [hbm4b:s14+s24], $0x80, $0x38;
	[tilespmem:$0x1F900] =	vst v63  }
0x120: {  	s21 =	simm.s32 $0xD00  }
0x121: {  	[tilespmem:s21], [sflag:$0x1] =	stream.linear.gather [hbm4b:s15+s24], $0x80, $0x38;
	[tilespmem:$0x1F900] =	vst v63  }
0x122: {  	s30 =	simm.s32 $0x0;
	s25 =	simm.s32 $0xE00  }
0x123: {  	[tilespmem:s25], [sflag:$0x1] =	stream.linear.gather [hbm4b:s16+s24], $0x80, $0x38;
	[tilespmem:$0x1F900] =	vst v63  }
0x124: {  	s31 =	simm.s32 $0xF00;
	s18 =	simm.s32 $0x0;
	s21 =	simm.s32 $0x0  }
0x125: {  	[tilespmem:s31], [sflag:$0x1] =	stream.linear.gather [hbm4b:s17+s24], $0x80, $0x38;
	[tilespmem:$0x1F900] =	vst v63  }
.LBB2_16:
0x126: {  	s1 =	smov.u32 s18;
	_ =	swait.ge [sflag:s22], $0x800  }
0x127: {  	s18 =	sadd.s32 $0x1, s18;
	[sflag:s22] =	ssyncset.done $0x0;
	p0 =	seq.s32 s1, $0x7  }
0x128: {  	[sflag:s22] =	ssyncadd.s32 $0xFFFFF800;
	s4 =	sshll.u32 @!p0 s18, $0x7;
	s10 =	sshll.u32 @!p0 s18, $0x8  }
0x129: {  	s11 =	simm.s32 @!p0 $0x0;
	s4 =	sand.u32 @!p0 $0x80, s4;
	s10 =	sadd.s32 @!p0 s2, s10  }
0x12a: {  	[tilespmem:s4], [sflag:$0x1] =	stream.linear.gather @!p0 [hbm4b:s10+s11], $0x80, $0x38;
	[tilespmem:$0x1F900] =	vst v63  }
0x12b: {  	s25 =	sadd.s32 @!p0 $0x10, s10;
	s31 =	sor.u32 @!p0 $0x100, s4  }
0x12c: {  	[tilespmem:s31], [sflag:$0x1] =	stream.linear.gather @!p0 [hbm4b:s25+s11], $0x80, $0x38;
	[tilespmem:$0x1F900] =	vst v63  }
0x12d: {  	s25 =	sadd.s32 @!p0 $0x20, s10;
	s31 =	sor.u32 @!p0 $0x200, s4  }
0x12e: {  	[tilespmem:s31], [sflag:$0x1] =	stream.linear.gather @!p0 [hbm4b:s25+s11], $0x80, $0x38;
	[tilespmem:$0x1F900] =	vst v63  }
0x12f: {  	s25 =	sadd.s32 @!p0 $0x30, s10;
	s31 =	sor.u32 @!p0 $0x300, s4  }
0x130: {  	[tilespmem:s31], [sflag:$0x1] =	stream.linear.gather @!p0 [hbm4b:s25+s11], $0x80, $0x38;
	[tilespmem:$0x1F900] =	vst v63  }
0x131: {  	s25 =	sadd.s32 @!p0 $0x40, s10;
	s31 =	sor.u32 @!p0 $0x400, s4  }
0x132: {  	[tilespmem:s31], [sflag:$0x1] =	stream.linear.gather @!p0 [hbm4b:s25+s11], $0x80, $0x38;
	[tilespmem:$0x1F900] =	vst v63  }
0x133: {  	s25 =	sadd.s32 @!p0 $0x50, s10;
	s31 =	sor.u32 @!p0 $0x500, s4  }
0x134: {  	[tilespmem:s31], [sflag:$0x1] =	stream.linear.gather @!p0 [hbm4b:s25+s11], $0x80, $0x38;
	[tilespmem:$0x1F900] =	vst v63  }
0x135: {  	s25 =	sadd.s32 @!p0 $0x60, s10;
	s31 =	sor.u32 @!p0 $0x600, s4  }
0x136: {  	[tilespmem:s31], [sflag:$0x1] =	stream.linear.gather @!p0 [hbm4b:s25+s11], $0x80, $0x38;
	[tilespmem:$0x1F900] =	vst v63  }
0x137: {  	s25 =	sadd.s32 @!p0 $0x70, s10;
	s31 =	sor.u32 @!p0 $0x700, s4  }
0x138: {  	[tilespmem:s31], [sflag:$0x1] =	stream.linear.gather @!p0 [hbm4b:s25+s11], $0x80, $0x38;
	[tilespmem:$0x1F900] =	vst v63  }
0x139: {  	s25 =	sadd.s32 @!p0 $0x80, s10;
	s31 =	sor.u32 @!p0 $0x800, s4  }
0x13a: {  	[tilespmem:s31], [sflag:$0x1] =	stream.linear.gather @!p0 [hbm4b:s25+s11], $0x80, $0x38;
	[tilespmem:$0x1F900] =	vst v63  }
0x13b: {  	s25 =	sadd.s32 @!p0 $0x90, s10;
	s31 =	sor.u32 @!p0 $0x900, s4  }
0x13c: {  	[tilespmem:s31], [sflag:$0x1] =	stream.linear.gather @!p0 [hbm4b:s25+s11], $0x80, $0x38;
	[tilespmem:$0x1F900] =	vst v63  }
0x13d: {  	s25 =	sadd.s32 @!p0 $0xA0, s10;
	s31 =	sor.u32 @!p0 $0xA00, s4  }
0x13e: {  	[tilespmem:s31], [sflag:$0x1] =	stream.linear.gather @!p0 [hbm4b:s25+s11], $0x80, $0x38;
	[tilespmem:$0x1F900] =	vst v63  }
0x13f: {  	s25 =	sadd.s32 @!p0 $0xB0, s10;
	s31 =	sor.u32 @!p0 $0xB00, s4  }
0x140: {  	[tilespmem:s31], [sflag:$0x1] =	stream.linear.gather @!p0 [hbm4b:s25+s11], $0x80, $0x38;
	[tilespmem:$0x1F900] =	vst v63  }
0x141: {  	s25 =	sadd.s32 @!p0 $0xC0, s10;
	s31 =	sor.u32 @!p0 $0xC00, s4  }
0x142: {  	[tilespmem:s31], [sflag:$0x1] =	stream.linear.gather @!p0 [hbm4b:s25+s11], $0x80, $0x38;
	[tilespmem:$0x1F900] =	vst v63  }
0x143: {  	s25 =	sadd.s32 @!p0 $0xD0, s10;
	s31 =	sor.u32 @!p0 $0xD00, s4  }
0x144: {  	[tilespmem:s31], [sflag:$0x1] =	stream.linear.gather @!p0 [hbm4b:s25+s11], $0x80, $0x38;
	[tilespmem:$0x1F900] =	vst v63  }
0x145: {  	s25 =	sadd.s32 @!p0 $0xE0, s10;
	s31 =	sor.u32 @!p0 $0xE00, s4  }
0x146: {  	[tilespmem:s31], [sflag:$0x1] =	stream.linear.gather @!p0 [hbm4b:s25+s11], $0x80, $0x38;
	[tilespmem:$0x1F900] =	vst v63  }
0x147: {  	s1 =	sshll.u32 s1, $0x7;
	s10 =	sadd.s32 @!p0 $0xF0, s10;
	s4 =	sor.u32 @!p0 $0xF00, s4  }
0x148: {  	[tilespmem:s4], [sflag:$0x1] =	stream.linear.gather @!p0 [hbm4b:s10+s11], $0x80, $0x38;
	[tilespmem:$0x1F900] =	vst v63  }
0x149: {  	s4 =	sand.u32 $0x80, s1;
	s10 =	sand.u32 $0xF00, s24  }
0x14a: {  	s11 =	sand.u32 $0x70, s24;
	s1 =	sor.u32 s10, s4  }
0x14b: {  	s1 =	sadd.s32 s11, s1  }
0x14c: {  	v11 =	vld [tilespmem:s1+$0x0];
	_ =	sdelay $0x4  }
0x14d: {  	vm0 =	vge.s32 v11, v0;
	vm1 =	vlt.s32 v11, v2  }
0x14e: {  	vm0 =	vmand vm0, vm1  }
0x14f: {  	v12 =	vmpcnt.ones.xlane vm0;
	_ =	sdelay $0x1  }
0x150: {  	(v2sf) =	vpush v12, $0x0  }
0x151: {  	v11 =	vsub.s32 v11, v0  }
0x152: {  	s12 =	sadd.s32 $0x0, s30;
	s13 =	simm.s32 $0x20;
	v11 =	vshll.u32 v11, $0xE  }
0x153: {  	s25 =	simm.s32 $0x10;
	s10 =	sand.u32 $0xF00, s13;
	v11 =	vadd.s32 s12, v11  }
0x154: {  	s1 =	sor.u32 s10, s4;
	s12 =	sand.u32 $0x70, s25;
	v11 =	vadd.s32 v1, v11  }
0x155: {  	s1 =	sadd.s32 s12, s1;
	[tilespmem:s21+$0x1000] =	vst.msk vm0, v11  }
0x156: {  	v11 =	vld [tilespmem:s1+$0x0];
	_ =	sdelay $0x4  }
0x157: {  	vm0 =	vge.s32 v11, v0;
	vm1 =	vlt.s32 v11, v2  }
0x158: {  	v11 =	vsub.s32 v11, v0;
	vm0 =	vmand vm0, vm1  }
0x159: {  	s13 =	sadd.s32 $0x10, s30;
	v11 =	vshll.u32 v11, $0xE;
	v63 =	vmpcnt.ones.xlane vm0  }
0x15a: {  	s31 =	simm.s32 $0x30;
	v11 =	vadd.s32 s13, v11  }
0x15b: {  	s25 =	simm.s32 $0x20;
	s1 =	simm.s32 $0x40;
	v11 =	vadd.s32 v1, v11;
	(v2sf) =	vpush v63, $0x0;
	s10 =	spop (v2sf)  }
.LBB2_17:
0x15c: {  	s11 =	sand.u32 $0xF00, s1  }
0x15d: {  	s21 =	sadd.s32 s21, s10;
	s10 =	smov.u32 s31;
	s12 =	sadd.s32 $0x10, s31  }
0x15e: {  	p0 =	seq.s32 s31, $0x7F0;
	s31 =	sand.u32 $0x70, s25;
	s11 =	sor.u32 s11, s4;
	[tilespmem:s21+$0x1000] =	vst.msk vm0, v11  }
0x15f: {  	s11 =	sadd.s32 s31, s11  }
0x160: {  	v11 =	vld [tilespmem:s11+$0x0];
	_ =	sdelay $0x4  }
0x161: {  	vm0 =	vge.s32 v11, v0;
	vm1 =	vlt.s32 v11, v2;
	v11 =	vsub.s32 v11, v0  }
.Ltmp11:
0x162: {  	s11 =	sadd.s32 s25, s30;
	s25 =	smov.u32 s10;
	vm0 =	vmand vm0, vm1;
	v11 =	vshll.u32 v11, $0xE;
	(pc) =	sbr.rel @!p0 .LBB2_17-.Ltmp11, $4  }
0x163: {  	v11 =	vadd.s32 s11, v11;
	v12 =	vmpcnt.ones.xlane vm0  }
0x164: {  	v11 =	vadd.s32 v1, v11  }
0x165: {  	(v2sf) =	vpush v12, $0x0  }
0x166: {  	s1 =	sadd.s32 $0x20, s1;
	s31 =	smov.u32 s12;
	s10 =	spop (v2sf)  }
0x167: {  	s1 =	sand.u32 $0xF00, s1  }
0x168: {  	s10 =	sadd.s32 s21, s10;
	s11 =	sand.u32 $0x70, s25;
	s1 =	sor.u32 s1, s4  }
0x169: {  	[tilespmem:s10+$0x1000] =	vst.msk vm0, v11;
	s1 =	sadd.s32 s11, s1  }
0x16a: {  	v11 =	vld [tilespmem:s1+$0x0];
	_ =	sdelay $0x4  }
0x16b: {  	vm15 =	vge.s32 v11, v0;
	vm1 =	vlt.s32 v11, v2  }
0x16c: {  	vm0 =	vmand vm15, vm1  }
0x16d: {  	v12 =	vmpcnt.ones.xlane vm0;
	_ =	sdelay $0x1  }
0x16e: {  	(v2sf) =	vpush v12, $0x0;
	_ =	sdelay $0xa  }
0x16f: {  	p0 =	sne.s32 s18, $0x8  }
.Ltmp12:
0x170: {  	v11 =	vsub.s32 v11, v0;
	(pc) =	sbr.rel @p0 .LBB2_16-.Ltmp12, $4  }
0x171: {  	s25 =	sadd.s32 s25, s30;
	v11 =	vshll.u32 v11, $0xE  }
0x172: {  	v11 =	vadd.s32 s25, v11;
	s31 =	spop (v2sf)  }
0x173: {  	v11 =	vadd.s32 v1, v11;
	s1 =	sadd.s32 s10, s31;
	s4 =	spop (v2sf)  }
0x174: {  	s30 =	sadd.s32 $0x800, s30;
	[tilespmem:s1+$0x1000] =	vst.msk vm0, v11;
	s21 =	sadd.s32 s1, s4  }
0x175: {  	[tilespmem:$0xD480] =	vst v5  }
0x176: {  	[tilespmem:$0xD490] =	vst v5  }
0x177: {  	[tilespmem:$0xD4A0] =	vst v5  }
0x178: {  	[tilespmem:$0xD4B0] =	vst v5  }
0x179: {  	[tilespmem:$0xD4C0] =	vst v5  }
0x17a: {  	[tilespmem:$0xD4D0] =	vst v5  }
0x17b: {  	[tilespmem:$0xD4E0] =	vst v5  }
0x17c: {  	[tilespmem:$0xD4F0] =	vst v5  }
0x17d: {  	[tilespmem:$0xD500] =	vst v5  }
0x17e: {  	[tilespmem:$0xD510] =	vst v5  }
0x17f: {  	[tilespmem:$0xD520] =	vst v5  }
0x180: {  	[tilespmem:$0xD530] =	vst v5  }
0x181: {  	[tilespmem:$0xD540] =	vst v5;
	p0 =	slt.s32 s21, $0x1  }
.Ltmp13:
0x182: {  	[tilespmem:$0xD550] =	vst v5;
	(pc) =	sbr.rel @p0 .LBB2_23-.Ltmp13, $4  }
0x183: {  	[tilespmem:$0xD560] =	vst v5  }
0x184: {  	[tilespmem:$0xD570] =	vst v5  }
0x185: {  	[tilespmem:$0xD580] =	vst v5  }
0x186: {  	[tilespmem:$0xD590] =	vst v5;
	s4 =	sadd.s32 s1, s4  }
0x187: {  	p1 =	sne.s32 s4, $0x1  }
.Ltmp14:
0x188: {  	_ = 	snop;
	(pc) =	sbr.rel @!p1 .LBB2_22-.Ltmp14, $3  }
0x189: {  	_ =	sdelay $0x1  }
0x18a: {  	s18 =	simm.s32 $0x1000  }
0x18b: {  	s24 =	sadd.s32 $0xFFFFFFFF, s4;
	v11 =	vld [tilespmem:s18+$0x0]  }
.LBB2_21:
0x18c: {  	p1 =	sne.s32 s24, $0x1;
	_ =	sdelay $0x3  }
0x18d: {  	(v2sf) =	vpush v11, $0x0;
	_ =	sdelay $0xe  }
0x18e: {  	s1 =	spop (v2sf)  }
0x18f: {  	s1 =	sshra.s32 s1, $0x15  }
0x190: {  	v11 =	vld [tilespmem:s1+$0xD480];
	_ =	sdelay $0x4  }
0x191: {  	(v2sf) =	vpush v11, $0x0;
	_ =	sdelay $0xe  }
.Ltmp15:
0x192: {  	s10 =	spop (v2sf);
	(pc) =	sbr.rel @p1 .LBB2_21-.Ltmp15, $4  }
0x193: {  	s10 =	sadd.s32 $0x1, s10  }
0x194: {  	v11 =	vmov s10  }
0x195: {  	s18 =	sadd.s32 $0x1, s18;
	[tilespmem:s1+$0xD480] =	vst.msk $0x1, v11  }
0x196: {  	s24 =	sadd.s32 $0xFFFFFFFF, s24;
	v11 =	vld [tilespmem:s18+$0x0]  }
.LBB2_22:
0x197: {  	_ =	sdelay $0x3  }
0x198: {  	(v2sf) =	vpush v11, $0x0;
	_ =	sdelay $0xe  }
0x199: {  	s1 =	spop (v2sf)  }
0x19a: {  	s1 =	sshra.s32 s1, $0x15  }
0x19b: {  	v11 =	vld [tilespmem:s1+$0xD480];
	_ =	sdelay $0x4  }
0x19c: {  	(v2sf) =	vpush v11, $0x0;
	_ =	sdelay $0xe  }
0x19d: {  	s10 =	spop (v2sf)  }
0x19e: {  	s10 =	sadd.s32 $0x1, s10  }
0x19f: {  	v11 =	vmov s10  }
0x1a0: {  	[tilespmem:s1+$0xD480] =	vst.msk $0x1, v11  }
.LBB2_23:
0x1a1: {  	s10 =	simm.s32 $0x0  }
0x1a2: {  	v11 =	vld [tilespmem:s10+$0xD480];
	_ =	sdelay $0x4  }
0x1a3: {  	(xrf0) =	vadd.scan.msk.s32 $0xffff, v11;
	_ =	sdelay $0x5  }
0x1a4: {  	v12, _, _ =	vpop (xrf0)  }
0x1a5: {  	s1 =	simm.s32 $0x0;
	v11 =	vsub.s32 v12, v11;
	(v2sf) =	vpush v12, $0xF  }
0x1a6: {  	v11 =	vadd.s32 s1, v11  }
0x1a7: {  	[tilespmem:s10+$0xD480] =	vst v11  }
0x1a8: {  	s18 =	simm.s32 $0x10;
	s24 =	simm.s32 $0x80;
	[tilespmem:s10+$0xD300] =	vst v11  }
.LBB2_24:
0x1a9: {  	p1 =	sne.s32 s24, $0x400;
	v11 =	vld [tilespmem:s18+$0xD480];
	_ =	sdelay $0x4  }
0x1aa: {  	(xrf0) =	vadd.scan.msk.s32 $0xffff, v11;
	_ =	sdelay $0x5  }
.Ltmp16:
0x1ab: {  	v12, _, _ =	vpop (xrf0);
	s10 =	spop (v2sf);
	(pc) =	sbr.rel @p1 .LBB2_24-.Ltmp16, $4  }
0x1ac: {  	v11 =	vsub.s32 v12, v11;
	(v2sf) =	vpush v12, $0xF;
	s1 =	sadd.s32 s1, s10  }
0x1ad: {  	v11 =	vadd.s32 s1, v11  }
0x1ae: {  	[tilespmem:s18+$0xD480] =	vst v11  }
0x1af: {  	[tilespmem:s18+$0xD300] =	vst v11;
	s18 =	sshra.s32 s24, $0x2;
	s24 =	sadd.s32 $0x40, s24  }
0x1b0: {  	v11 =	vld [tilespmem:s18+$0xD480];
	_ =	sdelay $0x4  }
0x1b1: {  	(xrf0) =	vadd.scan.msk.s32 $0xffff, v11;
	_ =	sdelay $0x5  }
0x1b2: {  	v12, _, _ =	vpop (xrf0)  }
0x1b3: {  	(v2sf) =	vpush v12, $0xF;
	_ =	sdelay $0x9  }
0x1b4: {  	s10 =	spop (v2sf)  }
.Ltmp17:
0x1b5: {  	v11 =	vsub.s32 v12, v11;
	s1 =	sadd.s32 s1, s10;
	(pc) =	sbr.rel @p0 .LBB2_29-.Ltmp17, $4  }
0x1b6: {  	v11 =	vadd.s32 s1, v11  }
0x1b7: {  	[tilespmem:s18+$0xD480] =	vst v11  }
0x1b8: {  	[tilespmem:s18+$0xD300] =	vst v11;
	v11 =	vmov s21  }
0x1b9: {  	[tilespmem:$0xD410] =	vst v11;
	s31 =	spop (v2sf)  }
0x1ba: {  	p0 =	seq.s32 s4, $0x1  }
.Ltmp18:
0x1bb: {  	_ = 	snop;
	(pc) =	sbr.rel @p0 .LBB2_28-.Ltmp18, $3  }
0x1bc: {  	_ =	sdelay $0x1  }
0x1bd: {  	s18 =	simm.s32 $0x1000  }
0x1be: {  	s4 =	sadd.s32 $0xFFFFFFFF, s4;
	v11 =	vld [tilespmem:s18+$0x0]  }
.LBB2_27:
0x1bf: {  	p0 =	seq.s32 s4, $0x1;
	_ =	sdelay $0x3  }
0x1c0: {  	(v2sf) =	vpush v11, $0x0;
	_ =	sdelay $0xe  }
0x1c1: {  	s1 =	spop (v2sf)  }
0x1c2: {  	s1 =	sshra.s32 s1, $0x15  }
0x1c3: {  	v12 =	vld [tilespmem:s1+$0xD480];
	_ =	sdelay $0x4  }
0x1c4: {  	(v2sf) =	vpush v12, $0x0;
	_ =	sdelay $0xe  }
.Ltmp19:
0x1c5: {  	s10 =	spop (v2sf);
	(pc) =	sbr.rel @!p0 .LBB2_27-.Ltmp19, $4  }
0x1c6: {  	s11 =	sadd.s32 $0x1, s10  }
0x1c7: {  	[tilespmem:s10+$0x9100] =	vst.msk $0x1, v11;
	v11 =	vmov s11  }
0x1c8: {  	s18 =	sadd.s32 $0x1, s18;
	[tilespmem:s1+$0xD480] =	vst.msk $0x1, v11  }
0x1c9: {  	s4 =	sadd.s32 $0xFFFFFFFF, s4;
	v11 =	vld [tilespmem:s18+$0x0]  }
.LBB2_28:
0x1ca: {  	_ =	sdelay $0x3  }
0x1cb: {  	(v2sf) =	vpush v11, $0x0;
	_ =	sdelay $0xe  }
0x1cc: {  	s1 =	spop (v2sf)  }
0x1cd: {  	s1 =	sshra.s32 s1, $0x15  }
0x1ce: {  	v12 =	vld [tilespmem:s1+$0xD480];
	_ =	sdelay $0x4  }
0x1cf: {  	(v2sf) =	vpush v12, $0x0;
	_ =	sdelay $0xe  }
0x1d0: {  	s4 =	spop (v2sf)  }
0x1d1: {  	s10 =	sadd.s32 $0x1, s4  }
0x1d2: {  	[tilespmem:s4+$0x9100] =	vst.msk $0x1, v11;
	v11 =	vmov s10  }
0x1d3: {  	[tilespmem:s1+$0xD480] =	vst.msk $0x1, v11  }
.LBB2_29:
0x1d4: {  	s10 =	simm.s32 $0xD301  }
0x1d5: {  	v11 =	vld [tilespmem:s10+$0xFFFFFFFF]  }
0x1d6: {  	s1 =	simm.s32 $0xD181;
	v12 =	vld [tilespmem:s10+$0x0]  }
0x1d7: {  	v13 =	vld [tilespmem:s1+$0xFFFFFFFF]  }
0x1d8: {  	v14 =	vld [tilespmem:s1+$0x0];
	_ =	sdelay $0x4  }
0x1d9: {  	s4 =	simm.s32 $0x0;
	v13 =	vsub.s32 v14, v13;
	v11 =	vsub.s32 v12, v11  }
0x1da: {  	v12 =	vor.u32 s4, v1;
	vm0 =	vgt.s32 v13, $0x0;
	vm1 =	vgt.s32 v11, $0x0  }
0x1db: {  	vm15 =	vlt.s32 v12, v3;
	vm0 =	vmor vm0, vm1  }
0x1dc: {  	vm0 =	vmand vm15, vm0  }
0x1dd: {  	v14 =	vmpcnt.ones.xlane vm0;
	_ =	sdelay $0x1  }
0x1de: {  	(v2sf) =	vpush v14, $0x0  }
0x1df: {  	s18 =	simm.s32 $0xD311;
	[tilespmem:s4+$0xD600] =	vst.msk vm0, v12  }
0x1e0: {  	v11 =	vld [tilespmem:s18+$0xFFFFFFFF]  }
0x1e1: {  	s1 =	simm.s32 $0xD191;
	v12 =	vld [tilespmem:s18+$0x0]  }
0x1e2: {  	v13 =	vld [tilespmem:s1+$0xFFFFFFFF]  }
0x1e3: {  	s21 =	simm.s32 $0x10;
	s24 =	simm.s32 $0x20;
	v14 =	vld [tilespmem:s1+$0x0]  }
.LBB2_30:
0x1e4: {  	p0 =	seq.s32 s24, $0x100;
	_ =	sdelay $0x3  }
0x1e5: {  	v11 =	vsub.s32 v12, v11;
	v13 =	vsub.s32 v14, v13  }
0x1e6: {  	v12 =	vor.u32 s21, v1;
	s21 =	smov.u32 s24;
	vm1 =	vgt.s32 v11, $0x0;
	vm0 =	vgt.s32 v13, $0x0  }
0x1e7: {  	vm0 =	vmor vm0, vm1;
	vm1 =	vlt.s32 v12, v3  }
0x1e8: {  	vm0 =	vmand vm1, vm0  }
0x1e9: {  	v11 =	vmpcnt.ones.xlane vm0  }
0x1ea: {  	s10 =	spop (v2sf)  }
0x1eb: {  	(v2sf) =	vpush v11, $0x0;
	s4 =	sadd.s32 s4, s10  }
.Ltmp20:
0x1ec: {  	s18 =	sadd.s32 $0x10, s18;
	[tilespmem:s4+$0xD600] =	vst.msk vm0, v12;
	(pc) =	sbr.rel @!p0 .LBB2_30-.Ltmp20, $4  }
0x1ed: {  	v11 =	vld [tilespmem:s18+$0xFFFFFFFF]  }
0x1ee: {  	s1 =	sadd.s32 $0x10, s1;
	v12 =	vld [tilespmem:s18+$0x0]  }
0x1ef: {  	v13 =	vld [tilespmem:s1+$0xFFFFFFFF]  }
0x1f0: {  	s24 =	sadd.s32 $0x10, s24;
	v14 =	vld [tilespmem:s1+$0x0]  }
0x1f1: {  	_ =	sdelay $0x3  }
0x1f2: {  	v11 =	vsub.s32 v12, v11;
	v13 =	vsub.s32 v14, v13  }
0x1f3: {  	v63 =	vor.u32 s21, v1;
	vm1 =	vgt.s32 v11, $0x0;
	vm0 =	vgt.s32 v13, $0x0  }
0x1f4: {  	vm15 =	vlt.s32 v63, v3;
	vm0 =	vmor vm0, vm1  }
0x1f5: {  	vm0 =	vmand vm15, vm0  }
0x1f6: {  	v11 =	vmpcnt.ones.xlane vm0;
	_ =	sdelay $0x1  }
0x1f7: {  	(v2sf) =	vpush v11, $0x0;
	_ =	sdelay $0xd  }
0x1f8: {  	s1 =	spop (v2sf)  }
0x1f9: {  	s1 =	sadd.s32 s4, s1;
	s31 =	spop (v2sf)  }
0x1fa: {  	s21 =	sadd.s32 s1, s31  }
0x1fb: {  	p0 =	sgt.s32 s21, $0x0  }
.Ltmp21:
0x1fc: {  	_ = 	snop;
	(pc) =	sbr.rel @!p0 .LBB2_34-.Ltmp21, $2  }
0x1fd: {  	_ =	sdelay $0x2  }
0x1fe: {  	[tilespmem:s1+$0xD600] =	vst.msk vm0, v63  }
0x1ff: {  	v11 =	vld [tilespmem:$0xD600];
	_ =	sdelay $0x4  }
0x200: {  	(v2sf) =	vpush v11, $0x0;
	_ =	sdelay $0xe  }
0x201: {  	s1 =	spop (v2sf)  }
0x202: {  	s1 =	sadd.s32 s8, s1  }
0x203: {  	p0 =	sne.s32 s21, $0x1;
	s1 =	sshll.u32 s1, $0x7  }
.Ltmp22:
0x204: {  	s1 =	sand.u32 $0x1FFFFF80, s1;
	(pc) =	sbr.rel @p0 .LBB2_35-.Ltmp22, $4  }
0x205: {  	s10 =	simm.s32 $0x7A1400;
	s11 =	simm.s32 $0xD780;
	s4 =	sadd.s32 s3, s1  }
0x206: {  	[tilespmem:s11], [sflag:$0x2] =	stream.strided.gather [hbm4b:s4+s19], $0x2000, s10, s19, $0x38;
	[tilespmem:$0x1F900] =	vst v63  }
0x207: {  	s30 =	simm.s32 $0x7A1400;
	s31 =	simm.s32 $0x15780;
	s1 =	sadd.s32 s5, s1  }
0x208: {  	[tilespmem:s31], [sflag:$0x3] =	stream.strided.gather [hbm4b:s1+s19], $0x2000, s30, s19, $0x38;
	[tilespmem:$0x1F900] =	vst v63  }
.Ltmp23:
0x209: {  	(pc) =	sbr.rel .LBB2_36-.Ltmp23, $4  }
0x20a: {  	[tilespmem:$0x1F800] =	vst v6  }
0x20b: {  	[tilespmem:$0x1F880] =	vst v6  }
0x20c: {  	[tilespmem:$0x1F810] =	vst v7  }
0x20d: {  	[tilespmem:$0x1F890] =	vst v7  }
.LBB2_35:
0x20e: {  	v11 =	vld [tilespmem:$0xD601];
	_ =	sdelay $0x4  }
0x20f: {  	(v2sf) =	vpush v11, $0x0;
	_ =	sdelay $0xe  }
0x210: {  	s1 =	spop (v2sf)  }
0x211: {  	s1 =	sadd.s32 s8, s1  }
0x212: {  	s1 =	sshll.u32 s1, $0x7  }
0x213: {  	s1 =	sand.u32 $0x1FFFFF80, s1  }
0x214: {  	s10 =	simm.s32 $0x7A1400;
	s11 =	simm.s32 $0xF780;
	s4 =	sadd.s32 s3, s1  }
0x215: {  	[tilespmem:s11], [sflag:$0x2] =	stream.strided.gather [hbm4b:s4+s19], $0x2000, s10, s19, $0x38;
	[tilespmem:$0x1F900] =	vst v63  }
0x216: {  	s31 =	simm.s32 $0x17780;
	p0 =	sgt.u32 s21, $0x2;
	s1 =	sadd.s32 s5, s1  }
0x217: {  	[tilespmem:s31], [sflag:$0x3] =	stream.strided.gather [hbm4b:s1+s19], $0x2000, s10, s19, $0x38;
	[tilespmem:$0x1F900] =	vst v63  }
0x218: {  	v11 =	vld @p0 [tilespmem:$0xD602];
	_ =	sdelay $0x4  }
0x219: {  	(v2sf) =	vpush @p0 v11, $0x0;
	_ =	sdelay $0xe  }
0x21a: {  	s1 =	spop @p0 (v2sf)  }
0x21b: {  	s1 =	sadd.s32 @p0 s8, s1  }
0x21c: {  	s1 =	sshll.u32 @p0 s1, $0x7  }
0x21d: {  	s12 =	simm.s32 @p0 $0x11780;
	p1 =	seq.s32 @p0 s21, $0x3;
	s1 =	sand.u32 @p0 $0x1FFFFF80, s1  }
0x21e: {  	s11 =	simm.s32 @p0 $0x7A1400;
	s10 =	simm.s32 @p0 $0x400;
	s4 =	sadd.s32 @p0 s3, s1  }
0x21f: {  	[tilespmem:s12], [sflag:$0x2] =	stream.strided.gather @p0 [hbm4b:s4+s10], $0x2000, s11, s10, $0x38;
	[tilespmem:$0x1F900] =	vst v63  }
0x220: {  	p1 =	por p1, !p0;
	s1 =	sadd.s32 @p0 s5, s1;
	s4 =	simm.s32 @p0 $0x19780  }
0x221: {  	[tilespmem:s4], [sflag:$0x3] =	stream.strided.gather @p0 [hbm4b:s1+s10], $0x2000, s11, s10, $0x38;
	[tilespmem:$0x1F900] =	vst v63  }
0x222: {  	v11 =	vld @!p1 [tilespmem:$0xD603];
	_ =	sdelay $0x4  }
0x223: {  	(v2sf) =	vpush @!p1 v11, $0x0;
	_ =	sdelay $0xe  }
0x224: {  	s1 =	spop @!p1 (v2sf)  }
0x225: {  	s1 =	sadd.s32 @!p1 s8, s1  }
0x226: {  	s1 =	sshll.u32 @!p1 s1, $0x7  }
0x227: {  	s12 =	simm.s32 @!p1 $0x13780;
	s1 =	sand.u32 @!p1 $0x1FFFFF80, s1  }
0x228: {  	s10 =	simm.s32 @!p1 $0x400;
	s11 =	simm.s32 @!p1 $0x7A1400;
	s4 =	sadd.s32 @!p1 s3, s1  }
0x229: {  	[tilespmem:s12], [sflag:$0x2] =	stream.strided.gather @!p1 [hbm4b:s4+s10], $0x2000, s11, s10, $0x38;
	[tilespmem:$0x1F900] =	vst v63  }
0x22a: {  	v11 =	vlaneseq.u32 @p0;
	s1 =	sadd.s32 @!p1 s5, s1;
	s4 =	simm.s32 @!p1 $0x1B780  }
0x22b: {  	v12 =	vor.u32 @p0 $0x4000, v11;
	[tilespmem:s4], [sflag:$0x3] =	stream.strided.gather @!p1 [hbm4b:s1+s10], $0x2000, s11, s10, $0x38;
	[tilespmem:$0x1F900] =	vst v63  }
0x22c: {  	[tilespmem:$0x1F800] =	vst @p0 v12  }
0x22d: {  	v11 =	vor.u32 @p0 $0x4010, v11;
	[tilespmem:$0x1F880] =	vst @p0 v12  }
0x22e: {  	[tilespmem:$0x1F810] =	vst @p0 v11;
	v12 =	vlaneseq.u32 @!p0  }
0x22f: {  	[tilespmem:$0x1F890] =	vst @p0 v11;
	v11 =	vor.u32 @!p0 $0x4000, v12  }
0x230: {  	[tilespmem:$0x1F800] =	vst @!p0 v11  }
0x231: {  	[tilespmem:$0x1F880] =	vst @!p0 v11;
	v11 =	vor.u32 @!p0 $0x4010, v12  }
0x232: {  	[tilespmem:$0x1F810] =	vst @!p0 v11  }
0x233: {  	[tilespmem:$0x1F890] =	vst @!p0 v11  }
.LBB2_36:
.Ltmp24:
0x234: {  	(pc) =	sbr.rel .LBB2_37-.Ltmp24, $3  }
0x235: {  	_ =	sdelay $0x1  }
0x236: {  	[tilespmem:$0x1D780] =	vst v5  }
0x237: {  	[tilespmem:$0x1D790] =	vst v5;
	s30 =	simm.s32 $0x0  }
.LBB2_44:
0x238: {  	[tilespmem:$0x1F890] =	vst @!p1 v11  }
0x239: {  	[tilespmem:s1+$0x0] =	vst.msk @!p1 $0x1, v12  }
.LBB2_45:
0x23a: {  	s1 =	sadd.s32 $0x4, s30  }
0x23b: {  	p0 =	sge.s32 s1, s21  }
0x23c: {  	v11 =	vld @!p0 [tilespmem:s1+$0xD600];
	_ =	sdelay $0x4  }
0x23d: {  	(v2sf) =	vpush @!p0 v11, $0x0;
	_ =	sdelay $0xe  }
0x23e: {  	s1 =	spop @!p0 (v2sf)  }
0x23f: {  	s1 =	sadd.s32 @!p0 s8, s1  }
0x240: {  	s4 =	sshll.u32 @!p0 s30, $0xD;
	s1 =	sshll.u32 @!p0 s1, $0x7  }
0x241: {  	s12 =	simm.s32 @!p0 $0x400;
	s4 =	sand.u32 @!p0 $0x6000, s4;
	s1 =	sand.u32 @!p0 $0x1FFFFF80, s1  }
0x242: {  	s13 =	simm.s32 @!p0 $0x7A1400;
	s10 =	sadd.s32 @!p0 $0xD780, s4;
	s11 =	sadd.s32 @!p0 s3, s1  }
0x243: {  	[tilespmem:s10], [sflag:$0x2] =	stream.strided.gather @!p0 [hbm4b:s11+s12], $0x2000, s13, s12, $0x38;
	[tilespmem:$0x1F900] =	vst v63  }
0x244: {  	s30 =	sadd.s32 $0x1, s30;
	s4 =	sadd.s32 @!p0 $0x15780, s4;
	s1 =	sadd.s32 @!p0 s5, s1  }
0x245: {  	[tilespmem:s4], [sflag:$0x3] =	stream.strided.gather @!p0 [hbm4b:s1+s12], $0x2000, s13, s12, $0x38;
	[tilespmem:$0x1F900] =	vst v63  }
0x246: {  	p0 =	sne.s32 s30, s21  }
.Ltmp25:
0x247: {  	_ = 	snop;
	(pc) =	sbr.rel @!p0 .LBB2_46-.Ltmp25, $1  }
0x248: {  	_ =	sdelay $0x3  }
.LBB2_37:
0x249: {  	v11 =	vld [tilespmem:s30+$0xD600];
	_ =	sdelay $0x4  }
0x24a: {  	(v2sf) =	vpush v11, $0x0;
	_ =	sdelay $0xe  }
0x24b: {  	s31 =	spop (v2sf)  }
0x24c: {  	_ =	swait.ge [sflag:s26], $0x2000  }
0x24d: {  	[sflag:s26] =	ssyncset.done $0x0  }
0x24e: {  	[sflag:s26] =	ssyncadd.s32 $0xFFFFE000  }
0x24f: {  	_ =	swait.ge [sflag:s20], $0x2000  }
0x250: {  	[sflag:s20] =	ssyncset.done $0x0  }
0x251: {  	[sflag:s20] =	ssyncadd.s32 $0xFFFFE000  }
0x252: {  	v11 =	vld [tilespmem:s31+$0xD180];
	_ =	sdelay $0x4  }
0x253: {  	(v2sf) =	vpush v11, $0x0  }
0x254: {  	(v2sf) =	vpush v11, $0x1;
	_ =	sdelay $0xd  }
0x255: {  	s25 =	spop (v2sf)  }
0x256: {  	s1 =	spop (v2sf)  }
0x257: {  	p0 =	sle.s32 s1, s25  }
.Ltmp26:
0x258: {  	_ = 	snop;
	(pc) =	sbr.rel @p0 .LBB2_41-.Ltmp26, $3  }
0x259: {  	_ =	sdelay $0x1  }
0x25a: {  	s4 =	sand.u32 $0x3, s30  }
0x25b: {  	s24 =	sshll.u32 s4, $0xD  }
0x25c: {  	s4 =	sshll.u32 s25, $0x2  }
0x25d: {  	s4 =	sshra.s32 s4, $0x2  }
0x25e: {  	s18 =	sadd.s32 $0x5080, s4  }
0x25f: {  	v11 =	vld [tilespmem:s18+$0x0];
	_ =	sdelay $0x4  }
0x260: {  	(v2sf) =	vpush v11, $0x0;
	_ =	sdelay $0x4  }
0x261: {  	v11 =	vld [tilespmem:$0x1D780];
	_ =	sdelay $0x4  }
0x262: {  	(v2sf) =	vpush v11, $0x0;
	_ =	sdelay $0x4  }
0x263: {  	s10 =	spop (v2sf)  }
0x264: {  	s13 =	sshrl.u32 s10, $0xE  }
0x265: {  	s11 =	sand.u32 $0x7F, s13  }
0x266: {  	v11 =	vor.u32 s11, v4;
	_ =	sdelay $0x3  }
0x267: {  	s4 =	sadd.s32 $0xD780, s24  }
0x268: {  	v11 =	vld.idx.msk [tilespmem:v11+s4+$0x0], $0xffff  }
0x269: {  	v12 =	vor.u32 s11, v8  }
0x26a: {  	s12 =	spop (v2sf)  }
0x26b: {  	s13 =	sshll.u32 s12, $0x9  }
0x26c: {  	s13 =	sshra.s32 s13, $0x2  }
0x26d: {  	[tilespmem:s13+$0x1D800] =	vst v11  }
0x26e: {  	v11 =	vld.idx.msk [tilespmem:v12+s4+$0x0], $0xffff  }
0x26f: {  	v12 =	vor.u32 s11, v9;
	_ =	sdelay $0x3  }
0x270: {  	[tilespmem:s13+$0x1D810] =	vst v11  }
0x271: {  	v11 =	vld.idx.msk [tilespmem:v12+s4+$0x0], $0xffff  }
0x272: {  	v12 =	vor.u32 s11, v10;
	_ =	sdelay $0x3  }
0x273: {  	[tilespmem:s13+$0x1D820] =	vst v11  }
0x274: {  	v11 =	vld.idx.msk [tilespmem:v12+s4+$0x0], $0xffff;
	_ =	sdelay $0x1  }
0x275: {  	s11 =	sadd.s32 $0x1, s12  }
0x276: {  	p1 =	sne.s32 s11, $0x20  }
0x277: {  	s10 =	sand.u32 $0x3FFF, s10;
	p0 =	sgt.s32 @p1 s11, $0x1F  }
0x278: {  	s1 =	ssub.s32 s1, s25;
	p0 =	por p0, !p1;
	[tilespmem:s13+$0x1D830] =	vst v11;
	v11 =	vmov s10  }
0x279: {  	s25 =	sadd.s32 $0xFFFFFFFF, s1;
	s10 =	simm.s32 @!p0 $0x1D780;
	[tilespmem:s12+$0x1F800] =	vst.msk $0x1, v11;
	v11 =	vmov @!p0 s11;
	s11 =	simm.s32 @!p1 $0x20  }
0x27a: {  	s12 =	simm.s32 @!p1 $0x1D800;
	[tilespmem:s10+$0x0] =	vst.msk @!p0 $0x1, v11;
	s10 =	simm.s32 @!p1 $0x1F800;
	p0 =	sne.s32 s25, $0x0  }
0x27b: {  	[hbm4b:s7+s11] =	stream.indirect.scatter @!p1 [tilespmem:s12], [sflag:$0x4], $0x80, s10, s11, $0xb8;
	[tilespmem:$0x1F900] =	vst v63  }
.Ltmp27:
0x27c: {  	s13 =	simm.s32 @!p1 $0x4;
	(pc) =	sbr.rel @!p0 .LBB2_40-.Ltmp27, $4  }
0x27d: {  	_ =	swait.ge @!p1 [sflag:s13], $0x1000  }
0x27e: {  	v11 =	vlaneseq.u32 @!p1;
	[sflag:s13] =	ssyncset.done @!p1 $0x0  }
0x27f: {  	v12 =	vor.u32 @!p1 $0x4000, v11;
	[sflag:s13] =	ssyncadd.s32 @!p1 $0xFFFFF000  }
0x280: {  	s1 =	simm.s32 @!p1 $0x1D780;
	v11 =	vor.u32 @!p1 $0x4010, v11;
	[tilespmem:$0x1F800] =	vst @!p1 v12;
	v12 =	vimm.s32 @!p1 $0x0  }
.LBB2_39:
0x281: {  	s25 =	sadd.s32 $0xFFFFFFFF, s25;
	[tilespmem:$0x1F810] =	vst @!p1 v11;
	s18 =	sadd.s32 $0x1, s18  }
0x282: {  	p0 =	sne.s32 s25, $0x0;
	[tilespmem:s1+$0x0] =	vst.msk @!p1 $0x1, v12  }
0x283: {  	v11 =	vld [tilespmem:s18+$0x0];
	_ =	sdelay $0x4  }
0x284: {  	(v2sf) =	vpush v11, $0x0;
	_ =	sdelay $0x5  }
0x285: {  	v11 =	vld [tilespmem:$0x1D780];
	_ =	sdelay $0x4  }
0x286: {  	(v2sf) =	vpush v11, $0x0;
	_ =	sdelay $0x3  }
0x287: {  	s1 =	spop (v2sf)  }
0x288: {  	s10 =	sshrl.u32 s1, $0xE;
	s1 =	sand.u32 $0x3FFF, s1  }
0x289: {  	s10 =	sand.u32 $0x7F, s10  }
0x28a: {  	v11 =	vor.u32 s10, v4;
	_ =	sdelay $0x4  }
0x28b: {  	v11 =	vld.idx.msk [tilespmem:v11+s4+$0x0], $0xffff;
	_ =	sdelay $0x1  }
0x28c: {  	v12 =	vor.u32 s10, v8  }
0x28d: {  	s11 =	spop (v2sf)  }
0x28e: {  	s12 =	sshll.u32 s11, $0x9;
	s13 =	sadd.s32 $0x1, s11  }
0x28f: {  	s12 =	sshra.s32 s12, $0x2  }
0x290: {  	[tilespmem:s12+$0x1D800] =	vst v11  }
0x291: {  	v11 =	vld.idx.msk [tilespmem:v12+s4+$0x0], $0xffff;
	_ =	sdelay $0x1  }
0x292: {  	v12 =	vor.u32 s10, v9;
	_ =	sdelay $0x3  }
0x293: {  	[tilespmem:s12+$0x1D810] =	vst v11  }
0x294: {  	v11 =	vld.idx.msk [tilespmem:v12+s4+$0x0], $0xffff;
	_ =	sdelay $0x1  }
0x295: {  	v12 =	vor.u32 s10, v10;
	_ =	sdelay $0x3  }
0x296: {  	[tilespmem:s12+$0x1D820] =	vst v11  }
0x297: {  	v11 =	vld.idx.msk [tilespmem:v12+s4+$0x0], $0xffff;
	_ =	sdelay $0x3  }
0x298: {  	p1 =	sne.s32 s13, $0x20  }
0x299: {  	p2 =	sgt.s32 @p1 s13, $0x1F;
	v12 =	vlaneseq.u32 @!p1  }
0x29a: {  	v13 =	vmov s1;
	p2 =	por p2, !p1;
	v14 =	vor.u32 @!p1 $0x4000, v12;
	[tilespmem:s12+$0x1D830] =	vst v11;
	v11 =	vor.u32 @!p1 $0x4010, v12  }
0x29b: {  	s1 =	simm.s32 @!p2 $0x1D780;
	s10 =	simm.s32 @!p1 $0x20;
	v12 =	vmov @!p2 s13;
	[tilespmem:s11+$0x1F800] =	vst.msk $0x1, v13  }
0x29c: {  	s12 =	simm.s32 @!p1 $0x4;
	s11 =	simm.s32 @!p1 $0x1D800;
	[tilespmem:s1+$0x0] =	vst.msk @!p2 $0x1, v12;
	s1 =	simm.s32 @!p1 $0x1F800  }
0x29d: {  	[hbm4b:s7+s10] =	stream.indirect.scatter @!p1 [tilespmem:s11], [sflag:$0x4], $0x80, s1, s10, $0xb8;
	[tilespmem:$0x1F900] =	vst v63  }
.Ltmp28:
0x29e: {  	_ = 	snop;
	(pc) =	sbr.rel @p0 .LBB2_39-.Ltmp28, $4  }
0x29f: {  	_ =	swait.ge @!p1 [sflag:s12], $0x1000  }
0x2a0: {  	[sflag:s12] =	ssyncset.done @!p1 $0x0  }
0x2a1: {  	[sflag:s12] =	ssyncadd.s32 @!p1 $0xFFFFF000  }
0x2a2: {  	v12 =	vimm.s32 @!p1 $0x0;
	s1 =	simm.s32 @!p1 $0x1D780;
	[tilespmem:$0x1F800] =	vst @!p1 v14  }
.LBB2_40:
0x2a3: {  	[tilespmem:$0x1F810] =	vst @!p1 v11  }
0x2a4: {  	[tilespmem:s1+$0x0] =	vst.msk @!p1 $0x1, v12  }
.LBB2_41:
0x2a5: {  	v11 =	vld [tilespmem:s31+$0xD300];
	_ =	sdelay $0x4  }
0x2a6: {  	(v2sf) =	vpush v11, $0x0  }
0x2a7: {  	(v2sf) =	vpush v11, $0x1;
	_ =	sdelay $0xd  }
0x2a8: {  	s1 =	spop (v2sf)  }
0x2a9: {  	s25 =	spop (v2sf)  }
0x2aa: {  	p0 =	sle.s32 s25, s1  }
.Ltmp29:
0x2ab: {  	_ = 	snop;
	(pc) =	sbr.rel @p0 .LBB2_45-.Ltmp29, $1  }
0x2ac: {  	_ =	sdelay $0x3  }
0x2ad: {  	s4 =	sshll.u32 s1, $0x2  }
0x2ae: {  	s4 =	sshra.s32 s4, $0x2  }
0x2af: {  	s18 =	sadd.s32 $0x9100, s4  }
0x2b0: {  	v11 =	vld [tilespmem:s18+$0x0];
	_ =	sdelay $0x4  }
0x2b1: {  	(v2sf) =	vpush v11, $0x0;
	_ =	sdelay $0x4  }
0x2b2: {  	v11 =	vld [tilespmem:$0x1D790];
	_ =	sdelay $0x4  }
0x2b3: {  	(v2sf) =	vpush v11, $0x0;
	_ =	sdelay $0x4  }
0x2b4: {  	s10 =	spop (v2sf)  }
0x2b5: {  	s13 =	sshrl.u32 s10, $0xE  }
0x2b6: {  	s11 =	sand.u32 $0x7F, s13  }
0x2b7: {  	v11 =	vor.u32 s11, v4;
	_ =	sdelay $0x3  }
0x2b8: {  	s4 =	sadd.s32 $0x15780, s24  }
0x2b9: {  	v11 =	vld.idx.msk [tilespmem:v11+s4+$0x0], $0xffff  }
0x2ba: {  	v12 =	vor.u32 s11, v8  }
0x2bb: {  	s12 =	spop (v2sf)  }
0x2bc: {  	s13 =	sshll.u32 s12, $0x9  }
0x2bd: {  	s13 =	sshra.s32 s13, $0x2  }
0x2be: {  	[tilespmem:s13+$0x1E800] =	vst v11  }
0x2bf: {  	v11 =	vld.idx.msk [tilespmem:v12+s4+$0x0], $0xffff  }
0x2c0: {  	v12 =	vor.u32 s11, v9;
	_ =	sdelay $0x3  }
0x2c1: {  	[tilespmem:s13+$0x1E810] =	vst v11  }
0x2c2: {  	v11 =	vld.idx.msk [tilespmem:v12+s4+$0x0], $0xffff  }
0x2c3: {  	v12 =	vor.u32 s11, v10;
	_ =	sdelay $0x3  }
0x2c4: {  	[tilespmem:s13+$0x1E820] =	vst v11  }
0x2c5: {  	v11 =	vld.idx.msk [tilespmem:v12+s4+$0x0], $0xffff;
	_ =	sdelay $0x1  }
0x2c6: {  	s11 =	sadd.s32 $0x1, s12  }
0x2c7: {  	p1 =	sne.s32 s11, $0x20  }
0x2c8: {  	s10 =	sand.u32 $0x3FFF, s10;
	p0 =	sgt.s32 @p1 s11, $0x1F  }
0x2c9: {  	s31 =	ssub.s32 s25, s1;
	p0 =	por p0, !p1;
	[tilespmem:s13+$0x1E830] =	vst v11;
	v11 =	vmov s10  }
0x2ca: {  	s24 =	sadd.s32 $0xFFFFFFFF, s31;
	s10 =	simm.s32 @!p0 $0x1D790;
	[tilespmem:s12+$0x1F880] =	vst.msk $0x1, v11;
	v11 =	vmov @!p0 s11;
	s11 =	simm.s32 @!p1 $0x20  }
0x2cb: {  	s12 =	simm.s32 @!p1 $0x1E800;
	[tilespmem:s10+$0x0] =	vst.msk @!p0 $0x1, v11;
	s10 =	simm.s32 @!p1 $0x1F880;
	p0 =	sne.s32 s24, $0x0  }
0x2cc: {  	[hbm4b:s9+s11] =	stream.indirect.scatter @!p1 [tilespmem:s12], [sflag:$0x4], $0x80, s10, s11, $0xb8;
	[tilespmem:$0x1F900] =	vst v63  }
.Ltmp30:
0x2cd: {  	s13 =	simm.s32 @!p1 $0x4;
	(pc) =	sbr.rel @!p0 .LBB2_44-.Ltmp30, $4  }
0x2ce: {  	_ =	swait.ge @!p1 [sflag:s13], $0x1000  }
0x2cf: {  	v11 =	vlaneseq.u32 @!p1;
	[sflag:s13] =	ssyncset.done @!p1 $0x0  }
0x2d0: {  	v12 =	vor.u32 @!p1 $0x4000, v11;
	[sflag:s13] =	ssyncadd.s32 @!p1 $0xFFFFF000  }
0x2d1: {  	s1 =	simm.s32 @!p1 $0x1D790;
	v11 =	vor.u32 @!p1 $0x4010, v11;
	[tilespmem:$0x1F880] =	vst @!p1 v12;
	v12 =	vimm.s32 @!p1 $0x0  }
.LBB2_43:
0x2d2: {  	s24 =	sadd.s32 $0xFFFFFFFF, s24;
	[tilespmem:$0x1F890] =	vst @!p1 v11;
	s18 =	sadd.s32 $0x1, s18  }
0x2d3: {  	p0 =	sne.s32 s24, $0x0;
	[tilespmem:s1+$0x0] =	vst.msk @!p1 $0x1, v12  }
0x2d4: {  	v11 =	vld [tilespmem:s18+$0x0];
	_ =	sdelay $0x4  }
0x2d5: {  	(v2sf) =	vpush v11, $0x0;
	_ =	sdelay $0x5  }
0x2d6: {  	v11 =	vld [tilespmem:$0x1D790];
	_ =	sdelay $0x4  }
0x2d7: {  	(v2sf) =	vpush v11, $0x0;
	_ =	sdelay $0x3  }
0x2d8: {  	s1 =	spop (v2sf)  }
0x2d9: {  	s10 =	sshrl.u32 s1, $0xE;
	s1 =	sand.u32 $0x3FFF, s1  }
0x2da: {  	s10 =	sand.u32 $0x7F, s10  }
0x2db: {  	v11 =	vor.u32 s10, v4;
	_ =	sdelay $0x4  }
0x2dc: {  	v11 =	vld.idx.msk [tilespmem:v11+s4+$0x0], $0xffff;
	_ =	sdelay $0x1  }
0x2dd: {  	v12 =	vor.u32 s10, v8  }
0x2de: {  	s11 =	spop (v2sf)  }
0x2df: {  	s12 =	sshll.u32 s11, $0x9;
	s13 =	sadd.s32 $0x1, s11  }
0x2e0: {  	s12 =	sshra.s32 s12, $0x2  }
0x2e1: {  	[tilespmem:s12+$0x1E800] =	vst v11  }
0x2e2: {  	v11 =	vld.idx.msk [tilespmem:v12+s4+$0x0], $0xffff;
	_ =	sdelay $0x1  }
0x2e3: {  	v12 =	vor.u32 s10, v9;
	_ =	sdelay $0x3  }
0x2e4: {  	[tilespmem:s12+$0x1E810] =	vst v11  }
0x2e5: {  	v11 =	vld.idx.msk [tilespmem:v12+s4+$0x0], $0xffff;
	_ =	sdelay $0x1  }
0x2e6: {  	v12 =	vor.u32 s10, v10;
	_ =	sdelay $0x3  }
0x2e7: {  	[tilespmem:s12+$0x1E820] =	vst v11  }
0x2e8: {  	v11 =	vld.idx.msk [tilespmem:v12+s4+$0x0], $0xffff;
	_ =	sdelay $0x3  }
0x2e9: {  	p1 =	sne.s32 s13, $0x20  }
0x2ea: {  	p2 =	sgt.s32 @p1 s13, $0x1F;
	v12 =	vlaneseq.u32 @!p1  }
0x2eb: {  	v13 =	vmov s1;
	p2 =	por p2, !p1;
	v14 =	vor.u32 @!p1 $0x4000, v12;
	[tilespmem:s12+$0x1E830] =	vst v11;
	v11 =	vor.u32 @!p1 $0x4010, v12  }
0x2ec: {  	s1 =	simm.s32 @!p2 $0x1D790;
	s10 =	simm.s32 @!p1 $0x20;
	v12 =	vmov @!p2 s13;
	[tilespmem:s11+$0x1F880] =	vst.msk $0x1, v13  }
0x2ed: {  	s12 =	simm.s32 @!p1 $0x4;
	s11 =	simm.s32 @!p1 $0x1E800;
	[tilespmem:s1+$0x0] =	vst.msk @!p2 $0x1, v12;
	s1 =	simm.s32 @!p1 $0x1F880  }
0x2ee: {  	[hbm4b:s9+s10] =	stream.indirect.scatter @!p1 [tilespmem:s11], [sflag:$0x4], $0x80, s1, s10, $0xb8;
	[tilespmem:$0x1F900] =	vst v63  }
.Ltmp31:
0x2ef: {  	_ = 	snop;
	(pc) =	sbr.rel @p0 .LBB2_43-.Ltmp31, $4  }
0x2f0: {  	_ =	swait.ge @!p1 [sflag:s12], $0x1000  }
0x2f1: {  	[sflag:s12] =	ssyncset.done @!p1 $0x0  }
0x2f2: {  	[sflag:s12] =	ssyncadd.s32 @!p1 $0xFFFFF000  }
0x2f3: {  	v12 =	vimm.s32 @!p1 $0x0;
	s1 =	simm.s32 @!p1 $0x1D790;
	[tilespmem:$0x1F880] =	vst @!p1 v14  }
.Ltmp32:
0x2f4: {  	_ = 	snop;
	(pc) =	sbr.rel .LBB2_44-.Ltmp32, $1  }
0x2f5: {  	_ =	sdelay $0x3  }
.LBB2_47:
0x2f6: {  	_ =	sfence.sel $0x180000  }
0x2f7: {  	[bflag:$0x0] =	sbarrier.arrive $0xFFFF  }
0x2f8: {  	_ =	strace $0x90000047  }
0x2f9: {  	s0 =	stileid.u32;
	[bflag:$0x2] =	sbarrier.arrive $0xFFFF  }
0x2fa: {  	p0 =	sne.s32 s0, $0x0;
	s0 =	rddreg [dreg:$0x5]  }
0x2fb: {  	s0 =	sadd.s32 @!p0 $0x100000, s0  }
0x2fc: {  	[sflag:s0] =	ssyncadd.tile.s32 @!p0 $0x1;
	_ =	shalt  }
.Lfunc_end2:
_tile_overlayer_lowered:
.L_overlay_start_2:
0x2fd: {  	(tag) =	ssettag $0x2  }
0x2fe: {  	s0 =	rddreg [dreg:$0x0];
	s2 =	stileid.u32  }
0x2ff: {  	s1 =	rddreg [dreg:$0x1];
	p0 =	sne.s32 s2, $0x0  }
0x300: {  	s3 =	rddreg [dreg:$0x2];
	[bflag:$0x3] =	sbarrier.arrive $0xFFFF;
	s2 =	simm.s32 @!p0 $0x1C04  }
0x301: {  	[timem:s3], [sflag:s2] =	dma.local @!p0 [hbm:s0], s1  }
0x302: {  	s0 =	simm.s32 @!p0 $0x4  }
0x303: {  	_ =	swait.ge @!p0 [sflag:s0], s1  }
0x304: {  	s1 =	ssub.s32 @!p0 $0x0, s1;
	[sflag:s0] =	ssyncset.done @!p0 $0x0  }
0x305: {  	[sflag:s0] =	ssyncadd.s32 @!p0 s1  }
0x306: {  	[bflag:$0x3] =	sbarrier.arrive $0xFFFF  }
0x307: {  	_ =	shalt  }

// kernel: kernel.7.cloned.1.call-start
scs
__scs_entry_jumppad:
0x0: {  	(pc) =	sbr.rel $0x88, $3  }
0x1: {  	(tag) =	ssettag $0x0;
	lr =	simm.s32 $0x1  }
0x2: {  	[smem:$0x3F9B] =	sst lr;
	_ =	strace $0xD0000000  }
0x3: {  	_ = 	snop  }
0x4: {  	_ = 	snop  }
0x5: {  	_ = 	snop  }
0x6: {  	_ = 	snop  }
0x7: {  	_ = 	snop  }
__scs_overlays_trampoline_lowered:
0x8: {  	[smem:$0x3FAA] =	sst s0  }
0x9: {  	[smem:$0x3FAB] =	sst s1  }
0xa: {  	[smem:$0x3FAC] =	sst s2  }
0xb: {  	[smem:$0x3FAD] =	sst s3  }
0xc: {  	[smem:$0x3FAE] =	sst s4  }
0xd: {  	[smem:$0x3FAF] =	sst s5  }
0xe: {  	[smem:$0x3FB0] =	sst s6  }
0xf: {  	[smem:$0x3FB1] =	sst s7  }
0x10: {  	[smem:$0x3FB2] =	sst s8  }
0x11: {  	[smem:$0x3FB3] =	sst s9;
	s0 =	simm.s32 @!p0 $0x0  }
0x12: {  	s1 =	sld [smem:$0x3F99];
	s0 =	simm.s32 @p0 $0x1  }
0x13: {  	[smem:$0x3FB4] =	sst s0;
	s0 =	simm.s32 @!p1 $0x0  }
0x14: {  	s2 =	sld [smem:$0x3F98];
	s0 =	simm.s32 @p1 $0x1  }
0x15: {  	[smem:$0x3FB5] =	sst s0;
	s0 =	simm.s32 @!p2 $0x0  }
0x16: {  	s3 =	sld [smem:$0x3FDB];
	s0 =	simm.s32 @p2 $0x1  }
0x17: {  	s4 =	simm.s32 $0x1BF5;
	[smem:$0x3FB7] =	sst s0  }
0x18: {  	s0 =	sld [smem:$0x3F9A];
	_ =	swait.ge [sflag:s4], $0x0  }
0x19: {  	s7 =	sld [smem:$0x3F9B]  }
0x1a: {  	s8 =	sadd.s32 $0xFFFFE003, lr  }
0x1b: {  	s9 =	sadd.s32 $0xFFFFFEF7, lr;
	s5 =	simm.s32 $0xFFFFFFFF;
	p2 =	slt.u32 s8, $0xFFFFF086  }
0x1c: {  	p1 =	slt.u32 s9, $0xF7A;
	s5 =	simm.s32 @!p2 $0x0  }
0x1d: {  	s5 =	simm.s32 @p1 $0x1;
	p0 =	seq.s32 s7, s2  }
0x1e: {  	s7 =	smul.u32 @!p0 $0xF7A, s2;
	p2 =	seq.s32 @!p0 s5, $0x0  }
0x1f: {  	s9 =	smul.u32 $0xF7A, s1;
	s8 =	simm.s32 @!p0 $0x1BF5;
	p2 =	por !p2, p0  }
0x20: {  	[sflag:s8] =	ssyncset.s32 @!p0 $0xFFFFF086;
	s6 =	sadd.s32 @!p0 s3, s7;
	s7 =	simm.s32 @!p0 $0x108  }
0x21: {  	s3 =	sadd.s32 s3, s9;
	s6 =	sadd.s32 @!p0 $0x88, s6;
	s7 =	simm.s32 @p2 $0x1082  }
0x22: {  	[simem:s7], [sflag:s8] =	dma.local @!p0 [hbm:s6], $0xF7A  }
0x23: {  	s9 =	sor.u32 $0xD0000000, s2;
	s6 =	simm.s32 $0x108;
	_ =	swait.ge @!p0 [sflag:s8], $0x0  }
0x24: {  	s3 =	sadd.s32 $0x88, s3;
	s6 =	simm.s32 @!p1 $0x1082;
	[sflag:s4] =	ssyncset.s32 $0xFFFFF086  }
0x25: {  	[simem:s6], [sflag:s4] =	dma.local [hbm:s3], $0xF7A  }
0x26: {  	[smem:$0x3F9B] =	sst s1;
	(tag) =	ssettag s2;
	_ =	strace s9  }
0x27: {  	s1 =	sld [smem:$0x3FAB]  }
0x28: {  	s2 =	sld [smem:$0x3FAC]  }
0x29: {  	s4 =	sld [smem:$0x3FAE]  }
0x2a: {  	p0 =	seq.s32 s5, $0x0;
	s5 =	sld [smem:$0x3FAF]  }
0x2b: {  	s6 =	sld [smem:$0x3FB0]  }
0x2c: {  	s7 =	sld [smem:$0x3FB1]  }
0x2d: {  	s3 =	simm.s32 $0x108;
	s8 =	sld [smem:$0x3FB2]  }
0x2e: {  	s3 =	simm.s32 @!p0 $0x1082;
	s9 =	sld [smem:$0x3FB3]  }
0x2f: {  	lr =	sadd.s32 s0, s3;
	s0 =	sld [smem:$0x3FAA]  }
0x30: {  	s3 =	sld [smem:$0x3FAD]  }
0x31: {  	[smem:$0x3FB6] =	sst s10  }
0x32: {  	s10 =	sld [smem:$0x3FB4];
	_ =	sdelay $0x3  }
0x33: {  	p0 =	seq.s32 s10, $0x1;
	s10 =	sld [smem:$0x3FB6];
	_ =	sdelay $0x3  }
0x34: {  	[smem:$0x3FB6] =	sst s10  }
0x35: {  	s10 =	sld [smem:$0x3FB5];
	_ =	sdelay $0x3  }
0x36: {  	p1 =	seq.s32 s10, $0x1;
	s10 =	sld [smem:$0x3FB6];
	_ =	sdelay $0x3  }
0x37: {  	[smem:$0x3FB6] =	sst s10  }
0x38: {  	s10 =	sld [smem:$0x3FB7]  }
0x39: {  	_ = 	snop;
	(pc) =	sbr.ind lr, $3  }
0x3a: {  	_ = 	snop  }
0x3b: {  	_ = 	snop  }
0x3c: {  	p2 =	seq.s32 s10, $0x1;
	s10 =	sld [smem:$0x3FB6]  }
0x3d: {  	_ =	shalt  }
0x3e: {  	_ =	shalt  }
0x3f: {  	_ =	shalt  }
0x40: {  	_ =	shalt  }
0x41: {  	_ =	shalt  }
0x42: {  	_ =	shalt  }
0x43: {  	_ =	shalt  }
0x44: {  	_ =	shalt  }
0x45: {  	_ =	shalt  }
0x46: {  	_ =	shalt  }
0x47: {  	_ =	shalt  }
0x48: {  	_ =	shalt  }
0x49: {  	_ =	shalt  }
0x4a: {  	_ =	shalt  }
0x4b: {  	_ =	shalt  }
0x4c: {  	_ =	shalt  }
0x4d: {  	_ =	shalt  }
0x4e: {  	_ =	shalt  }
0x4f: {  	_ =	shalt  }
0x50: {  	_ =	shalt  }
0x51: {  	_ =	shalt  }
0x52: {  	_ =	shalt  }
0x53: {  	_ =	shalt  }
0x54: {  	_ =	shalt  }
0x55: {  	_ =	shalt  }
0x56: {  	_ =	shalt  }
0x57: {  	_ =	shalt  }
0x58: {  	_ =	shalt  }
0x59: {  	_ =	shalt  }
0x5a: {  	_ =	shalt  }
0x5b: {  	_ =	shalt  }
0x5c: {  	_ =	shalt  }
0x5d: {  	_ =	shalt  }
0x5e: {  	_ =	shalt  }
0x5f: {  	_ =	shalt  }
0x60: {  	_ =	shalt  }
0x61: {  	_ =	shalt  }
0x62: {  	_ =	shalt  }
0x63: {  	_ =	shalt  }
0x64: {  	_ =	shalt  }
0x65: {  	_ =	shalt  }
0x66: {  	_ =	shalt  }
0x67: {  	_ =	shalt  }
0x68: {  	_ =	shalt  }
0x69: {  	_ =	shalt  }
0x6a: {  	_ =	shalt  }
0x6b: {  	_ =	shalt  }
0x6c: {  	_ =	shalt  }
0x6d: {  	_ =	shalt  }
0x6e: {  	_ =	shalt  }
0x6f: {  	_ =	shalt  }
0x70: {  	_ =	shalt  }
0x71: {  	_ =	shalt  }
0x72: {  	_ =	shalt  }
0x73: {  	_ =	shalt  }
0x74: {  	_ =	shalt  }
0x75: {  	_ =	shalt  }
0x76: {  	_ =	shalt  }
0x77: {  	_ =	shalt  }
0x78: {  	_ =	shalt  }
0x79: {  	_ =	shalt  }
0x7a: {  	_ =	shalt  }
0x7b: {  	_ =	shalt  }
0x7c: {  	_ =	shalt  }
0x7d: {  	_ =	shalt  }
0x7e: {  	_ =	shalt  }
0x7f: {  	_ =	shalt  }
0x80: {  	_ =	shalt  }
0x81: {  	_ =	shalt  }
0x82: {  	_ =	shalt  }
0x83: {  	_ =	shalt  }
0x84: {  	_ =	shalt  }
0x85: {  	_ =	shalt  }
0x86: {  	_ =	shalt  }
0x87: {  	_ =	shalt  }
.Lfunc_end0:
.L_simem_size_0:
called_computation.1_lowered:
.L_overlay_start_0:
0x88: {  	s2 =	sld [smem:$0x3FD9]  }
0x89: {  	s3 =	sld [smem:$0x3FFE];
	_ =	sdelay $0x1  }
0x8a: {  	s1 =	srdreg.scid  }
0x8b: {  	s0 =	sand.u32 $0x1, s1  }
0x8c: {  	s17 =	sshll.u32 s0, $0xA;
	s2 =	sadd.s32 s3, s2  }
0x8d: {  	s2 =	sadd.s32 s2, s17  }
0x8e: {  	[smem:$0x3FC2] =	sst s2  }
0x8f: {  	_ = 	snop  }
0x90: {  	s2 =	sld [smem:$0x3FC9]  }
0x91: {  	s18 =	sld [smem:$0x3FC8]  }
0x92: {  	s4 =	sld [smem:$0x3FD0];
	(tm) =	ssettm $0x1  }
0x93: {  	s5 =	sld [smem:$0x3FFB];
	_ =	sdelay $0x3  }
0x94: {  	_ =	strace s5  }
0x95: {  	s5 =	sld [smem:$0x3FFC];
	_ =	sdelay $0x3  }
0x96: {  	_ =	strace s5  }
0x97: {  	s5 =	sld [smem:$0x3FFD];
	_ =	sdelay $0x3  }
0x98: {  	_ =	strace s5  }
0x99: {  	_ =	strace $0x8FFFFFFF  }
0x9a: {  	s19 =	sld [smem:$0x3FDB];
	_ =	sdelay $0x1  }
0x9b: {  	s6 =	simm.s32 $_scs_section_size  }
0x9c: {  	s7 =	simm.s32 $_size__tile_overlayer_lowered;
	s8 =	simm.s32 $_tile_overlayer_lowered  }
0x9d: {  	s22 =	simm.s32 $0x1BFF;
	s21 =	sshll.u32 s8, $0x1;
	s5 =	sadd.s32 s6, s19  }
0x9e: {  	s9 =	simm.s32 $0x0;
	s20 =	sshll.u32 s7, $0x1;
	s7 =	sadd.s32 s21, s5  }
0x9f: {  	[timem:s9], [sflag:s22] =	dma.local [hbm:s7], s20  }
0xa0: {  	_ =	swait.ge [sflag:s22], s20  }
0xa1: {  	s6 =	ssub.s32 $0x0, s20;
	[sflag:s22] =	ssyncset.done $0x0  }
0xa2: {  	[sflag:s22] =	ssyncadd.s32 s6;
	_ =	sdelay $0x1  }
0xa3: {  	s23 =	simm.s32 $0x1B8B  }
0xa4: {  	_ =	swait.ge [sflag:s23], $0x1  }
0xa5: {  	[sflag:s23] =	ssyncset.done $0x0  }
0xa6: {  	s25 =	simm.s32 $0x1B8E;
	s24 =	sld [smem:$0x3FFE];
	[sflag:s23] =	ssyncadd.s32 $0xFFFFFFFF  }
0xa7: {  	s26 =	simm.s32 $execute0_lowered;
	[smem:$0x3FD2] =	sst s25  }
0xa8: {  	s7 =	sshll.u32 s26, $0x1;
	_ =	strace $0x80000049;
	[dreg:$0x1] =	wrdreg $0xFFFFFFFF  }
0xa9: {  	s28 =	simm.s32 $_size_execute0_lowered;
	s5 =	sadd.s32 s5, s7;
	[dreg:$0x0] =	wrdreg $0x0  }
0xaa: {  	s7 =	sshll.u32 s28, $0x1;
	[dreg:$0x2] =	wrdreg s5  }
0xab: {  	[dreg:$0x3] =	wrdreg s7  }
0xac: {  	[dreg:$0x4] =	wrdreg $0xC0  }
0xad: {  	_ =	task [dreg:s9], $0x5FFFF  }
0xae: {  	[dreg:$0x1] =	wrdreg $0xFFFFFFFF  }
0xaf: {  	[dreg:$0x0] =	wrdreg $0x60  }
0xb0: {  	[dreg:$0x2] =	wrdreg s2  }
0xb1: {  	[dreg:$0x3] =	wrdreg s18  }
0xb2: {  	[dreg:$0x4] =	wrdreg s24  }
0xb3: {  	[dreg:$0x5] =	wrdreg s4  }
0xb4: {  	[dreg:$0x6] =	wrdreg $0x9  }
0xb5: {  	_ =	task.clear_ibuf [dreg:s9], $0x7FFFF;
	_ =	strace $0x90000049  }
0xb6: {  	s29 =	simm.s32 $0x9;
	_ =	strace $0x8000004B  }
0xb7: {  	_ =	swait.ge [sflag:s29], $0x1  }
0xb8: {  	[sflag:s29] =	ssyncadd.s32 $0xFFFFFFFF  }
0xb9: {  	_ =	strace $0x9000004B  }
0xba: {  	_ =	sfence  }
0xbb: {  	s30 =	sld [smem:$0x0];
	_ =	sdelay $0x2  }
0xbc: {  	s31 =	sshll.u32 s1, $0xD;
	s1 =	sshrl.u32 s1, $0x2  }
0xbd: {  	s3 =	sand.u32 $0x4000, s31;
	s1 =	sadd.s32 s1, s30  }
0xbe: {  	s0 =	sor.u32 s3, s0;
	s1 =	sshll.u32 s1, $0x11  }
0xbf: {  	s0 =	sor.u32 s1, s0  }
0xc0: {  	s0 =	sadd.s32 $0x8F2B, s0  }
0xc1: {  	[sflag:s0] =	ssyncadd.remote.s32 $0x1  }
0xc2: {  	_ =	sfence.sel $0xFFFF  }
0xc3: {  	[dreg:$0x0] =	wrdreg $0xFFFFFFFF;
	(pc) =	sbr.abs _section_cstart, $3  }
0xc4: {  	[dreg:$0x1] =	wrdreg $0xFFFFFFFF  }
0xc5: {  	_ =	task.clear_ibuf [dreg:s9], $0x2FFFF;
	_ =	strace $0x9FFFFFFF  }
0xc6: {  	(tm) =	ssettm $0x7FFFFFFF  }
0xc7: {  	_ =	shalt  }
tec
execute0_lowered:
.L_overlay_start_1:
0x0: {  	(tag) =	ssettag $0x1  }
0x1: {  	s0 =	rddreg [dreg:$0x0]  }
0x2: {  	s2 =	rddreg [dreg:$0x1]  }
0x3: {  	s7 =	rddreg [dreg:$0x2]  }
0x4: {  	s8 =	rddreg [dreg:$0x3]  }
0x5: {  	s1 =	simm.s32 $0x0;
	s5 =	srdreg.scid;
	s6 =	stileid.u32  }
0x6: {  	s12 =	simm.s32 $0x5;
	s13 =	simm.s32 $0x500;
	s14 =	simm.s32 $0x4500  }
0x7: {  	s15 =	simm.s32 $0x80;
	s16 =	simm.s32 $0x400;
	s17 =	simm.s32 $0x8500  }
0x8: {  	s18 =	simm.s32 $0x480;
	s19 =	simm.s32 $0xC500;
	s20 =	simm.s32 $0x1  }
0x9: {  	s21 =	simm.s32 $0x2;
	s22 =	simm.s32 $0x3;
	s23 =	simm.s32 $0x4  }
0xa: {  	s25 =	simm.s32 $0x0;
	[smem:$0x7FF] =	sst s1;
	s5 =	sand.u32 $0x1, s5  }
0xb: {  	s3 =	sadd.s32 $0x800, s7;
	s6 =	sshll.u32 s6, $0xA;
	s10 =	sshll.u32 s5, $0x9  }
0xc: {  	s4 =	sadd.s32 $0x40A00, s7;
	_ =	strace $0x8000004A;
	s6 =	sor.u32 s10, s6  }
0xd: {  	s9 =	ssub.s32 $0x2, s5;
	s5 =	sadd.s32 $0x9F600, s7;
	s10 =	sshrl.u32 s6, $0x3  }
0xe: {  	s7 =	sadd.s32 $0x80C00, s7;
	s11 =	sshrl.u32 s9, $0x1;
	s0 =	sadd.s32 s0, s10  }
0xf: {  	v0 =	vlaneseq.u32;
	s9 =	ssub.s32 s9, s11;
	s31 =	sadd.s32 s2, s10;
	[dreg:$0x5] =	wrdreg s0  }
0x10: {  	vm0 =	vcmask $0x3F3C;
	v0 =	vmul.u32 $0x80, v0;
	s10 =	sadd.s32 s8, s10;
	s11 =	smax.u32 s9, $0x1;
	[dreg:$0x6] =	wrdreg s31  }
.LBB2_1:
0x11: {  	s0 =	rddreg [dreg:$0x5]  }
0x12: {  	[tilespmem:s1], [sflag:$0x5] =	stream.linear.gather [hbm4b:s0+s1], $0x200, $0x38;
	[tilespmem:$0x10800] =	vst v63  }
0x13: {  	_ =	swait.ge [sflag:s12], $0x200  }
0x14: {  	[sflag:s12] =	ssyncset.done $0x0  }
0x15: {  	s8 =	simm.s32 $0x200;
	s31 =	rddreg [dreg:$0x6];
	[sflag:s12] =	ssyncadd.s32 $0xFFFFFE00  }
0x16: {  	[tilespmem:s8], [sflag:$0x5] =	stream.linear.gather [hbm4b:s31+s1], $0x200, $0x38;
	[tilespmem:$0x10800] =	vst v63  }
0x17: {  	_ =	swait.ge [sflag:s12], $0x200  }
0x18: {  	s29 =	simm.s32 $0x0;
	[sflag:s12] =	ssyncset.done $0x0  }
0x19: {  	s30 =	simm.s32 $0x0;
	s0 =	simm.s32 $0x10600;
	[sflag:s12] =	ssyncadd.s32 $0xFFFFFE00  }
.LBB2_2:
0x1a: {  	s2 =	sshll.u32 s30, $0x7  }
0x1b: {  	v1 =	vld [tilespmem:s2+$0x0];
	_ =	sdelay $0x4  }
0x1c: {  	v1 =	vshra.s32 v1, $0x7  }
0x1d: {  	[tilespmem:$0x400] =	vst v1  }
0x1e: {  	v1 =	vld [tilespmem:s2+$0x200];
	_ =	sdelay $0x4  }
0x1f: {  	v1 =	vshra.s32 v1, $0x7  }
0x20: {  	[tilespmem:$0x480] =	vst v1  }
0x21: {  	v1 =	vld [tilespmem:s2+$0x10];
	_ =	sdelay $0x4  }
0x22: {  	v1 =	vshra.s32 v1, $0x7  }
0x23: {  	[tilespmem:$0x410] =	vst v1  }
0x24: {  	v1 =	vld [tilespmem:s2+$0x210];
	_ =	sdelay $0x4  }
0x25: {  	v1 =	vshra.s32 v1, $0x7  }
0x26: {  	[tilespmem:$0x490] =	vst v1  }
0x27: {  	v1 =	vld [tilespmem:s2+$0x20];
	_ =	sdelay $0x4  }
0x28: {  	v1 =	vshra.s32 v1, $0x7  }
0x29: {  	[tilespmem:$0x420] =	vst v1  }
0x2a: {  	v1 =	vld [tilespmem:s2+$0x220];
	_ =	sdelay $0x4  }
0x2b: {  	v1 =	vshra.s32 v1, $0x7  }
0x2c: {  	[tilespmem:$0x4A0] =	vst v1  }
0x2d: {  	v1 =	vld [tilespmem:s2+$0x30];
	_ =	sdelay $0x4  }
0x2e: {  	v1 =	vshra.s32 v1, $0x7  }
0x2f: {  	[tilespmem:$0x430] =	vst v1  }
0x30: {  	v1 =	vld [tilespmem:s2+$0x230];
	_ =	sdelay $0x4  }
0x31: {  	v1 =	vshra.s32 v1, $0x7  }
0x32: {  	[tilespmem:$0x4B0] =	vst v1  }
0x33: {  	v1 =	vld [tilespmem:s2+$0x40];
	_ =	sdelay $0x4  }
0x34: {  	v1 =	vshra.s32 v1, $0x7  }
0x35: {  	[tilespmem:$0x440] =	vst v1  }
0x36: {  	v1 =	vld [tilespmem:s2+$0x240];
	_ =	sdelay $0x4  }
0x37: {  	v1 =	vshra.s32 v1, $0x7  }
0x38: {  	[tilespmem:$0x4C0] =	vst v1  }
0x39: {  	v1 =	vld [tilespmem:s2+$0x50];
	_ =	sdelay $0x4  }
0x3a: {  	v1 =	vshra.s32 v1, $0x7  }
0x3b: {  	[tilespmem:$0x450] =	vst v1  }
0x3c: {  	v1 =	vld [tilespmem:s2+$0x250];
	_ =	sdelay $0x4  }
0x3d: {  	v1 =	vshra.s32 v1, $0x7  }
0x3e: {  	[tilespmem:$0x4D0] =	vst v1  }
0x3f: {  	v1 =	vld [tilespmem:s2+$0x60];
	_ =	sdelay $0x4  }
0x40: {  	v1 =	vshra.s32 v1, $0x7  }
0x41: {  	[tilespmem:$0x460] =	vst v1  }
0x42: {  	v1 =	vld [tilespmem:s2+$0x260];
	_ =	sdelay $0x4  }
0x43: {  	v1 =	vshra.s32 v1, $0x7  }
0x44: {  	[tilespmem:$0x4E0] =	vst v1  }
0x45: {  	v1 =	vld [tilespmem:s2+$0x70];
	_ =	sdelay $0x4  }
0x46: {  	v1 =	vshra.s32 v1, $0x7  }
0x47: {  	[tilespmem:$0x470] =	vst v1  }
0x48: {  	v1 =	vld [tilespmem:s2+$0x270];
	_ =	sdelay $0x3  }
0x49: {  	s2 =	sor.u32 s6, s2  }
0x4a: {  	s2 =	sshll.u32 s2, $0x4;
	v1 =	vshra.s32 v1, $0x7  }
0x4b: {  	s24 =	simm.s32 $0x0;
	s9 =	sadd.s32 s3, s2;
	[tilespmem:$0x4F0] =	vst v1  }
0x4c: {  	[tilespmem:s13], [sflag:$0x1] =	stream.linear.gather [hbm4b:s9+s24], $0x4000, $0x38;
	[tilespmem:$0x10800] =	vst v63  }
0x4d: {  	s2 =	sadd.s32 s4, s2  }
0x4e: {  	[tilespmem:s14], [sflag:$0x2] =	stream.linear.gather [hbm4b:s2+s24], $0x4000, $0x38;
	[tilespmem:$0x10800] =	vst v63  }
0x4f: {  	_ = 	snop  }
0x50: {  	[tilespmem:s17], [sflag:$0x3] =	stream.indirect.gather [hbm4b:s5+s15], $0x80, s16, s15, $0xb8;
	[tilespmem:$0x10800] =	vst v63  }
0x51: {  	_ = 	snop  }
0x52: {  	[tilespmem:s19], [sflag:$0x4] =	stream.indirect.gather [hbm4b:s7+s15], $0x80, s18, s15, $0xb8;
	[tilespmem:$0x10800] =	vst v63  }
0x53: {  	_ =	swait.ge [sflag:s20], $0x4000  }
0x54: {  	[sflag:s20] =	ssyncset.done $0x0  }
0x55: {  	[sflag:s20] =	ssyncadd.s32 $0xFFFFC000  }
0x56: {  	_ =	swait.ge [sflag:s21], $0x4000  }
0x57: {  	[sflag:s21] =	ssyncset.done $0x0  }
0x58: {  	s26 =	simm.s32 $0x0;
	[sflag:s21] =	ssyncadd.s32 $0xFFFFC000  }
0x59: {  	v1 =	vld [tilespmem:s26+$0x4500]  }
0x5a: {  	v2 =	vld [tilespmem:s26+$0x500]  }
0x5b: {  	v3 =	vld [tilespmem:s26+$0x510]  }
0x5c: {  	v4 =	vld [tilespmem:s26+$0x4510]  }
0x5d: {  	v5 =	vld [tilespmem:s26+$0x520]  }
0x5e: {  	v6 =	vld [tilespmem:s26+$0x4520]  }
0x5f: {  	v7 =	vld [tilespmem:s26+$0x530]  }
0x60: {  	v8 =	vld [tilespmem:s26+$0x4530];
	_ =	sdelay $0x3  }
0x61: {  	v1 =	vmul.f32 v1, v2;
	v2 =	vmul.f32 v4, v3  }
0x62: {  	v3 =	vmul.f32 v6, v5;
	v4 =	vmul.f32 v8, v7;
	_ =	sdelay $0x1  }
0x63: {  	v1 =	vadd.f32 v2, v1;
	v2 =	vadd.f32 v4, v3;
	_ =	sdelay $0x1  }
0x64: {  	v1 =	vadd.f32 v2, v1;
	_ =	sdelay $0x1  }
0x65: {  	(xrf2) =	vadd.scan.msk.f32 $0xffff, v1;
	_ =	sdelay $0x9  }
0x66: {  	s31 =	simm.s32 $0x10500;
	v1, _, _ =	vpop (xrf2)  }
0x67: {  	s2 =	simm.s32 $0x80;
	[tilespmem:s31+$0x0] =	vst.msk vm0, v1  }
0x68: {  	v1 =	vld [tilespmem:s2+$0x4500]  }
0x69: {  	v2 =	vld [tilespmem:s2+$0x500]  }
0x6a: {  	v3 =	vld [tilespmem:s2+$0x510]  }
0x6b: {  	v4 =	vld [tilespmem:s2+$0x4510]  }
0x6c: {  	v5 =	vld [tilespmem:s2+$0x520]  }
0x6d: {  	v6 =	vld [tilespmem:s2+$0x4520]  }
0x6e: {  	s28 =	simm.s32 $0x400;
	v7 =	vld [tilespmem:s2+$0x530]  }
.LBB2_3:
0x6f: {  	p0 =	sne.s32 s28, $0xFE00;
	v8 =	vld [tilespmem:s2+$0x4530];
	_ =	sdelay $0x3  }
0x70: {  	v1 =	vmul.f32 v1, v2;
	v2 =	vmul.f32 v4, v3  }
0x71: {  	v3 =	vmul.f32 v6, v5;
	v4 =	vmul.f32 v8, v7;
	_ =	sdelay $0x1  }
0x72: {  	v1 =	vadd.f32 v2, v1;
	v2 =	vadd.f32 v4, v3;
	_ =	sdelay $0x1  }
0x73: {  	v1 =	vadd.f32 v2, v1;
	_ =	sdelay $0x1  }
0x74: {  	(xrf2) =	vadd.scan.msk.f32 $0xffff, v1;
	_ =	sdelay $0x9  }
0x75: {  	s31 =	sadd.s32 $0x1, s31;
	v1, _, _ =	vpop (xrf2)  }
0x76: {  	s2 =	sshra.s32 s28, $0x2;
	[tilespmem:s31+$0x0] =	vst.msk vm0, v1  }
0x77: {  	v1 =	vld [tilespmem:s2+$0x4500]  }
0x78: {  	v2 =	vld [tilespmem:s2+$0x500]  }
.Ltmp0:
0x79: {  	v3 =	vld [tilespmem:s2+$0x510];
	(pc) =	sbr.rel @p0 .LBB2_3-.Ltmp0, $4  }
0x7a: {  	v4 =	vld [tilespmem:s2+$0x4510]  }
0x7b: {  	v5 =	vld [tilespmem:s2+$0x520]  }
0x7c: {  	v6 =	vld [tilespmem:s2+$0x4520]  }
0x7d: {  	s28 =	sadd.s32 $0x200, s28;
	v7 =	vld [tilespmem:s2+$0x530]  }
0x7e: {  	v8 =	vld [tilespmem:s2+$0x4530];
	_ =	sdelay $0x3  }
0x7f: {  	v1 =	vmul.f32 v1, v2;
	v2 =	vmul.f32 v4, v3  }
0x80: {  	v3 =	vmul.f32 v6, v5;
	v63 =	vmul.f32 v8, v7;
	_ =	sdelay $0x1  }
0x81: {  	v1 =	vadd.f32 v2, v1;
	v2 =	vadd.f32 v63, v3;
	_ =	sdelay $0x1  }
0x82: {  	v1 =	vadd.f32 v2, v1;
	_ =	sdelay $0x1  }
0x83: {  	(xrf2) =	vadd.scan.msk.f32 $0xffff, v1;
	_ =	sdelay $0x9  }
0x84: {  	s24 =	sadd.s32 $0x1, s31;
	v1, _, _ =	vpop (xrf2)  }
0x85: {  	[tilespmem:s24+$0x0] =	vst.msk vm0, v1  }
0x86: {  	_ =	swait.ge [sflag:s22], $0x4000  }
0x87: {  	[sflag:s22] =	ssyncset.done $0x0  }
0x88: {  	[sflag:s22] =	ssyncadd.s32 $0xFFFFC000  }
0x89: {  	_ =	swait.ge [sflag:s23], $0x4000  }
0x8a: {  	[sflag:s23] =	ssyncset.done $0x0  }
0x8b: {  	[sflag:s23] =	ssyncadd.s32 $0xFFFFC000  }
0x8c: {  	v1 =	vld [tilespmem:s29+$0x0];
	_ =	sdelay $0x1  }
0x8d: {  	s26 =	simm.s32 $0x0;
	v2 =	vld [tilespmem:s8+$0x0]  }
0x8e: {  	v3 =	vmov s26  }
0x8f: {  	v3 =	vshll.u32 v3, $0x7  }
0x90: {  	v3 =	vor.u32 v0, v3;
	v1 =	vand.u32 $0x7F, v1  }
0x91: {  	v1 =	vor.u32 v3, v1  }
0x92: {  	v2 =	vand.u32 $0x7F, v2  }
0x93: {  	v2 =	vor.u32 v3, v2  }
0x94: {  	s31 =	simm.s32 $0x10500  }
0x95: {  	v3 =	vld [tilespmem:s31+$0x0]  }
0x96: {  	v1 =	vld.idx.msk [tilespmem:v1+s17+$0x0], $0xffff;
	_ =	sdelay $0x1  }
0x97: {  	v2 =	vld.idx.msk [tilespmem:v2+s19+$0x0], $0xffff;
	_ =	sdelay $0x2  }
0x98: {  	v1 =	vadd.f32 v3, v1;
	_ =	sdelay $0x1  }
0x99: {  	v1 =	vadd.f32 v1, v2;
	_ =	sdelay $0x1  }
0x9a: {  	s2 =	simm.s32 $0x10;
	s24 =	sadd.s32 $0x10, s29;
	[tilespmem:s0+$0x0] =	vst v1  }
0x9b: {  	s9 =	simm.s32 $0x20;
	s28 =	smov.u32 s0;
	s26 =	smov.u32 s8;
	v1 =	vld [tilespmem:s24+$0x0]  }
.LBB2_5:
0x9c: {  	p0 =	sne.s32 s9, $0x70;
	s26 =	sadd.s32 $0x10, s26  }
0x9d: {  	v2 =	vld [tilespmem:s26+$0x0]  }
0x9e: {  	v3 =	vmov s2;
	s2 =	smov.u32 s9  }
0x9f: {  	v3 =	vshll.u32 v3, $0x7  }
0xa0: {  	v3 =	vor.u32 v0, v3;
	v1 =	vand.u32 $0x7F, v1  }
0xa1: {  	v1 =	vor.u32 v3, v1  }
0xa2: {  	v2 =	vand.u32 $0x7F, v2  }
0xa3: {  	v2 =	vor.u32 v3, v2;
	_ =	sdelay $0x2  }
0xa4: {  	s31 =	sadd.s32 $0x10, s31;
	v1 =	vld.idx.msk [tilespmem:v1+s17+$0x0], $0xffff  }
0xa5: {  	v3 =	vld [tilespmem:s31+$0x0]  }
0xa6: {  	v2 =	vld.idx.msk [tilespmem:v2+s19+$0x0], $0xffff;
	_ =	sdelay $0x3  }
0xa7: {  	v1 =	vadd.f32 v3, v1  }
.Ltmp1:
0xa8: {  	(pc) =	sbr.rel @p0 .LBB2_5-.Ltmp1, $4  }
0xa9: {  	v1 =	vadd.f32 v1, v2  }
0xaa: {  	s28 =	sadd.s32 $0x10, s28  }
0xab: {  	s24 =	sadd.s32 $0x10, s24;
	[tilespmem:s28+$0x0] =	vst v1  }
0xac: {  	s9 =	sadd.s32 $0x10, s9;
	v1 =	vld [tilespmem:s24+$0x0]  }
0xad: {  	s9 =	sadd.s32 $0x10, s26  }
0xae: {  	v2 =	vld [tilespmem:s9+$0x0]  }
0xaf: {  	v3 =	vmov s2  }
0xb0: {  	v3 =	vshll.u32 v3, $0x7  }
0xb1: {  	v3 =	vor.u32 v0, v3;
	v1 =	vand.u32 $0x7F, v1  }
0xb2: {  	v1 =	vor.u32 v3, v1  }
0xb3: {  	v2 =	vand.u32 $0x7F, v2  }
0xb4: {  	v2 =	vor.u32 v3, v2  }
0xb5: {  	s26 =	sadd.s32 $0x10, s31  }
0xb6: {  	v3 =	vld [tilespmem:s26+$0x0]  }
0xb7: {  	v1 =	vld.idx.msk [tilespmem:v1+s17+$0x0], $0xffff;
	_ =	sdelay $0x1  }
0xb8: {  	v2 =	vld.idx.msk [tilespmem:v2+s19+$0x0], $0xffff  }
0xb9: {  	s30 =	sadd.s32 $0x1, s30  }
0xba: {  	p0 =	sne.s32 s30, $0x4  }
.Ltmp2:
0xbb: {  	v1 =	vadd.f32 v3, v1;
	(pc) =	sbr.rel @p0 .LBB2_2-.Ltmp2, $4  }
0xbc: {  	_ = 	snop  }
0xbd: {  	v1 =	vadd.f32 v1, v2  }
0xbe: {  	s31 =	sadd.s32 $0x10, s28  }
0xbf: {  	s29 =	sadd.s32 $0x80, s29;
	s8 =	sadd.s32 $0x80, s8;
	s0 =	sadd.s32 $0x80, s0;
	[tilespmem:s31+$0x0] =	vst v1  }
0xc0: {  	s25 =	sadd.s32 $0x1, s25  }
0xc1: {  	p0 =	sne.s32 s25, s11  }
.Ltmp3:
0xc2: {  	s0 =	simm.s32 $0x10600;
	(pc) =	sbr.rel @p0 .LBB2_1-.Ltmp3, $4  }
0xc3: {  	[hbm4b:s10+s1] =	stream.linear.scatter [tilespmem:s0], [sflag:$0x5], $0x200, $0x38;
	[tilespmem:$0x10800] =	vst v63  }
0xc4: {  	_ =	swait.ge [sflag:s12], $0x200  }
0xc5: {  	[sflag:s12] =	ssyncset.done $0x0  }
0xc6: {  	[sflag:s12] =	ssyncadd.s32 $0xFFFFFE00  }
0xc7: {  	_ =	sfence.sel $0x180000  }
0xc8: {  	[bflag:$0x0] =	sbarrier.arrive $0xFFFF  }
0xc9: {  	_ =	strace $0x9000004A  }
0xca: {  	s0 =	stileid.u32;
	[bflag:$0x2] =	sbarrier.arrive $0xFFFF  }
0xcb: {  	p0 =	sne.s32 s0, $0x0;
	s0 =	rddreg [dreg:$0x4]  }
0xcc: {  	s0 =	sadd.s32 @!p0 $0x100000, s0  }
0xcd: {  	[sflag:s0] =	ssyncadd.tile.s32 @!p0 $0x1;
	_ =	shalt  }
.Lfunc_end2:
_tile_overlayer_lowered:
.L_overlay_start_2:
0xce: {  	(tag) =	ssettag $0x2  }
0xcf: {  	s0 =	rddreg [dreg:$0x0];
	s2 =	stileid.u32  }
0xd0: {  	s1 =	rddreg [dreg:$0x1];
	p0 =	sne.s32 s2, $0x0  }
0xd1: {  	s3 =	rddreg [dreg:$0x2];
	[bflag:$0x3] =	sbarrier.arrive $0xFFFF;
	s2 =	simm.s32 @!p0 $0x1C05  }
0xd2: {  	[timem:s3], [sflag:s2] =	dma.local @!p0 [hbm:s0], s1  }
0xd3: {  	s0 =	simm.s32 @!p0 $0x5  }
0xd4: {  	_ =	swait.ge @!p0 [sflag:s0], s1  }
0xd5: {  	s1 =	ssub.s32 @!p0 $0x0, s1;
	[sflag:s0] =	ssyncset.done @!p0 $0x0  }
0xd6: {  	[sflag:s0] =	ssyncadd.s32 @!p0 s1  }
0xd7: {  	[bflag:$0x3] =	sbarrier.arrive $0xFFFF  }
0xd8: {  	_ =	shalt  }

</sc_bundles>
